<compile_context>
chip_gen: v7x
topology: tpu7x:2x2x1
jax: 0.10.2.dev20260603
libtpu: 0.0.44.dev20260713+nightly
codegen_flags: <defaults>
</compile_context>

<pallas_src>
import functools

import jax
import jax.numpy as jnp
from jax import lax
from jax.experimental import pallas as pl
from jax.experimental.pallas import tpu as pltpu
from jax.experimental.pallas import tpu_sc as plsc

_ROWS = 2
_NBUF = 4


@functools.cache
def _make_lookup(batch, seq, V, D):
    info = plsc.get_sparse_core_info()
    nc, ns = info.num_cores, info.num_subcores
    nw = nc * ns
    rows_per_w = batch // nw
    n_super = rows_per_w // (_ROWS * _NBUF)
    n_half = n_super // 2
    assert rows_per_w == n_half * 2 * _ROWS * _NBUF
    mesh = plsc.VectorSubcoreMesh(core_axis_name="c", subcore_axis_name="s")

    @functools.partial(
        pl.kernel,
        out_type=jax.ShapeDtypeStruct((batch, seq, 128), jnp.float32),
        mesh=mesh,
        scratch_types=[
            pltpu.VMEM((2, _NBUF, _ROWS, seq), jnp.int32),
            pltpu.VMEM((_NBUF, _ROWS, seq, D), jnp.float32),
            pltpu.SemaphoreType.DMA((2, _NBUF)),
            pltpu.SemaphoreType.DMA((_NBUF,)),
            pltpu.SemaphoreType.DMA((_NBUF,)),
        ],
        compiler_params=pltpu.CompilerParams(use_tc_tiling_on_sc=False),
    )
    def lookup(ids_hbm, table_hbm, out_hbm, idx_v, rows_v, isem, gsem, wsem):
        wid = lax.axis_index("s") * nc + lax.axis_index("c")
        base = wid * rows_per_w

        def chunk_row(i, b):
            return base + (i * _NBUF + b) * _ROWS

        def prefetch_ids(i, p):
            for b in range(_NBUF):
                pltpu.async_copy(
                    ids_hbm.at[pl.ds(chunk_row(i, b), _ROWS)],
                    idx_v.at[p, b],
                    isem.at[p, b],
                )

        prefetch_ids(0, 0)

        def super_pair(j, carry):
            for p in range(2):
                i = 2 * j + p
                for b in range(_NBUF):
                    row = chunk_row(i, b)

                    @pl.when(i > 0)
                    def _drain(b=b, row=row):
                        pltpu.make_async_copy(
                            rows_v.at[b],
                            out_hbm.at[pl.ds(row, _ROWS), :, pl.ds(0, D)],
                            wsem.at[b],
                        ).wait()

                    pltpu.make_async_copy(
                        ids_hbm.at[pl.ds(row, _ROWS)], idx_v.at[p, b], isem.at[p, b]
                    ).wait()
                    for r in range(_ROWS):
                        pltpu.async_copy(
                            table_hbm.at[idx_v.at[p, b, r]], rows_v.at[b, r], gsem.at[b]
                        )
                if p == 0:
                    prefetch_ids(i + 1, 1)
                else:

                    @pl.when(j < n_half - 1)
                    def _next_ids(i=i):
                        prefetch_ids(i + 1, 0)

                for b in range(_NBUF):
                    row = chunk_row(i, b)
                    pltpu.make_async_copy(
                        table_hbm.at[idx_v.at[p, b, 0]], rows_v.at[b], gsem.at[b]
                    ).wait()
                    pltpu.async_copy(
                        rows_v.at[b],
                        out_hbm.at[pl.ds(row, _ROWS), :, pl.ds(0, D)],
                        wsem.at[b],
                    )
            return carry

        lax.fori_loop(0, n_half, super_pair, 0)
        for b in range(_NBUF):
            pltpu.make_async_copy(
                rows_v.at[b],
                out_hbm.at[pl.ds(base, _ROWS), :, pl.ds(0, D)],
                wsem.at[b],
            ).wait()

    return lookup


def kernel(token_ids, weights):
    batch, seq = token_ids.shape
    vocab, d = weights.shape
    ids = token_ids.astype(jnp.int32)
    out_pad = _make_lookup(batch, seq, vocab, d)(ids, weights)
    return out_pad[:, :, :d]

# --- scband reference (transcript-rebuilt; emitter-appended) ---
"""Pipeline reference for scband-embedding-19851338842506 (READ-ONLY COPY).

The authoritative reference and input builder live on the scoring server;
editing this copy changes nothing except your own understanding.
"""

import jax, jax.numpy as jnp
import numpy as np

VOCAB = 1000000
D_MODEL = 64
BATCH = 16384
SEQ = 200

def setup_inputs(seed: int = 0) -> dict:
    key = jax.random.key(seed)
    k_ids, k_w = jax.random.split(key)
    token_ids = jax.random.randint(k_ids, (BATCH, SEQ), 0, VOCAB, dtype=jnp.int64 if jax.config.jax_enable_x64 else jnp.int32)
    weights = jax.random.normal(k_w, (VOCAB, D_MODEL), dtype=jnp.float32)
    return {"token_ids": token_ids, "weights": weights}

def reference(token_ids, weights):
    # Faithful translation of Embedding.forward: self.embeddings[token_ids]
    return jnp.take(weights, token_ids, axis=0)

if __name__ == "__main__":
    import jax
    _d = setup_inputs()
    print(jax.jit(kernel)(*tuple(_d.values())))

</pallas_src>

<mosaic_0001>
#map = affine_map<(d0, d1) -> (0, 0)>
#map1 = affine_map<(d0, d1) -> (0, 0, 0)>
module attributes {stable_mosaic.version = 14 : i64} {
  func.func @lookup(%arg0: i32, %arg1: i32, %arg2: memref<16384x200xi32, #tpu.memory_space<hbm>>, %arg3: memref<1000000x64xf32, #tpu.memory_space<hbm>>, %arg4: memref<16384x200x128xf32, #tpu.memory_space<hbm>>, %arg5: memref<2x4x2x200xi32, #tpu.memory_space<vmem>>, %arg6: memref<4x2x200x64xf32, #tpu.memory_space<vmem>>, %arg7: memref<2x4x!tpu.dma_semaphore, #tpu.memory_space<semaphore_mem>>, %arg8: memref<4x!tpu.dma_semaphore, #tpu.memory_space<semaphore_mem>>, %arg9: memref<4x!tpu.dma_semaphore, #tpu.memory_space<semaphore_mem>>) attributes {dimension_semantics = [#tpu.dimension_semantics<core_parallel>, #tpu.dimension_semantics<subcore_parallel>], iteration_bounds = array<i64: 2, 16>, scalar_prefetch = 0 : i64, scratch_operands = 5 : i64, tpu.core_type = #tpu.core_type<sc_vector_subcore>, window_params = [{transform_indices = #map}, {transform_indices = #map}, {transform_indices = #map1}]} {
    %mul3A = arith.constant 2 : i32
    %mul3A_0 = arith.muli %arg1, %mul3A : i32
    %add3A = arith.addi %mul3A_0, %arg0 : i32
    %mul3A_1 = arith.constant 512 : i32
    %mul3A_2 = arith.muli %add3A, %mul3A_1 : i32
    %add3A_3 = arith.constant 0 : i32
    %add3A_4 = arith.addi %mul3A_2, %add3A_3 : i32
    %dma_start3A = arith.constant 0 : i32
    %dma_start3A_5 = arith.constant 0 : i32
    %dma_start3A_6 = arith.constant 0 : i32
    %dma_start3A_7 = arith.constant 0 : i32
    %dma_start3A_8 = arith.constant 0 : i32
    %dma_start3A_9 = arith.constant 0 : i32
    %dma_start3A_10 = tpu.memref_slice %arg5[%dma_start3A, %dma_start3A_5, %dma_start3A_8, %dma_start3A_9] : memref<2x4x2x200xi32, #tpu.memory_space<vmem>> -> memref<1x1x2x200xi32, #tpu.memory_space<vmem>>
    %dma_start3A_11 = tpu.memref_squeeze %dma_start3A_10 : memref<1x1x2x200xi32, #tpu.memory_space<vmem>> -> memref<2x200xi32, #tpu.memory_space<vmem>>
    %dma_start3A_12 = arith.constant 0 : i32
    %dma_start3A_13 = tpu.memref_slice %arg2[%add3A_4, %dma_start3A_12] : memref<16384x200xi32, #tpu.memory_space<hbm>> -> memref<2x200xi32, #tpu.memory_space<hbm>>
    %dma_start3A_14 = tpu.memref_slice %arg7[%dma_start3A_6, %dma_start3A_7] : memref<2x4x!tpu.dma_semaphore, #tpu.memory_space<semaphore_mem>> -> memref<1x1x!tpu.dma_semaphore, #tpu.memory_space<semaphore_mem>>
    %dma_start3A_15 = tpu.memref_squeeze %dma_start3A_14 : memref<1x1x!tpu.dma_semaphore, #tpu.memory_space<semaphore_mem>> -> memref<!tpu.dma_semaphore, #tpu.memory_space<semaphore_mem>>
    %dma_start3A_16 = arith.constant 0 : i32
    %dma_start3A_17 = arith.constant 0 : i32
    %dma_start3A_18 = tpu.memref_slice %arg5[%dma_start3A, %dma_start3A_5, %dma_start3A_16, %dma_start3A_17] : memref<2x4x2x200xi32, #tpu.memory_space<vmem>> -> memref<1x1x2x200xi32, #tpu.memory_space<vmem>>
    %dma_start3A_19 = tpu.memref_squeeze %dma_start3A_18 : memref<1x1x2x200xi32, #tpu.memory_space<vmem>> -> memref<2x200xi32, #tpu.memory_space<vmem>>
    %dma_start3A_20 = arith.constant 0 : i32
    %dma_start3A_21 = tpu.memref_slice %arg2[%add3A_4, %dma_start3A_20] : memref<16384x200xi32, #tpu.memory_space<hbm>> -> memref<2x200xi32, #tpu.memory_space<hbm>>
    tpu.enqueue_dma source(%dma_start3A_21 : memref<2x200xi32, #tpu.memory_space<hbm>>) target(%dma_start3A_19 : memref<2x200xi32, #tpu.memory_space<vmem>>) target_semaphore(%dma_start3A_15 : memref<!tpu.dma_semaphore, #tpu.memory_space<semaphore_mem>>)
    %add3A_22 = arith.constant 2 : i32
    %add3A_23 = arith.addi %mul3A_2, %add3A_22 : i32
    %dma_start3A_24 = arith.constant 0 : i32
    %dma_start3A_25 = arith.constant 1 : i32
    %dma_start3A_26 = arith.constant 0 : i32
    %dma_start3A_27 = arith.constant 1 : i32
    %dma_start3A_28 = arith.constant 0 : i32
    %dma_start3A_29 = arith.constant 0 : i32
    %dma_start3A_30 = tpu.memref_slice %arg5[%dma_start3A_24, %dma_start3A_25, %dma_start3A_28, %dma_start3A_29] : memref<2x4x2x200xi32, #tpu.memory_space<vmem>> -> memref<1x1x2x200xi32, #tpu.memory_space<vmem>>
    %dma_start3A_31 = tpu.memref_squeeze %dma_start3A_30 : memref<1x1x2x200xi32, #tpu.memory_space<vmem>> -> memref<2x200xi32, #tpu.memory_space<vmem>>
    %dma_start3A_32 = arith.constant 0 : i32
    %dma_start3A_33 = tpu.memref_slice %arg2[%add3A_23, %dma_start3A_32] : memref<16384x200xi32, #tpu.memory_space<hbm>> -> memref<2x200xi32, #tpu.memory_space<hbm>>
    %dma_start3A_34 = tpu.memref_slice %arg7[%dma_start3A_26, %dma_start3A_27] : memref<2x4x!tpu.dma_semaphore, #tpu.memory_space<semaphore_mem>> -> memref<1x1x!tpu.dma_semaphore, #tpu.memory_space<semaphore_mem>>
    %dma_start3A_35 = tpu.memref_squeeze %dma_start3A_34 : memref<1x1x!tpu.dma_semaphore, #tpu.memory_space<semaphore_mem>> -> memref<!tpu.dma_semaphore, #tpu.memory_space<semaphore_mem>>
    %dma_start3A_36 = arith.constant 0 : i32
    %dma_start3A_37 = arith.constant 0 : i32
    %dma_start3A_38 = tpu.memref_slice %arg5[%dma_start3A_24, %dma_start3A_25, %dma_start3A_36, %dma_start3A_37] : memref<2x4x2x200xi32, #tpu.memory_space<vmem>> -> memref<1x1x2x200xi32, #tpu.memory_space<vmem>>
    %dma_start3A_39 = tpu.memref_squeeze %dma_start3A_38 : memref<1x1x2x200xi32, #tpu.memory_space<vmem>> -> memref<2x200xi32, #tpu.memory_space<vmem>>
    %dma_start3A_40 = arith.constant 0 : i32
    %dma_start3A_41 = tpu.memref_slice %arg2[%add3A_23, %dma_start3A_40] : memref<16384x200xi32, #tpu.memory_space<hbm>> -> memref<2x200xi32, #tpu.memory_space<hbm>>
    tpu.enqueue_dma source(%dma_start3A_41 : memref<2x200xi32, #tpu.memory_space<hbm>>) target(%dma_start3A_39 : memref<2x200xi32, #tpu.memory_space<vmem>>) target_semaphore(%dma_start3A_35 : memref<!tpu.dma_semaphore, #tpu.memory_space<semaphore_mem>>)
    %add3A_42 = arith.constant 4 : i32
    %add3A_43 = arith.addi %mul3A_2, %add3A_42 : i32
    %dma_start3A_44 = arith.constant 0 : i32
    %dma_start3A_45 = arith.constant 2 : i32
    %dma_start3A_46 = arith.constant 0 : i32
    %dma_start3A_47 = arith.constant 2 : i32
    %dma_start3A_48 = arith.constant 0 : i32
    %dma_start3A_49 = arith.constant 0 : i32
    %dma_start3A_50 = tpu.memref_slice %arg5[%dma_start3A_44, %dma_start3A_45, %dma_start3A_48, %dma_start3A_49] : memref<2x4x2x200xi32, #tpu.memory_space<vmem>> -> memref<1x1x2x200xi32, #tpu.memory_space<vmem>>
    %dma_start3A_51 = tpu.memref_squeeze %dma_start3A_50 : memref<1x1x2x200xi32, #tpu.memory_space<vmem>> -> memref<2x200xi32, #tpu.memory_space<vmem>>
    %dma_start3A_52 = arith.constant 0 : i32
    %dma_start3A_53 = tpu.memref_slice %arg2[%add3A_43, %dma_start3A_52] : memref<16384x200xi32, #tpu.memory_space<hbm>> -> memref<2x200xi32, #tpu.memory_space<hbm>>
    %dma_start3A_54 = tpu.memref_slice %arg7[%dma_start3A_46, %dma_start3A_47] : memref<2x4x!tpu.dma_semaphore, #tpu.memory_space<semaphore_mem>> -> memref<1x1x!tpu.dma_semaphore, #tpu.memory_space<semaphore_mem>>
    %dma_start3A_55 = tpu.memref_squeeze %dma_start3A_54 : memref<1x1x!tpu.dma_semaphore, #tpu.memory_space<semaphore_mem>> -> memref<!tpu.dma_semaphore, #tpu.memory_space<semaphore_mem>>
    %dma_start3A_56 = arith.constant 0 : i32
    %dma_start3A_57 = arith.constant 0 : i32
    %dma_start3A_58 = tpu.memref_slice %arg5[%dma_start3A_44, %dma_start3A_45, %dma_start3A_56, %dma_start3A_57] : memref<2x4x2x200xi32, #tpu.memory_space<vmem>> -> memref<1x1x2x200xi32, #tpu.memory_space<vmem>>
    %dma_start3A_59 = tpu.memref_squeeze %dma_start3A_58 : memref<1x1x2x200xi32, #tpu.memory_space<vmem>> -> memref<2x200xi32, #tpu.memory_space<vmem>>
    %dma_start3A_60 = arith.constant 0 : i32
    %dma_start3A_61 = tpu.memref_slice %arg2[%add3A_43, %dma_start3A_60] : memref<16384x200xi32, #tpu.memory_space<hbm>> -> memref<2x200xi32, #tpu.memory_space<hbm>>
    tpu.enqueue_dma source(%dma_start3A_61 : memref<2x200xi32, #tpu.memory_space<hbm>>) target(%dma_start3A_59 : memref<2x200xi32, #tpu.memory_space<vmem>>) target_semaphore(%dma_start3A_55 : memref<!tpu.dma_semaphore, #tpu.memory_space<semaphore_mem>>)
    %add3A_62 = arith.constant 6 : i32
    %add3A_63 = arith.addi %mul3A_2, %add3A_62 : i32
    %dma_start3A_64 = arith.constant 0 : i32
    %dma_start3A_65 = arith.constant 3 : i32
    %dma_start3A_66 = arith.constant 0 : i32
    %dma_start3A_67 = arith.constant 3 : i32
    %dma_start3A_68 = arith.constant 0 : i32
    %dma_start3A_69 = arith.constant 0 : i32
    %dma_start3A_70 = tpu.memref_slice %arg5[%dma_start3A_64, %dma_start3A_65, %dma_start3A_68, %dma_start3A_69] : memref<2x4x2x200xi32, #tpu.memory_space<vmem>> -> memref<1x1x2x200xi32, #tpu.memory_space<vmem>>
    %dma_start3A_71 = tpu.memref_squeeze %dma_start3A_70 : memref<1x1x2x200xi32, #tpu.memory_space<vmem>> -> memref<2x200xi32, #tpu.memory_space<vmem>>
    %dma_start3A_72 = arith.constant 0 : i32
    %dma_start3A_73 = tpu.memref_slice %arg2[%add3A_63, %dma_start3A_72] : memref<16384x200xi32, #tpu.memory_space<hbm>> -> memref<2x200xi32, #tpu.memory_space<hbm>>
    %dma_start3A_74 = tpu.memref_slice %arg7[%dma_start3A_66, %dma_start3A_67] : memref<2x4x!tpu.dma_semaphore, #tpu.memory_space<semaphore_mem>> -> memref<1x1x!tpu.dma_semaphore, #tpu.memory_space<semaphore_mem>>
    %dma_start3A_75 = tpu.memref_squeeze %dma_start3A_74 : memref<1x1x!tpu.dma_semaphore, #tpu.memory_space<semaphore_mem>> -> memref<!tpu.dma_semaphore, #tpu.memory_space<semaphore_mem>>
    %dma_start3A_76 = arith.constant 0 : i32
    %dma_start3A_77 = arith.constant 0 : i32
    %dma_start3A_78 = tpu.memref_slice %arg5[%dma_start3A_64, %dma_start3A_65, %dma_start3A_76, %dma_start3A_77] : memref<2x4x2x200xi32, #tpu.memory_space<vmem>> -> memref<1x1x2x200xi32, #tpu.memory_space<vmem>>
    %dma_start3A_79 = tpu.memref_squeeze %dma_start3A_78 : memref<1x1x2x200xi32, #tpu.memory_space<vmem>> -> memref<2x200xi32, #tpu.memory_space<vmem>>
    %dma_start3A_80 = arith.constant 0 : i32
    %dma_start3A_81 = tpu.memref_slice %arg2[%add3A_63, %dma_start3A_80] : memref<16384x200xi32, #tpu.memory_space<hbm>> -> memref<2x200xi32, #tpu.memory_space<hbm>>
    tpu.enqueue_dma source(%dma_start3A_81 : memref<2x200xi32, #tpu.memory_space<hbm>>) target(%dma_start3A_79 : memref<2x200xi32, #tpu.memory_space<vmem>>) target_semaphore(%dma_start3A_75 : memref<!tpu.dma_semaphore, #tpu.memory_space<semaphore_mem>>)
    %scan3A = arith.constant 0 : i32
    %scan3A_82 = arith.constant 0 : i32
    %scan3A_83 = arith.constant 32 : i32
    %scan3A_84 = arith.addi %scan3A_82, %scan3A_83 : i32
    %scan3A_85 = arith.constant 1 : i32
    scf.for %scan3A_166 = %scan3A_82 to %scan3A_84 step %scan3A_85  : i32 {
      %mul3A_167 = arith.constant 2 : i32
      %mul3A_168 = arith.muli %mul3A_167, %scan3A_166 : i32
      %add3A_169 = arith.constant 0 : i32
      %add3A_170 = arith.addi %mul3A_168, %add3A_169 : i32
      %mul3A_171 = arith.constant 4 : i32
      %mul3A_172 = arith.muli %add3A_170, %mul3A_171 : i32
      %add3A_173 = arith.constant 0 : i32
      %add3A_174 = arith.addi %mul3A_172, %add3A_173 : i32
      %mul3A_175 = arith.constant 2 : i32
      %mul3A_176 = arith.muli %add3A_174, %mul3A_175 : i32
      %add3A_177 = arith.addi %mul3A_2, %mul3A_176 : i32
      %gt3A = arith.constant 0 : i32
      %gt3A_178 = arith.cmpi sgt, %add3A_170, %gt3A : i32
      %convert_element_type3A = arith.extui %gt3A_178 : i1 to i32
      %cond3A = arith.constant 0 : i32
      %cond3A_179 = arith.cmpi ne, %convert_element_type3A, %cond3A : i32
      scf.if %cond3A_179 {
        %dma_wait3A_1166 = arith.constant 0 : i32
        %dma_wait3A_1167 = arith.constant 0 : i32
        %dma_wait3A_1168 = arith.constant 0 : i32
        %dma_wait3A_1169 = arith.constant 0 : i32
        %dma_wait3A_1170 = arith.constant 0 : i32
        %dma_wait3A_1171 = tpu.memref_slice %arg6[%dma_wait3A_1166, %dma_wait3A_1168, %dma_wait3A_1169, %dma_wait3A_1170] : memref<4x2x200x64xf32, #tpu.memory_space<vmem>> -> memref<1x2x200x64xf32, #tpu.memory_space<vmem>>
        %dma_wait3A_1172 = tpu.memref_squeeze %dma_wait3A_1171 : memref<1x2x200x64xf32, #tpu.memory_space<vmem>> -> memref<2x200x64xf32, #tpu.memory_space<vmem>>
        %dma_wait3A_1173 = arith.constant 0 : i32
        %dma_wait3A_1174 = arith.constant 0 : i32
        %dma_wait3A_1175 = tpu.memref_slice %arg4[%add3A_177, %dma_wait3A_1173, %dma_wait3A_1174] : memref<16384x200x128xf32, #tpu.memory_space<hbm>> -> memref<2x200x64xf32, #tpu.memory_space<hbm>>
        %dma_wait3A_1176 = tpu.memref_slice %arg9[%dma_wait3A_1167] : memref<4x!tpu.dma_semaphore, #tpu.memory_space<semaphore_mem>> -> memref<1x!tpu.dma_semaphore, #tpu.memory_space<semaphore_mem>>
        %dma_wait3A_1177 = tpu.memref_squeeze %dma_wait3A_1176 : memref<1x!tpu.dma_semaphore, #tpu.memory_space<semaphore_mem>> -> memref<!tpu.dma_semaphore, #tpu.memory_space<semaphore_mem>>
        %dma_wait3A_1178 = arith.constant 0 : i32
        %dma_wait3A_1179 = arith.constant 0 : i32
        %dma_wait3A_1180 = tpu.memref_slice %arg4[%add3A_177, %dma_wait3A_1178, %dma_wait3A_1179] : memref<16384x200x128xf32, #tpu.memory_space<hbm>> -> memref<2x200x64xf32, #tpu.memory_space<hbm>>
        %dma_wait3A_1181 = arith.constant 0 : i32
        %dma_wait3A_1182 = arith.constant 0 : i32
        %dma_wait3A_1183 = arith.constant 0 : i32
        %dma_wait3A_1184 = tpu.memref_slice %arg6[%dma_wait3A_1166, %dma_wait3A_1181, %dma_wait3A_1182, %dma_wait3A_1183] : memref<4x2x200x64xf32, #tpu.memory_space<vmem>> -> memref<1x2x200x64xf32, #tpu.memory_space<vmem>>
        %dma_wait3A_1185 = tpu.memref_squeeze %dma_wait3A_1184 : memref<1x2x200x64xf32, #tpu.memory_space<vmem>> -> memref<2x200x64xf32, #tpu.memory_space<vmem>>
        tpu.wait_dma2 semaphore(%dma_wait3A_1177 : memref<!tpu.dma_semaphore, #tpu.memory_space<semaphore_mem>>) src(%dma_wait3A_1185 : memref<2x200x64xf32, #tpu.memory_space<vmem>>) dst(%dma_wait3A_1180 : memref<2x200x64xf32, #tpu.memory_space<hbm>>)
      } else {
      }
      %dma_wait3A_180 = arith.constant 0 : i32
      %dma_wait3A_181 = arith.constant 0 : i32
      %dma_wait3A_182 = arith.constant 0 : i32
      %dma_wait3A_183 = arith.constant 0 : i32
      %dma_wait3A_184 = arith.constant 0 : i32
      %dma_wait3A_185 = arith.constant 0 : i32
      %dma_wait3A_186 = tpu.memref_slice %arg5[%dma_wait3A_180, %dma_wait3A_181, %dma_wait3A_184, %dma_wait3A_185] : memref<2x4x2x200xi32, #tpu.memory_space<vmem>> -> memref<1x1x2x200xi32, #tpu.memory_space<vmem>>
      %dma_wait3A_187 = tpu.memref_squeeze %dma_wait3A_186 : memref<1x1x2x200xi32, #tpu.memory_space<vmem>> -> memref<2x200xi32, #tpu.memory_space<vmem>>
      %dma_wait3A_188 = arith.constant 0 : i32
      %dma_wait3A_189 = tpu.memref_slice %arg2[%add3A_177, %dma_wait3A_188] : memref<16384x200xi32, #tpu.memory_space<hbm>> -> memref<2x200xi32, #tpu.memory_space<hbm>>
      %dma_wait3A_190 = tpu.memref_slice %arg7[%dma_wait3A_182, %dma_wait3A_183] : memref<2x4x!tpu.dma_semaphore, #tpu.memory_space<semaphore_mem>> -> memref<1x1x!tpu.dma_semaphore, #tpu.memory_space<semaphore_mem>>
      %dma_wait3A_191 = tpu.memref_squeeze %dma_wait3A_190 : memref<1x1x!tpu.dma_semaphore, #tpu.memory_space<semaphore_mem>> -> memref<!tpu.dma_semaphore, #tpu.memory_space<semaphore_mem>>
      %dma_wait3A_192 = arith.constant 0 : i32
      %dma_wait3A_193 = arith.constant 0 : i32
      %dma_wait3A_194 = tpu.memref_slice %arg5[%dma_wait3A_180, %dma_wait3A_181, %dma_wait3A_192, %dma_wait3A_193] : memref<2x4x2x200xi32, #tpu.memory_space<vmem>> -> memref<1x1x2x200xi32, #tpu.memory_space<vmem>>
      %dma_wait3A_195 = tpu.memref_squeeze %dma_wait3A_194 : memref<1x1x2x200xi32, #tpu.memory_space<vmem>> -> memref<2x200xi32, #tpu.memory_space<vmem>>
      %dma_wait3A_196 = arith.constant 0 : i32
      %dma_wait3A_197 = tpu.memref_slice %arg2[%add3A_177, %dma_wait3A_196] : memref<16384x200xi32, #tpu.memory_space<hbm>> -> memref<2x200xi32, #tpu.memory_space<hbm>>
      tpu.wait_dma2 semaphore(%dma_wait3A_191 : memref<!tpu.dma_semaphore, #tpu.memory_space<semaphore_mem>>) src(%dma_wait3A_197 : memref<2x200xi32, #tpu.memory_space<hbm>>) dst(%dma_wait3A_195 : memref<2x200xi32, #tpu.memory_space<vmem>>)
      %dma_start3A_198 = arith.constant 0 : i32
      %dma_start3A_199 = arith.constant 0 : i32
      %dma_start3A_200 = arith.constant 0 : i32
      %dma_start3A_201 = arith.constant 0 : i32
      %dma_start3A_202 = arith.constant 0 : i32
      %dma_start3A_203 = arith.constant 0 : i32
      %dma_start3A_204 = arith.constant 0 : i32
      %dma_start3A_205 = arith.constant 0 : i32
      %dma_start3A_206 = tpu.memref_slice %arg6[%dma_start3A_201, %dma_start3A_202, %dma_start3A_204, %dma_start3A_205] : memref<4x2x200x64xf32, #tpu.memory_space<vmem>> -> memref<1x1x200x64xf32, #tpu.memory_space<vmem>>
      %dma_start3A_207 = tpu.memref_squeeze %dma_start3A_206 : memref<1x1x200x64xf32, #tpu.memory_space<vmem>> -> memref<200x64xf32, #tpu.memory_space<vmem>>
      %dma_start3A_208 = arith.constant 0 : i32
      %dma_start3A_209 = tpu.memref_slice %arg5[%dma_start3A_198, %dma_start3A_199, %dma_start3A_200, %dma_start3A_208] : memref<2x4x2x200xi32, #tpu.memory_space<vmem>> -> memref<1x1x1x200xi32, #tpu.memory_space<vmem>>
      %dma_start3A_210 = tpu.memref_squeeze %dma_start3A_209 : memref<1x1x1x200xi32, #tpu.memory_space<vmem>> -> memref<200xi32, #tpu.memory_space<vmem>>
      %dma_start3A_211 = arith.constant 0 : i32
      %dma_start3A_212 = arith.constant 0 : i32
      %dma_start3A_213 = tpu.memref_slice %arg3[%dma_start3A_211, %dma_start3A_212] : memref<1000000x64xf32, #tpu.memory_space<hbm>> -> memref<1000000x64xf32, #tpu.memory_space<hbm>>
      %dma_start3A_214 = tpu.memref_slice %arg8[%dma_start3A_203] : memref<4x!tpu.dma_semaphore, #tpu.memory_space<semaphore_mem>> -> memref<1x!tpu.dma_semaphore, #tpu.memory_space<semaphore_mem>>
      %dma_start3A_215 = tpu.memref_squeeze %dma_start3A_214 : memref<1x!tpu.dma_semaphore, #tpu.memory_space<semaphore_mem>> -> memref<!tpu.dma_semaphore, #tpu.memory_space<semaphore_mem>>
      tpu.enqueue_indirect_dma source(%dma_start3A_213 : memref<1000000x64xf32, #tpu.memory_space<hbm>>) target(%dma_start3A_207 : memref<200x64xf32, #tpu.memory_space<vmem>>) offsets(%dma_start3A_210 : memref<200xi32, #tpu.memory_space<vmem>>) semaphore(%dma_start3A_215 : memref<!tpu.dma_semaphore, #tpu.memory_space<semaphore_mem>>)
      %dma_start3A_216 = arith.constant 0 : i32
      %dma_start3A_217 = arith.constant 0 : i32
      %dma_start3A_218 = arith.constant 1 : i32
      %dma_start3A_219 = arith.constant 0 : i32
      %dma_start3A_220 = arith.constant 1 : i32
      %dma_start3A_221 = arith.constant 0 : i32
      %dma_start3A_222 = arith.constant 0 : i32
      %dma_start3A_223 = arith.constant 0 : i32
      %dma_start3A_224 = tpu.memref_slice %arg6[%dma_start3A_219, %dma_start3A_220, %dma_start3A_222, %dma_start3A_223] : memref<4x2x200x64xf32, #tpu.memory_space<vmem>> -> memref<1x1x200x64xf32, #tpu.memory_space<vmem>>
      %dma_start3A_225 = tpu.memref_squeeze %dma_start3A_224 : memref<1x1x200x64xf32, #tpu.memory_space<vmem>> -> memref<200x64xf32, #tpu.memory_space<vmem>>
      %dma_start3A_226 = arith.constant 0 : i32
      %dma_start3A_227 = tpu.memref_slice %arg5[%dma_start3A_216, %dma_start3A_217, %dma_start3A_218, %dma_start3A_226] : memref<2x4x2x200xi32, #tpu.memory_space<vmem>> -> memref<1x1x1x200xi32, #tpu.memory_space<vmem>>
      %dma_start3A_228 = tpu.memref_squeeze %dma_start3A_227 : memref<1x1x1x200xi32, #tpu.memory_space<vmem>> -> memref<200xi32, #tpu.memory_space<vmem>>
      %dma_start3A_229 = arith.constant 0 : i32
      %dma_start3A_230 = arith.constant 0 : i32
      %dma_start3A_231 = tpu.memref_slice %arg3[%dma_start3A_229, %dma_start3A_230] : memref<1000000x64xf32, #tpu.memory_space<hbm>> -> memref<1000000x64xf32, #tpu.memory_space<hbm>>
      %dma_start3A_232 = tpu.memref_slice %arg8[%dma_start3A_221] : memref<4x!tpu.dma_semaphore, #tpu.memory_space<semaphore_mem>> -> memref<1x!tpu.dma_semaphore, #tpu.memory_space<semaphore_mem>>
      %dma_start3A_233 = tpu.memref_squeeze %dma_start3A_232 : memref<1x!tpu.dma_semaphore, #tpu.memory_space<semaphore_mem>> -> memref<!tpu.dma_semaphore, #tpu.memory_space<semaphore_mem>>
      tpu.enqueue_indirect_dma source(%dma_start3A_231 : memref<1000000x64xf32, #tpu.memory_space<hbm>>) target(%dma_start3A_225 : memref<200x64xf32, #tpu.memory_space<vmem>>) offsets(%dma_start3A_228 : memref<200xi32, #tpu.memory_space<vmem>>) semaphore(%dma_start3A_233 : memref<!tpu.dma_semaphore, #tpu.memory_space<semaphore_mem>>)
      %mul3A_234 = arith.constant 4 : i32
      %mul3A_235 = arith.muli %add3A_170, %mul3A_234 : i32
      %add3A_236 = arith.constant 1 : i32
      %add3A_237 = arith.addi %mul3A_235, %add3A_236 : i32
      %mul3A_238 = arith.constant 2 : i32
      %mul3A_239 = arith.muli %add3A_237, %mul3A_238 : i32
      %add3A_240 = arith.addi %mul3A_2, %mul3A_239 : i32
      %gt3A_241 = arith.constant 0 : i32
      %gt3A_242 = arith.cmpi sgt, %add3A_170, %gt3A_241 : i32
      %convert_element_type3A_243 = arith.extui %gt3A_242 : i1 to i32
      %cond3A_244 = arith.constant 0 : i32
      %cond3A_245 = arith.cmpi ne, %convert_element_type3A_243, %cond3A_244 : i32
      scf.if %cond3A_245 {
        %dma_wait3A_1166 = arith.constant 1 : i32
        %dma_wait3A_1167 = arith.constant 1 : i32
        %dma_wait3A_1168 = arith.constant 0 : i32
        %dma_wait3A_1169 = arith.constant 0 : i32
        %dma_wait3A_1170 = arith.constant 0 : i32
        %dma_wait3A_1171 = tpu.memref_slice %arg6[%dma_wait3A_1166, %dma_wait3A_1168, %dma_wait3A_1169, %dma_wait3A_1170] : memref<4x2x200x64xf32, #tpu.memory_space<vmem>> -> memref<1x2x200x64xf32, #tpu.memory_space<vmem>>
        %dma_wait3A_1172 = tpu.memref_squeeze %dma_wait3A_1171 : memref<1x2x200x64xf32, #tpu.memory_space<vmem>> -> memref<2x200x64xf32, #tpu.memory_space<vmem>>
        %dma_wait3A_1173 = arith.constant 0 : i32
        %dma_wait3A_1174 = arith.constant 0 : i32
        %dma_wait3A_1175 = tpu.memref_slice %arg4[%add3A_240, %dma_wait3A_1173, %dma_wait3A_1174] : memref<16384x200x128xf32, #tpu.memory_space<hbm>> -> memref<2x200x64xf32, #tpu.memory_space<hbm>>
        %dma_wait3A_1176 = tpu.memref_slice %arg9[%dma_wait3A_1167] : memref<4x!tpu.dma_semaphore, #tpu.memory_space<semaphore_mem>> -> memref<1x!tpu.dma_semaphore, #tpu.memory_space<semaphore_mem>>
        %dma_wait3A_1177 = tpu.memref_squeeze %dma_wait3A_1176 : memref<1x!tpu.dma_semaphore, #tpu.memory_space<semaphore_mem>> -> memref<!tpu.dma_semaphore, #tpu.memory_space<semaphore_mem>>
        %dma_wait3A_1178 = arith.constant 0 : i32
        %dma_wait3A_1179 = arith.constant 0 : i32
        %dma_wait3A_1180 = tpu.memref_slice %arg4[%add3A_240, %dma_wait3A_1178, %dma_wait3A_1179] : memref<16384x200x128xf32, #tpu.memory_space<hbm>> -> memref<2x200x64xf32, #tpu.memory_space<hbm>>
        %dma_wait3A_1181 = arith.constant 0 : i32
        %dma_wait3A_1182 = arith.constant 0 : i32
        %dma_wait3A_1183 = arith.constant 0 : i32
        %dma_wait3A_1184 = tpu.memref_slice %arg6[%dma_wait3A_1166, %dma_wait3A_1181, %dma_wait3A_1182, %dma_wait3A_1183] : memref<4x2x200x64xf32, #tpu.memory_space<vmem>> -> memref<1x2x200x64xf32, #tpu.memory_space<vmem>>
        %dma_wait3A_1185 = tpu.memref_squeeze %dma_wait3A_1184 : memref<1x2x200x64xf32, #tpu.memory_space<vmem>> -> memref<2x200x64xf32, #tpu.memory_space<vmem>>
        tpu.wait_dma2 semaphore(%dma_wait3A_1177 : memref<!tpu.dma_semaphore, #tpu.memory_space<semaphore_mem>>) src(%dma_wait3A_1185 : memref<2x200x64xf32, #tpu.memory_space<vmem>>) dst(%dma_wait3A_1180 : memref<2x200x64xf32, #tpu.memory_space<hbm>>)
      } else {
      }
      %dma_wait3A_246 = arith.constant 0 : i32
      %dma_wait3A_247 = arith.constant 1 : i32
      %dma_wait3A_248 = arith.constant 0 : i32
      %dma_wait3A_249 = arith.constant 1 : i32
      %dma_wait3A_250 = arith.constant 0 : i32
      %dma_wait3A_251 = arith.constant 0 : i32
      %dma_wait3A_252 = tpu.memref_slice %arg5[%dma_wait3A_246, %dma_wait3A_247, %dma_wait3A_250, %dma_wait3A_251] : memref<2x4x2x200xi32, #tpu.memory_space<vmem>> -> memref<1x1x2x200xi32, #tpu.memory_space<vmem>>
      %dma_wait3A_253 = tpu.memref_squeeze %dma_wait3A_252 : memref<1x1x2x200xi32, #tpu.memory_space<vmem>> -> memref<2x200xi32, #tpu.memory_space<vmem>>
      %dma_wait3A_254 = arith.constant 0 : i32
      %dma_wait3A_255 = tpu.memref_slice %arg2[%add3A_240, %dma_wait3A_254] : memref<16384x200xi32, #tpu.memory_space<hbm>> -> memref<2x200xi32, #tpu.memory_space<hbm>>
      %dma_wait3A_256 = tpu.memref_slice %arg7[%dma_wait3A_248, %dma_wait3A_249] : memref<2x4x!tpu.dma_semaphore, #tpu.memory_space<semaphore_mem>> -> memref<1x1x!tpu.dma_semaphore, #tpu.memory_space<semaphore_mem>>
      %dma_wait3A_257 = tpu.memref_squeeze %dma_wait3A_256 : memref<1x1x!tpu.dma_semaphore, #tpu.memory_space<semaphore_mem>> -> memref<!tpu.dma_semaphore, #tpu.memory_space<semaphore_mem>>
      %dma_wait3A_258 = arith.constant 0 : i32
      %dma_wait3A_259 = arith.constant 0 : i32
      %dma_wait3A_260 = tpu.memref_slice %arg5[%dma_wait3A_246, %dma_wait3A_247, %dma_wait3A_258, %dma_wait3A_259] : memref<2x4x2x200xi32, #tpu.memory_space<vmem>> -> memref<1x1x2x200xi32, #tpu.memory_space<vmem>>
      %dma_wait3A_261 = tpu.memref_squeeze %dma_wait3A_260 : memref<1x1x2x200xi32, #tpu.memory_space<vmem>> -> memref<2x200xi32, #tpu.memory_space<vmem>>
      %dma_wait3A_262 = arith.constant 0 : i32
      %dma_wait3A_263 = tpu.memref_slice %arg2[%add3A_240, %dma_wait3A_262] : memref<16384x200xi32, #tpu.memory_space<hbm>> -> memref<2x200xi32, #tpu.memory_space<hbm>>
      tpu.wait_dma2 semaphore(%dma_wait3A_257 : memref<!tpu.dma_semaphore, #tpu.memory_space<semaphore_mem>>) src(%dma_wait3A_263 : memref<2x200xi32, #tpu.memory_space<hbm>>) dst(%dma_wait3A_261 : memref<2x200xi32, #tpu.memory_space<vmem>>)
      %dma_start3A_264 = arith.constant 0 : i32
      %dma_start3A_265 = arith.constant 1 : i32
      %dma_start3A_266 = arith.constant 0 : i32
      %dma_start3A_267 = arith.constant 1 : i32
      %dma_start3A_268 = arith.constant 0 : i32
      %dma_start3A_269 = arith.constant 1 : i32
      %dma_start3A_270 = arith.constant 0 : i32
      %dma_start3A_271 = arith.constant 0 : i32
      %dma_start3A_272 = tpu.memref_slice %arg6[%dma_start3A_267, %dma_start3A_268, %dma_start3A_270, %dma_start3A_271] : memref<4x2x200x64xf32, #tpu.memory_space<vmem>> -> memref<1x1x200x64xf32, #tpu.memory_space<vmem>>
      %dma_start3A_273 = tpu.memref_squeeze %dma_start3A_272 : memref<1x1x200x64xf32, #tpu.memory_space<vmem>> -> memref<200x64xf32, #tpu.memory_space<vmem>>
      %dma_start3A_274 = arith.constant 0 : i32
      %dma_start3A_275 = tpu.memref_slice %arg5[%dma_start3A_264, %dma_start3A_265, %dma_start3A_266, %dma_start3A_274] : memref<2x4x2x200xi32, #tpu.memory_space<vmem>> -> memref<1x1x1x200xi32, #tpu.memory_space<vmem>>
      %dma_start3A_276 = tpu.memref_squeeze %dma_start3A_275 : memref<1x1x1x200xi32, #tpu.memory_space<vmem>> -> memref<200xi32, #tpu.memory_space<vmem>>
      %dma_start3A_277 = arith.constant 0 : i32
      %dma_start3A_278 = arith.constant 0 : i32
      %dma_start3A_279 = tpu.memref_slice %arg3[%dma_start3A_277, %dma_start3A_278] : memref<1000000x64xf32, #tpu.memory_space<hbm>> -> memref<1000000x64xf32, #tpu.memory_space<hbm>>
      %dma_start3A_280 = tpu.memref_slice %arg8[%dma_start3A_269] : memref<4x!tpu.dma_semaphore, #tpu.memory_space<semaphore_mem>> -> memref<1x!tpu.dma_semaphore, #tpu.memory_space<semaphore_mem>>
      %dma_start3A_281 = tpu.memref_squeeze %dma_start3A_280 : memref<1x!tpu.dma_semaphore, #tpu.memory_space<semaphore_mem>> -> memref<!tpu.dma_semaphore, #tpu.memory_space<semaphore_mem>>
      tpu.enqueue_indirect_dma source(%dma_start3A_279 : memref<1000000x64xf32, #tpu.memory_space<hbm>>) target(%dma_start3A_273 : memref<200x64xf32, #tpu.memory_space<vmem>>) offsets(%dma_start3A_276 : memref<200xi32, #tpu.memory_space<vmem>>) semaphore(%dma_start3A_281 : memref<!tpu.dma_semaphore, #tpu.memory_space<semaphore_mem>>)
      %dma_start3A_282 = arith.constant 0 : i32
      %dma_start3A_283 = arith.constant 1 : i32
      %dma_start3A_284 = arith.constant 1 : i32
      %dma_start3A_285 = arith.constant 1 : i32
      %dma_start3A_286 = arith.constant 1 : i32
      %dma_start3A_287 = arith.constant 1 : i32
      %dma_start3A_288 = arith.constant 0 : i32
      %dma_start3A_289 = arith.constant 0 : i32
      %dma_start3A_290 = tpu.memref_slice %arg6[%dma_start3A_285, %dma_start3A_286, %dma_start3A_288, %dma_start3A_289] : memref<4x2x200x64xf32, #tpu.memory_space<vmem>> -> memref<1x1x200x64xf32, #tpu.memory_space<vmem>>
      %dma_start3A_291 = tpu.memref_squeeze %dma_start3A_290 : memref<1x1x200x64xf32, #tpu.memory_space<vmem>> -> memref<200x64xf32, #tpu.memory_space<vmem>>
      %dma_start3A_292 = arith.constant 0 : i32
      %dma_start3A_293 = tpu.memref_slice %arg5[%dma_start3A_282, %dma_start3A_283, %dma_start3A_284, %dma_start3A_292] : memref<2x4x2x200xi32, #tpu.memory_space<vmem>> -> memref<1x1x1x200xi32, #tpu.memory_space<vmem>>
      %dma_start3A_294 = tpu.memref_squeeze %dma_start3A_293 : memref<1x1x1x200xi32, #tpu.memory_space<vmem>> -> memref<200xi32, #tpu.memory_space<vmem>>
      %dma_start3A_295 = arith.constant 0 : i32
      %dma_start3A_296 = arith.constant 0 : i32
      %dma_start3A_297 = tpu.memref_slice %arg3[%dma_start3A_295, %dma_start3A_296] : memref<1000000x64xf32, #tpu.memory_space<hbm>> -> memref<1000000x64xf32, #tpu.memory_space<hbm>>
      %dma_start3A_298 = tpu.memref_slice %arg8[%dma_start3A_287] : memref<4x!tpu.dma_semaphore, #tpu.memory_space<semaphore_mem>> -> memref<1x!tpu.dma_semaphore, #tpu.memory_space<semaphore_mem>>
      %dma_start3A_299 = tpu.memref_squeeze %dma_start3A_298 : memref<1x!tpu.dma_semaphore, #tpu.memory_space<semaphore_mem>> -> memref<!tpu.dma_semaphore, #tpu.memory_space<semaphore_mem>>
      tpu.enqueue_indirect_dma source(%dma_start3A_297 : memref<1000000x64xf32, #tpu.memory_space<hbm>>) target(%dma_start3A_291 : memref<200x64xf32, #tpu.memory_space<vmem>>) offsets(%dma_start3A_294 : memref<200xi32, #tpu.memory_space<vmem>>) semaphore(%dma_start3A_299 : memref<!tpu.dma_semaphore, #tpu.memory_space<semaphore_mem>>)
      %mul3A_300 = arith.constant 4 : i32
      %mul3A_301 = arith.muli %add3A_170, %mul3A_300 : i32
      %add3A_302 = arith.constant 2 : i32
      %add3A_303 = arith.addi %mul3A_301, %add3A_302 : i32
      %mul3A_304 = arith.constant 2 : i32
      %mul3A_305 = arith.muli %add3A_303, %mul3A_304 : i32
      %add3A_306 = arith.addi %mul3A_2, %mul3A_305 : i32
      %gt3A_307 = arith.constant 0 : i32
      %gt3A_308 = arith.cmpi sgt, %add3A_170, %gt3A_307 : i32
      %convert_element_type3A_309 = arith.extui %gt3A_308 : i1 to i32
      %cond3A_310 = arith.constant 0 : i32
      %cond3A_311 = arith.cmpi ne, %convert_element_type3A_309, %cond3A_310 : i32
      scf.if %cond3A_311 {
        %dma_wait3A_1166 = arith.constant 2 : i32
        %dma_wait3A_1167 = arith.constant 2 : i32
        %dma_wait3A_1168 = arith.constant 0 : i32
        %dma_wait3A_1169 = arith.constant 0 : i32
        %dma_wait3A_1170 = arith.constant 0 : i32
        %dma_wait3A_1171 = tpu.memref_slice %arg6[%dma_wait3A_1166, %dma_wait3A_1168, %dma_wait3A_1169, %dma_wait3A_1170] : memref<4x2x200x64xf32, #tpu.memory_space<vmem>> -> memref<1x2x200x64xf32, #tpu.memory_space<vmem>>
        %dma_wait3A_1172 = tpu.memref_squeeze %dma_wait3A_1171 : memref<1x2x200x64xf32, #tpu.memory_space<vmem>> -> memref<2x200x64xf32, #tpu.memory_space<vmem>>
        %dma_wait3A_1173 = arith.constant 0 : i32
        %dma_wait3A_1174 = arith.constant 0 : i32
        %dma_wait3A_1175 = tpu.memref_slice %arg4[%add3A_306, %dma_wait3A_1173, %dma_wait3A_1174] : memref<16384x200x128xf32, #tpu.memory_space<hbm>> -> memref<2x200x64xf32, #tpu.memory_space<hbm>>
        %dma_wait3A_1176 = tpu.memref_slice %arg9[%dma_wait3A_1167] : memref<4x!tpu.dma_semaphore, #tpu.memory_space<semaphore_mem>> -> memref<1x!tpu.dma_semaphore, #tpu.memory_space<semaphore_mem>>
        %dma_wait3A_1177 = tpu.memref_squeeze %dma_wait3A_1176 : memref<1x!tpu.dma_semaphore, #tpu.memory_space<semaphore_mem>> -> memref<!tpu.dma_semaphore, #tpu.memory_space<semaphore_mem>>
        %dma_wait3A_1178 = arith.constant 0 : i32
        %dma_wait3A_1179 = arith.constant 0 : i32
        %dma_wait3A_1180 = tpu.memref_slice %arg4[%add3A_306, %dma_wait3A_1178, %dma_wait3A_1179] : memref<16384x200x128xf32, #tpu.memory_space<hbm>> -> memref<2x200x64xf32, #tpu.memory_space<hbm>>
        %dma_wait3A_1181 = arith.constant 0 : i32
        %dma_wait3A_1182 = arith.constant 0 : i32
        %dma_wait3A_1183 = arith.constant 0 : i32
        %dma_wait3A_1184 = tpu.memref_slice %arg6[%dma_wait3A_1166, %dma_wait3A_1181, %dma_wait3A_1182, %dma_wait3A_1183] : memref<4x2x200x64xf32, #tpu.memory_space<vmem>> -> memref<1x2x200x64xf32, #tpu.memory_space<vmem>>
        %dma_wait3A_1185 = tpu.memref_squeeze %dma_wait3A_1184 : memref<1x2x200x64xf32, #tpu.memory_space<vmem>> -> memref<2x200x64xf32, #tpu.memory_space<vmem>>
        tpu.wait_dma2 semaphore(%dma_wait3A_1177 : memref<!tpu.dma_semaphore, #tpu.memory_space<semaphore_mem>>) src(%dma_wait3A_1185 : memref<2x200x64xf32, #tpu.memory_space<vmem>>) dst(%dma_wait3A_1180 : memref<2x200x64xf32, #tpu.memory_space<hbm>>)
      } else {
      }
      %dma_wait3A_312 = arith.constant 0 : i32
      %dma_wait3A_313 = arith.constant 2 : i32
      %dma_wait3A_314 = arith.constant 0 : i32
      %dma_wait3A_315 = arith.constant 2 : i32
      %dma_wait3A_316 = arith.constant 0 : i32
      %dma_wait3A_317 = arith.constant 0 : i32
      %dma_wait3A_318 = tpu.memref_slice %arg5[%dma_wait3A_312, %dma_wait3A_313, %dma_wait3A_316, %dma_wait3A_317] : memref<2x4x2x200xi32, #tpu.memory_space<vmem>> -> memref<1x1x2x200xi32, #tpu.memory_space<vmem>>
      %dma_wait3A_319 = tpu.memref_squeeze %dma_wait3A_318 : memref<1x1x2x200xi32, #tpu.memory_space<vmem>> -> memref<2x200xi32, #tpu.memory_space<vmem>>
      %dma_wait3A_320 = arith.constant 0 : i32
      %dma_wait3A_321 = tpu.memref_slice %arg2[%add3A_306, %dma_wait3A_320] : memref<16384x200xi32, #tpu.memory_space<hbm>> -> memref<2x200xi32, #tpu.memory_space<hbm>>
      %dma_wait3A_322 = tpu.memref_slice %arg7[%dma_wait3A_314, %dma_wait3A_315] : memref<2x4x!tpu.dma_semaphore, #tpu.memory_space<semaphore_mem>> -> memref<1x1x!tpu.dma_semaphore, #tpu.memory_space<semaphore_mem>>
      %dma_wait3A_323 = tpu.memref_squeeze %dma_wait3A_322 : memref<1x1x!tpu.dma_semaphore, #tpu.memory_space<semaphore_mem>> -> memref<!tpu.dma_semaphore, #tpu.memory_space<semaphore_mem>>
      %dma_wait3A_324 = arith.constant 0 : i32
      %dma_wait3A_325 = arith.constant 0 : i32
      %dma_wait3A_326 = tpu.memref_slice %arg5[%dma_wait3A_312, %dma_wait3A_313, %dma_wait3A_324, %dma_wait3A_325] : memref<2x4x2x200xi32, #tpu.memory_space<vmem>> -> memref<1x1x2x200xi32, #tpu.memory_space<vmem>>
      %dma_wait3A_327 = tpu.memref_squeeze %dma_wait3A_326 : memref<1x1x2x200xi32, #tpu.memory_space<vmem>> -> memref<2x200xi32, #tpu.memory_space<vmem>>
      %dma_wait3A_328 = arith.constant 0 : i32
      %dma_wait3A_329 = tpu.memref_slice %arg2[%add3A_306, %dma_wait3A_328] : memref<16384x200xi32, #tpu.memory_space<hbm>> -> memref<2x200xi32, #tpu.memory_space<hbm>>
      tpu.wait_dma2 semaphore(%dma_wait3A_323 : memref<!tpu.dma_semaphore, #tpu.memory_space<semaphore_mem>>) src(%dma_wait3A_329 : memref<2x200xi32, #tpu.memory_space<hbm>>) dst(%dma_wait3A_327 : memref<2x200xi32, #tpu.memory_space<vmem>>)
      %dma_start3A_330 = arith.constant 0 : i32
      %dma_start3A_331 = arith.constant 2 : i32
      %dma_start3A_332 = arith.constant 0 : i32
      %dma_start3A_333 = arith.constant 2 : i32
      %dma_start3A_334 = arith.constant 0 : i32
      %dma_start3A_335 = arith.constant 2 : i32
      %dma_start3A_336 = arith.constant 0 : i32
      %dma_start3A_337 = arith.constant 0 : i32
      %dma_start3A_338 = tpu.memref_slice %arg6[%dma_start3A_333, %dma_start3A_334, %dma_start3A_336, %dma_start3A_337] : memref<4x2x200x64xf32, #tpu.memory_space<vmem>> -> memref<1x1x200x64xf32, #tpu.memory_space<vmem>>
      %dma_start3A_339 = tpu.memref_squeeze %dma_start3A_338 : memref<1x1x200x64xf32, #tpu.memory_space<vmem>> -> memref<200x64xf32, #tpu.memory_space<vmem>>
      %dma_start3A_340 = arith.constant 0 : i32
      %dma_start3A_341 = tpu.memref_slice %arg5[%dma_start3A_330, %dma_start3A_331, %dma_start3A_332, %dma_start3A_340] : memref<2x4x2x200xi32, #tpu.memory_space<vmem>> -> memref<1x1x1x200xi32, #tpu.memory_space<vmem>>
      %dma_start3A_342 = tpu.memref_squeeze %dma_start3A_341 : memref<1x1x1x200xi32, #tpu.memory_space<vmem>> -> memref<200xi32, #tpu.memory_space<vmem>>
      %dma_start3A_343 = arith.constant 0 : i32
      %dma_start3A_344 = arith.constant 0 : i32
      %dma_start3A_345 = tpu.memref_slice %arg3[%dma_start3A_343, %dma_start3A_344] : memref<1000000x64xf32, #tpu.memory_space<hbm>> -> memref<1000000x64xf32, #tpu.memory_space<hbm>>
      %dma_start3A_346 = tpu.memref_slice %arg8[%dma_start3A_335] : memref<4x!tpu.dma_semaphore, #tpu.memory_space<semaphore_mem>> -> memref<1x!tpu.dma_semaphore, #tpu.memory_space<semaphore_mem>>
      %dma_start3A_347 = tpu.memref_squeeze %dma_start3A_346 : memref<1x!tpu.dma_semaphore, #tpu.memory_space<semaphore_mem>> -> memref<!tpu.dma_semaphore, #tpu.memory_space<semaphore_mem>>
      tpu.enqueue_indirect_dma source(%dma_start3A_345 : memref<1000000x64xf32, #tpu.memory_space<hbm>>) target(%dma_start3A_339 : memref<200x64xf32, #tpu.memory_space<vmem>>) offsets(%dma_start3A_342 : memref<200xi32, #tpu.memory_space<vmem>>) semaphore(%dma_start3A_347 : memref<!tpu.dma_semaphore, #tpu.memory_space<semaphore_mem>>)
      %dma_start3A_348 = arith.constant 0 : i32
      %dma_start3A_349 = arith.constant 2 : i32
      %dma_start3A_350 = arith.constant 1 : i32
      %dma_start3A_351 = arith.constant 2 : i32
      %dma_start3A_352 = arith.constant 1 : i32
      %dma_start3A_353 = arith.constant 2 : i32
      %dma_start3A_354 = arith.constant 0 : i32
      %dma_start3A_355 = arith.constant 0 : i32
      %dma_start3A_356 = tpu.memref_slice %arg6[%dma_start3A_351, %dma_start3A_352, %dma_start3A_354, %dma_start3A_355] : memref<4x2x200x64xf32, #tpu.memory_space<vmem>> -> memref<1x1x200x64xf32, #tpu.memory_space<vmem>>
      %dma_start3A_357 = tpu.memref_squeeze %dma_start3A_356 : memref<1x1x200x64xf32, #tpu.memory_space<vmem>> -> memref<200x64xf32, #tpu.memory_space<vmem>>
      %dma_start3A_358 = arith.constant 0 : i32
      %dma_start3A_359 = tpu.memref_slice %arg5[%dma_start3A_348, %dma_start3A_349, %dma_start3A_350, %dma_start3A_358] : memref<2x4x2x200xi32, #tpu.memory_space<vmem>> -> memref<1x1x1x200xi32, #tpu.memory_space<vmem>>
      %dma_start3A_360 = tpu.memref_squeeze %dma_start3A_359 : memref<1x1x1x200xi32, #tpu.memory_space<vmem>> -> memref<200xi32, #tpu.memory_space<vmem>>
      %dma_start3A_361 = arith.constant 0 : i32
      %dma_start3A_362 = arith.constant 0 : i32
      %dma_start3A_363 = tpu.memref_slice %arg3[%dma_start3A_361, %dma_start3A_362] : memref<1000000x64xf32, #tpu.memory_space<hbm>> -> memref<1000000x64xf32, #tpu.memory_space<hbm>>
      %dma_start3A_364 = tpu.memref_slice %arg8[%dma_start3A_353] : memref<4x!tpu.dma_semaphore, #tpu.memory_space<semaphore_mem>> -> memref<1x!tpu.dma_semaphore, #tpu.memory_space<semaphore_mem>>
      %dma_start3A_365 = tpu.memref_squeeze %dma_start3A_364 : memref<1x!tpu.dma_semaphore, #tpu.memory_space<semaphore_mem>> -> memref<!tpu.dma_semaphore, #tpu.memory_space<semaphore_mem>>
      tpu.enqueue_indirect_dma source(%dma_start3A_363 : memref<1000000x64xf32, #tpu.memory_space<hbm>>) target(%dma_start3A_357 : memref<200x64xf32, #tpu.memory_space<vmem>>) offsets(%dma_start3A_360 : memref<200xi32, #tpu.memory_space<vmem>>) semaphore(%dma_start3A_365 : memref<!tpu.dma_semaphore, #tpu.memory_space<semaphore_mem>>)
      %mul3A_366 = arith.constant 4 : i32
      %mul3A_367 = arith.muli %add3A_170, %mul3A_366 : i32
      %add3A_368 = arith.constant 3 : i32
      %add3A_369 = arith.addi %mul3A_367, %add3A_368 : i32
      %mul3A_370 = arith.constant 2 : i32
      %mul3A_371 = arith.muli %add3A_369, %mul3A_370 : i32
      %add3A_372 = arith.addi %mul3A_2, %mul3A_371 : i32
      %gt3A_373 = arith.constant 0 : i32
      %gt3A_374 = arith.cmpi sgt, %add3A_170, %gt3A_373 : i32
      %convert_element_type3A_375 = arith.extui %gt3A_374 : i1 to i32
      %cond3A_376 = arith.constant 0 : i32
      %cond3A_377 = arith.cmpi ne, %convert_element_type3A_375, %cond3A_376 : i32
      scf.if %cond3A_377 {
        %dma_wait3A_1166 = arith.constant 3 : i32
        %dma_wait3A_1167 = arith.constant 3 : i32
        %dma_wait3A_1168 = arith.constant 0 : i32
        %dma_wait3A_1169 = arith.constant 0 : i32
        %dma_wait3A_1170 = arith.constant 0 : i32
        %dma_wait3A_1171 = tpu.memref_slice %arg6[%dma_wait3A_1166, %dma_wait3A_1168, %dma_wait3A_1169, %dma_wait3A_1170] : memref<4x2x200x64xf32, #tpu.memory_space<vmem>> -> memref<1x2x200x64xf32, #tpu.memory_space<vmem>>
        %dma_wait3A_1172 = tpu.memref_squeeze %dma_wait3A_1171 : memref<1x2x200x64xf32, #tpu.memory_space<vmem>> -> memref<2x200x64xf32, #tpu.memory_space<vmem>>
        %dma_wait3A_1173 = arith.constant 0 : i32
        %dma_wait3A_1174 = arith.constant 0 : i32
        %dma_wait3A_1175 = tpu.memref_slice %arg4[%add3A_372, %dma_wait3A_1173, %dma_wait3A_1174] : memref<16384x200x128xf32, #tpu.memory_space<hbm>> -> memref<2x200x64xf32, #tpu.memory_space<hbm>>
        %dma_wait3A_1176 = tpu.memref_slice %arg9[%dma_wait3A_1167] : memref<4x!tpu.dma_semaphore, #tpu.memory_space<semaphore_mem>> -> memref<1x!tpu.dma_semaphore, #tpu.memory_space<semaphore_mem>>
        %dma_wait3A_1177 = tpu.memref_squeeze %dma_wait3A_1176 : memref<1x!tpu.dma_semaphore, #tpu.memory_space<semaphore_mem>> -> memref<!tpu.dma_semaphore, #tpu.memory_space<semaphore_mem>>
        %dma_wait3A_1178 = arith.constant 0 : i32
        %dma_wait3A_1179 = arith.constant 0 : i32
        %dma_wait3A_1180 = tpu.memref_slice %arg4[%add3A_372, %dma_wait3A_1178, %dma_wait3A_1179] : memref<16384x200x128xf32, #tpu.memory_space<hbm>> -> memref<2x200x64xf32, #tpu.memory_space<hbm>>
        %dma_wait3A_1181 = arith.constant 0 : i32
        %dma_wait3A_1182 = arith.constant 0 : i32
        %dma_wait3A_1183 = arith.constant 0 : i32
        %dma_wait3A_1184 = tpu.memref_slice %arg6[%dma_wait3A_1166, %dma_wait3A_1181, %dma_wait3A_1182, %dma_wait3A_1183] : memref<4x2x200x64xf32, #tpu.memory_space<vmem>> -> memref<1x2x200x64xf32, #tpu.memory_space<vmem>>
        %dma_wait3A_1185 = tpu.memref_squeeze %dma_wait3A_1184 : memref<1x2x200x64xf32, #tpu.memory_space<vmem>> -> memref<2x200x64xf32, #tpu.memory_space<vmem>>
        tpu.wait_dma2 semaphore(%dma_wait3A_1177 : memref<!tpu.dma_semaphore, #tpu.memory_space<semaphore_mem>>) src(%dma_wait3A_1185 : memref<2x200x64xf32, #tpu.memory_space<vmem>>) dst(%dma_wait3A_1180 : memref<2x200x64xf32, #tpu.memory_space<hbm>>)
      } else {
      }
      %dma_wait3A_378 = arith.constant 0 : i32
      %dma_wait3A_379 = arith.constant 3 : i32
      %dma_wait3A_380 = arith.constant 0 : i32
      %dma_wait3A_381 = arith.constant 3 : i32
      %dma_wait3A_382 = arith.constant 0 : i32
      %dma_wait3A_383 = arith.constant 0 : i32
      %dma_wait3A_384 = tpu.memref_slice %arg5[%dma_wait3A_378, %dma_wait3A_379, %dma_wait3A_382, %dma_wait3A_383] : memref<2x4x2x200xi32, #tpu.memory_space<vmem>> -> memref<1x1x2x200xi32, #tpu.memory_space<vmem>>
      %dma_wait3A_385 = tpu.memref_squeeze %dma_wait3A_384 : memref<1x1x2x200xi32, #tpu.memory_space<vmem>> -> memref<2x200xi32, #tpu.memory_space<vmem>>
      %dma_wait3A_386 = arith.constant 0 : i32
      %dma_wait3A_387 = tpu.memref_slice %arg2[%add3A_372, %dma_wait3A_386] : memref<16384x200xi32, #tpu.memory_space<hbm>> -> memref<2x200xi32, #tpu.memory_space<hbm>>
      %dma_wait3A_388 = tpu.memref_slice %arg7[%dma_wait3A_380, %dma_wait3A_381] : memref<2x4x!tpu.dma_semaphore, #tpu.memory_space<semaphore_mem>> -> memref<1x1x!tpu.dma_semaphore, #tpu.memory_space<semaphore_mem>>
      %dma_wait3A_389 = tpu.memref_squeeze %dma_wait3A_388 : memref<1x1x!tpu.dma_semaphore, #tpu.memory_space<semaphore_mem>> -> memref<!tpu.dma_semaphore, #tpu.memory_space<semaphore_mem>>
      %dma_wait3A_390 = arith.constant 0 : i32
      %dma_wait3A_391 = arith.constant 0 : i32
      %dma_wait3A_392 = tpu.memref_slice %arg5[%dma_wait3A_378, %dma_wait3A_379, %dma_wait3A_390, %dma_wait3A_391] : memref<2x4x2x200xi32, #tpu.memory_space<vmem>> -> memref<1x1x2x200xi32, #tpu.memory_space<vmem>>
      %dma_wait3A_393 = tpu.memref_squeeze %dma_wait3A_392 : memref<1x1x2x200xi32, #tpu.memory_space<vmem>> -> memref<2x200xi32, #tpu.memory_space<vmem>>
      %dma_wait3A_394 = arith.constant 0 : i32
      %dma_wait3A_395 = tpu.memref_slice %arg2[%add3A_372, %dma_wait3A_394] : memref<16384x200xi32, #tpu.memory_space<hbm>> -> memref<2x200xi32, #tpu.memory_space<hbm>>
      tpu.wait_dma2 semaphore(%dma_wait3A_389 : memref<!tpu.dma_semaphore, #tpu.memory_space<semaphore_mem>>) src(%dma_wait3A_395 : memref<2x200xi32, #tpu.memory_space<hbm>>) dst(%dma_wait3A_393 : memref<2x200xi32, #tpu.memory_space<vmem>>)
      %dma_start3A_396 = arith.constant 0 : i32
      %dma_start3A_397 = arith.constant 3 : i32
      %dma_start3A_398 = arith.constant 0 : i32
      %dma_start3A_399 = arith.constant 3 : i32
      %dma_start3A_400 = arith.constant 0 : i32
      %dma_start3A_401 = arith.constant 3 : i32
      %dma_start3A_402 = arith.constant 0 : i32
      %dma_start3A_403 = arith.constant 0 : i32
      %dma_start3A_404 = tpu.memref_slice %arg6[%dma_start3A_399, %dma_start3A_400, %dma_start3A_402, %dma_start3A_403] : memref<4x2x200x64xf32, #tpu.memory_space<vmem>> -> memref<1x1x200x64xf32, #tpu.memory_space<vmem>>
      %dma_start3A_405 = tpu.memref_squeeze %dma_start3A_404 : memref<1x1x200x64xf32, #tpu.memory_space<vmem>> -> memref<200x64xf32, #tpu.memory_space<vmem>>
      %dma_start3A_406 = arith.constant 0 : i32
      %dma_start3A_407 = tpu.memref_slice %arg5[%dma_start3A_396, %dma_start3A_397, %dma_start3A_398, %dma_start3A_406] : memref<2x4x2x200xi32, #tpu.memory_space<vmem>> -> memref<1x1x1x200xi32, #tpu.memory_space<vmem>>
      %dma_start3A_408 = tpu.memref_squeeze %dma_start3A_407 : memref<1x1x1x200xi32, #tpu.memory_space<vmem>> -> memref<200xi32, #tpu.memory_space<vmem>>
      %dma_start3A_409 = arith.constant 0 : i32
      %dma_start3A_410 = arith.constant 0 : i32
      %dma_start3A_411 = tpu.memref_slice %arg3[%dma_start3A_409, %dma_start3A_410] : memref<1000000x64xf32, #tpu.memory_space<hbm>> -> memref<1000000x64xf32, #tpu.memory_space<hbm>>
      %dma_start3A_412 = tpu.memref_slice %arg8[%dma_start3A_401] : memref<4x!tpu.dma_semaphore, #tpu.memory_space<semaphore_mem>> -> memref<1x!tpu.dma_semaphore, #tpu.memory_space<semaphore_mem>>
      %dma_start3A_413 = tpu.memref_squeeze %dma_start3A_412 : memref<1x!tpu.dma_semaphore, #tpu.memory_space<semaphore_mem>> -> memref<!tpu.dma_semaphore, #tpu.memory_space<semaphore_mem>>
      tpu.enqueue_indirect_dma source(%dma_start3A_411 : memref<1000000x64xf32, #tpu.memory_space<hbm>>) target(%dma_start3A_405 : memref<200x64xf32, #tpu.memory_space<vmem>>) offsets(%dma_start3A_408 : memref<200xi32, #tpu.memory_space<vmem>>) semaphore(%dma_start3A_413 : memref<!tpu.dma_semaphore, #tpu.memory_space<semaphore_mem>>)
      %dma_start3A_414 = arith.constant 0 : i32
      %dma_start3A_415 = arith.constant 3 : i32
      %dma_start3A_416 = arith.constant 1 : i32
      %dma_start3A_417 = arith.constant 3 : i32
      %dma_start3A_418 = arith.constant 1 : i32
      %dma_start3A_419 = arith.constant 3 : i32
      %dma_start3A_420 = arith.constant 0 : i32
      %dma_start3A_421 = arith.constant 0 : i32
      %dma_start3A_422 = tpu.memref_slice %arg6[%dma_start3A_417, %dma_start3A_418, %dma_start3A_420, %dma_start3A_421] : memref<4x2x200x64xf32, #tpu.memory_space<vmem>> -> memref<1x1x200x64xf32, #tpu.memory_space<vmem>>
      %dma_start3A_423 = tpu.memref_squeeze %dma_start3A_422 : memref<1x1x200x64xf32, #tpu.memory_space<vmem>> -> memref<200x64xf32, #tpu.memory_space<vmem>>
      %dma_start3A_424 = arith.constant 0 : i32
      %dma_start3A_425 = tpu.memref_slice %arg5[%dma_start3A_414, %dma_start3A_415, %dma_start3A_416, %dma_start3A_424] : memref<2x4x2x200xi32, #tpu.memory_space<vmem>> -> memref<1x1x1x200xi32, #tpu.memory_space<vmem>>
      %dma_start3A_426 = tpu.memref_squeeze %dma_start3A_425 : memref<1x1x1x200xi32, #tpu.memory_space<vmem>> -> memref<200xi32, #tpu.memory_space<vmem>>
      %dma_start3A_427 = arith.constant 0 : i32
      %dma_start3A_428 = arith.constant 0 : i32
      %dma_start3A_429 = tpu.memref_slice %arg3[%dma_start3A_427, %dma_start3A_428] : memref<1000000x64xf32, #tpu.memory_space<hbm>> -> memref<1000000x64xf32, #tpu.memory_space<hbm>>
      %dma_start3A_430 = tpu.memref_slice %arg8[%dma_start3A_419] : memref<4x!tpu.dma_semaphore, #tpu.memory_space<semaphore_mem>> -> memref<1x!tpu.dma_semaphore, #tpu.memory_space<semaphore_mem>>
      %dma_start3A_431 = tpu.memref_squeeze %dma_start3A_430 : memref<1x!tpu.dma_semaphore, #tpu.memory_space<semaphore_mem>> -> memref<!tpu.dma_semaphore, #tpu.memory_space<semaphore_mem>>
      tpu.enqueue_indirect_dma source(%dma_start3A_429 : memref<1000000x64xf32, #tpu.memory_space<hbm>>) target(%dma_start3A_423 : memref<200x64xf32, #tpu.memory_space<vmem>>) offsets(%dma_start3A_426 : memref<200xi32, #tpu.memory_space<vmem>>) semaphore(%dma_start3A_431 : memref<!tpu.dma_semaphore, #tpu.memory_space<semaphore_mem>>)
      %add3A_432 = arith.constant 1 : i32
      %add3A_433 = arith.addi %add3A_170, %add3A_432 : i32
      %mul3A_434 = arith.constant 4 : i32
      %mul3A_435 = arith.muli %add3A_433, %mul3A_434 : i32
      %add3A_436 = arith.constant 0 : i32
      %add3A_437 = arith.addi %mul3A_435, %add3A_436 : i32
      %mul3A_438 = arith.constant 2 : i32
      %mul3A_439 = arith.muli %add3A_437, %mul3A_438 : i32
      %add3A_440 = arith.addi %mul3A_2, %mul3A_439 : i32
      %dma_start3A_441 = arith.constant 1 : i32
      %dma_start3A_442 = arith.constant 0 : i32
      %dma_start3A_443 = arith.constant 1 : i32
      %dma_start3A_444 = arith.constant 0 : i32
      %dma_start3A_445 = arith.constant 0 : i32
      %dma_start3A_446 = arith.constant 0 : i32
      %dma_start3A_447 = tpu.memref_slice %arg5[%dma_start3A_441, %dma_start3A_442, %dma_start3A_445, %dma_start3A_446] : memref<2x4x2x200xi32, #tpu.memory_space<vmem>> -> memref<1x1x2x200xi32, #tpu.memory_space<vmem>>
      %dma_start3A_448 = tpu.memref_squeeze %dma_start3A_447 : memref<1x1x2x200xi32, #tpu.memory_space<vmem>> -> memref<2x200xi32, #tpu.memory_space<vmem>>
      %dma_start3A_449 = arith.constant 0 : i32
      %dma_start3A_450 = tpu.memref_slice %arg2[%add3A_440, %dma_start3A_449] : memref<16384x200xi32, #tpu.memory_space<hbm>> -> memref<2x200xi32, #tpu.memory_space<hbm>>
      %dma_start3A_451 = tpu.memref_slice %arg7[%dma_start3A_443, %dma_start3A_444] : memref<2x4x!tpu.dma_semaphore, #tpu.memory_space<semaphore_mem>> -> memref<1x1x!tpu.dma_semaphore, #tpu.memory_space<semaphore_mem>>
      %dma_start3A_452 = tpu.memref_squeeze %dma_start3A_451 : memref<1x1x!tpu.dma_semaphore, #tpu.memory_space<semaphore_mem>> -> memref<!tpu.dma_semaphore, #tpu.memory_space<semaphore_mem>>
      %dma_start3A_453 = arith.constant 0 : i32
      %dma_start3A_454 = arith.constant 0 : i32
      %dma_start3A_455 = tpu.memref_slice %arg5[%dma_start3A_441, %dma_start3A_442, %dma_start3A_453, %dma_start3A_454] : memref<2x4x2x200xi32, #tpu.memory_space<vmem>> -> memref<1x1x2x200xi32, #tpu.memory_space<vmem>>
      %dma_start3A_456 = tpu.memref_squeeze %dma_start3A_455 : memref<1x1x2x200xi32, #tpu.memory_space<vmem>> -> memref<2x200xi32, #tpu.memory_space<vmem>>
      %dma_start3A_457 = arith.constant 0 : i32
      %dma_start3A_458 = tpu.memref_slice %arg2[%add3A_440, %dma_start3A_457] : memref<16384x200xi32, #tpu.memory_space<hbm>> -> memref<2x200xi32, #tpu.memory_space<hbm>>
      tpu.enqueue_dma source(%dma_start3A_458 : memref<2x200xi32, #tpu.memory_space<hbm>>) target(%dma_start3A_456 : memref<2x200xi32, #tpu.memory_space<vmem>>) target_semaphore(%dma_start3A_452 : memref<!tpu.dma_semaphore, #tpu.memory_space<semaphore_mem>>)
      %mul3A_459 = arith.constant 4 : i32
      %mul3A_460 = arith.muli %add3A_433, %mul3A_459 : i32
      %add3A_461 = arith.constant 1 : i32
      %add3A_462 = arith.addi %mul3A_460, %add3A_461 : i32
      %mul3A_463 = arith.constant 2 : i32
      %mul3A_464 = arith.muli %add3A_462, %mul3A_463 : i32
      %add3A_465 = arith.addi %mul3A_2, %mul3A_464 : i32
      %dma_start3A_466 = arith.constant 1 : i32
      %dma_start3A_467 = arith.constant 1 : i32
      %dma_start3A_468 = arith.constant 1 : i32
      %dma_start3A_469 = arith.constant 1 : i32
      %dma_start3A_470 = arith.constant 0 : i32
      %dma_start3A_471 = arith.constant 0 : i32
      %dma_start3A_472 = tpu.memref_slice %arg5[%dma_start3A_466, %dma_start3A_467, %dma_start3A_470, %dma_start3A_471] : memref<2x4x2x200xi32, #tpu.memory_space<vmem>> -> memref<1x1x2x200xi32, #tpu.memory_space<vmem>>
      %dma_start3A_473 = tpu.memref_squeeze %dma_start3A_472 : memref<1x1x2x200xi32, #tpu.memory_space<vmem>> -> memref<2x200xi32, #tpu.memory_space<vmem>>
      %dma_start3A_474 = arith.constant 0 : i32
      %dma_start3A_475 = tpu.memref_slice %arg2[%add3A_465, %dma_start3A_474] : memref<16384x200xi32, #tpu.memory_space<hbm>> -> memref<2x200xi32, #tpu.memory_space<hbm>>
      %dma_start3A_476 = tpu.memref_slice %arg7[%dma_start3A_468, %dma_start3A_469] : memref<2x4x!tpu.dma_semaphore, #tpu.memory_space<semaphore_mem>> -> memref<1x1x!tpu.dma_semaphore, #tpu.memory_space<semaphore_mem>>
      %dma_start3A_477 = tpu.memref_squeeze %dma_start3A_476 : memref<1x1x!tpu.dma_semaphore, #tpu.memory_space<semaphore_mem>> -> memref<!tpu.dma_semaphore, #tpu.memory_space<semaphore_mem>>
      %dma_start3A_478 = arith.constant 0 : i32
      %dma_start3A_479 = arith.constant 0 : i32
      %dma_start3A_480 = tpu.memref_slice %arg5[%dma_start3A_466, %dma_start3A_467, %dma_start3A_478, %dma_start3A_479] : memref<2x4x2x200xi32, #tpu.memory_space<vmem>> -> memref<1x1x2x200xi32, #tpu.memory_space<vmem>>
      %dma_start3A_481 = tpu.memref_squeeze %dma_start3A_480 : memref<1x1x2x200xi32, #tpu.memory_space<vmem>> -> memref<2x200xi32, #tpu.memory_space<vmem>>
      %dma_start3A_482 = arith.constant 0 : i32
      %dma_start3A_483 = tpu.memref_slice %arg2[%add3A_465, %dma_start3A_482] : memref<16384x200xi32, #tpu.memory_space<hbm>> -> memref<2x200xi32, #tpu.memory_space<hbm>>
      tpu.enqueue_dma source(%dma_start3A_483 : memref<2x200xi32, #tpu.memory_space<hbm>>) target(%dma_start3A_481 : memref<2x200xi32, #tpu.memory_space<vmem>>) target_semaphore(%dma_start3A_477 : memref<!tpu.dma_semaphore, #tpu.memory_space<semaphore_mem>>)
      %mul3A_484 = arith.constant 4 : i32
      %mul3A_485 = arith.muli %add3A_433, %mul3A_484 : i32
      %add3A_486 = arith.constant 2 : i32
      %add3A_487 = arith.addi %mul3A_485, %add3A_486 : i32
      %mul3A_488 = arith.constant 2 : i32
      %mul3A_489 = arith.muli %add3A_487, %mul3A_488 : i32
      %add3A_490 = arith.addi %mul3A_2, %mul3A_489 : i32
      %dma_start3A_491 = arith.constant 1 : i32
      %dma_start3A_492 = arith.constant 2 : i32
      %dma_start3A_493 = arith.constant 1 : i32
      %dma_start3A_494 = arith.constant 2 : i32
      %dma_start3A_495 = arith.constant 0 : i32
      %dma_start3A_496 = arith.constant 0 : i32
      %dma_start3A_497 = tpu.memref_slice %arg5[%dma_start3A_491, %dma_start3A_492, %dma_start3A_495, %dma_start3A_496] : memref<2x4x2x200xi32, #tpu.memory_space<vmem>> -> memref<1x1x2x200xi32, #tpu.memory_space<vmem>>
      %dma_start3A_498 = tpu.memref_squeeze %dma_start3A_497 : memref<1x1x2x200xi32, #tpu.memory_space<vmem>> -> memref<2x200xi32, #tpu.memory_space<vmem>>
      %dma_start3A_499 = arith.constant 0 : i32
      %dma_start3A_500 = tpu.memref_slice %arg2[%add3A_490, %dma_start3A_499] : memref<16384x200xi32, #tpu.memory_space<hbm>> -> memref<2x200xi32, #tpu.memory_space<hbm>>
      %dma_start3A_501 = tpu.memref_slice %arg7[%dma_start3A_493, %dma_start3A_494] : memref<2x4x!tpu.dma_semaphore, #tpu.memory_space<semaphore_mem>> -> memref<1x1x!tpu.dma_semaphore, #tpu.memory_space<semaphore_mem>>
      %dma_start3A_502 = tpu.memref_squeeze %dma_start3A_501 : memref<1x1x!tpu.dma_semaphore, #tpu.memory_space<semaphore_mem>> -> memref<!tpu.dma_semaphore, #tpu.memory_space<semaphore_mem>>
      %dma_start3A_503 = arith.constant 0 : i32
      %dma_start3A_504 = arith.constant 0 : i32
      %dma_start3A_505 = tpu.memref_slice %arg5[%dma_start3A_491, %dma_start3A_492, %dma_start3A_503, %dma_start3A_504] : memref<2x4x2x200xi32, #tpu.memory_space<vmem>> -> memref<1x1x2x200xi32, #tpu.memory_space<vmem>>
      %dma_start3A_506 = tpu.memref_squeeze %dma_start3A_505 : memref<1x1x2x200xi32, #tpu.memory_space<vmem>> -> memref<2x200xi32, #tpu.memory_space<vmem>>
      %dma_start3A_507 = arith.constant 0 : i32
      %dma_start3A_508 = tpu.memref_slice %arg2[%add3A_490, %dma_start3A_507] : memref<16384x200xi32, #tpu.memory_space<hbm>> -> memref<2x200xi32, #tpu.memory_space<hbm>>
      tpu.enqueue_dma source(%dma_start3A_508 : memref<2x200xi32, #tpu.memory_space<hbm>>) target(%dma_start3A_506 : memref<2x200xi32, #tpu.memory_space<vmem>>) target_semaphore(%dma_start3A_502 : memref<!tpu.dma_semaphore, #tpu.memory_space<semaphore_mem>>)
      %mul3A_509 = arith.constant 4 : i32
      %mul3A_510 = arith.muli %add3A_433, %mul3A_509 : i32
      %add3A_511 = arith.constant 3 : i32
      %add3A_512 = arith.addi %mul3A_510, %add3A_511 : i32
      %mul3A_513 = arith.constant 2 : i32
      %mul3A_514 = arith.muli %add3A_512, %mul3A_513 : i32
      %add3A_515 = arith.addi %mul3A_2, %mul3A_514 : i32
      %dma_start3A_516 = arith.constant 1 : i32
      %dma_start3A_517 = arith.constant 3 : i32
      %dma_start3A_518 = arith.constant 1 : i32
      %dma_start3A_519 = arith.constant 3 : i32
      %dma_start3A_520 = arith.constant 0 : i32
      %dma_start3A_521 = arith.constant 0 : i32
      %dma_start3A_522 = tpu.memref_slice %arg5[%dma_start3A_516, %dma_start3A_517, %dma_start3A_520, %dma_start3A_521] : memref<2x4x2x200xi32, #tpu.memory_space<vmem>> -> memref<1x1x2x200xi32, #tpu.memory_space<vmem>>
      %dma_start3A_523 = tpu.memref_squeeze %dma_start3A_522 : memref<1x1x2x200xi32, #tpu.memory_space<vmem>> -> memref<2x200xi32, #tpu.memory_space<vmem>>
      %dma_start3A_524 = arith.constant 0 : i32
      %dma_start3A_525 = tpu.memref_slice %arg2[%add3A_515, %dma_start3A_524] : memref<16384x200xi32, #tpu.memory_space<hbm>> -> memref<2x200xi32, #tpu.memory_space<hbm>>
      %dma_start3A_526 = tpu.memref_slice %arg7[%dma_start3A_518, %dma_start3A_519] : memref<2x4x!tpu.dma_semaphore, #tpu.memory_space<semaphore_mem>> -> memref<1x1x!tpu.dma_semaphore, #tpu.memory_space<semaphore_mem>>
      %dma_start3A_527 = tpu.memref_squeeze %dma_start3A_526 : memref<1x1x!tpu.dma_semaphore, #tpu.memory_space<semaphore_mem>> -> memref<!tpu.dma_semaphore, #tpu.memory_space<semaphore_mem>>
      %dma_start3A_528 = arith.constant 0 : i32
      %dma_start3A_529 = arith.constant 0 : i32
      %dma_start3A_530 = tpu.memref_slice %arg5[%dma_start3A_516, %dma_start3A_517, %dma_start3A_528, %dma_start3A_529] : memref<2x4x2x200xi32, #tpu.memory_space<vmem>> -> memref<1x1x2x200xi32, #tpu.memory_space<vmem>>
      %dma_start3A_531 = tpu.memref_squeeze %dma_start3A_530 : memref<1x1x2x200xi32, #tpu.memory_space<vmem>> -> memref<2x200xi32, #tpu.memory_space<vmem>>
      %dma_start3A_532 = arith.constant 0 : i32
      %dma_start3A_533 = tpu.memref_slice %arg2[%add3A_515, %dma_start3A_532] : memref<16384x200xi32, #tpu.memory_space<hbm>> -> memref<2x200xi32, #tpu.memory_space<hbm>>
      tpu.enqueue_dma source(%dma_start3A_533 : memref<2x200xi32, #tpu.memory_space<hbm>>) target(%dma_start3A_531 : memref<2x200xi32, #tpu.memory_space<vmem>>) target_semaphore(%dma_start3A_527 : memref<!tpu.dma_semaphore, #tpu.memory_space<semaphore_mem>>)
      %mul3A_534 = arith.constant 4 : i32
      %mul3A_535 = arith.muli %add3A_170, %mul3A_534 : i32
      %add3A_536 = arith.constant 0 : i32
      %add3A_537 = arith.addi %mul3A_535, %add3A_536 : i32
      %mul3A_538 = arith.constant 2 : i32
      %mul3A_539 = arith.muli %add3A_537, %mul3A_538 : i32
      %add3A_540 = arith.addi %mul3A_2, %mul3A_539 : i32
      %dma_wait3A_541 = arith.constant 0 : i32
      %dma_wait3A_542 = arith.constant 0 : i32
      %dma_wait3A_543 = arith.constant 0 : i32
      %dma_wait3A_544 = arith.constant 0 : i32
      %dma_wait3A_545 = arith.constant 0 : i32
      %dma_wait3A_546 = arith.constant 0 : i32
      %dma_wait3A_547 = arith.constant 0 : i32
      %dma_wait3A_548 = arith.constant 0 : i32
      %dma_wait3A_549 = tpu.memref_slice %arg6[%dma_wait3A_544, %dma_wait3A_546, %dma_wait3A_547, %dma_wait3A_548] : memref<4x2x200x64xf32, #tpu.memory_space<vmem>> -> memref<1x2x200x64xf32, #tpu.memory_space<vmem>>
      %dma_wait3A_550 = tpu.memref_squeeze %dma_wait3A_549 : memref<1x2x200x64xf32, #tpu.memory_space<vmem>> -> memref<2x200x64xf32, #tpu.memory_space<vmem>>
      %dma_wait3A_551 = arith.constant 0 : i32
      %dma_wait3A_552 = tpu.memref_slice %arg5[%dma_wait3A_541, %dma_wait3A_542, %dma_wait3A_543, %dma_wait3A_551] : memref<2x4x2x200xi32, #tpu.memory_space<vmem>> -> memref<1x1x1x200xi32, #tpu.memory_space<vmem>>
      %dma_wait3A_553 = tpu.memref_squeeze %dma_wait3A_552 : memref<1x1x1x200xi32, #tpu.memory_space<vmem>> -> memref<200xi32, #tpu.memory_space<vmem>>
      %dma_wait3A_554 = arith.constant 0 : i32
      %dma_wait3A_555 = arith.constant 0 : i32
      %dma_wait3A_556 = tpu.memref_slice %arg3[%dma_wait3A_554, %dma_wait3A_555] : memref<1000000x64xf32, #tpu.memory_space<hbm>> -> memref<1000000x64xf32, #tpu.memory_space<hbm>>
      %dma_wait3A_557 = tpu.memref_slice %arg8[%dma_wait3A_545] : memref<4x!tpu.dma_semaphore, #tpu.memory_space<semaphore_mem>> -> memref<1x!tpu.dma_semaphore, #tpu.memory_space<semaphore_mem>>
      %dma_wait3A_558 = tpu.memref_squeeze %dma_wait3A_557 : memref<1x!tpu.dma_semaphore, #tpu.memory_space<semaphore_mem>> -> memref<!tpu.dma_semaphore, #tpu.memory_space<semaphore_mem>>
      tpu.wait_indirect_dma semaphore(%dma_wait3A_558 : memref<!tpu.dma_semaphore, #tpu.memory_space<semaphore_mem>>) src(%dma_wait3A_556 : memref<1000000x64xf32, #tpu.memory_space<hbm>>) dst(%dma_wait3A_550 : memref<2x200x64xf32, #tpu.memory_space<vmem>>)
      %dma_start3A_559 = arith.constant 0 : i32
      %dma_start3A_560 = arith.constant 0 : i32
      %dma_start3A_561 = arith.constant 0 : i32
      %dma_start3A_562 = arith.constant 0 : i32
      %dma_start3A_563 = arith.constant 0 : i32
      %dma_start3A_564 = tpu.memref_slice %arg6[%dma_start3A_559, %dma_start3A_561, %dma_start3A_562, %dma_start3A_563] : memref<4x2x200x64xf32, #tpu.memory_space<vmem>> -> memref<1x2x200x64xf32, #tpu.memory_space<vmem>>
      %dma_start3A_565 = tpu.memref_squeeze %dma_start3A_564 : memref<1x2x200x64xf32, #tpu.memory_space<vmem>> -> memref<2x200x64xf32, #tpu.memory_space<vmem>>
      %dma_start3A_566 = arith.constant 0 : i32
      %dma_start3A_567 = arith.constant 0 : i32
      %dma_start3A_568 = tpu.memref_slice %arg4[%add3A_540, %dma_start3A_566, %dma_start3A_567] : memref<16384x200x128xf32, #tpu.memory_space<hbm>> -> memref<2x200x64xf32, #tpu.memory_space<hbm>>
      %dma_start3A_569 = tpu.memref_slice %arg9[%dma_start3A_560] : memref<4x!tpu.dma_semaphore, #tpu.memory_space<semaphore_mem>> -> memref<1x!tpu.dma_semaphore, #tpu.memory_space<semaphore_mem>>
      %dma_start3A_570 = tpu.memref_squeeze %dma_start3A_569 : memref<1x!tpu.dma_semaphore, #tpu.memory_space<semaphore_mem>> -> memref<!tpu.dma_semaphore, #tpu.memory_space<semaphore_mem>>
      %dma_start3A_571 = arith.constant 0 : i32
      %dma_start3A_572 = arith.constant 0 : i32
      %dma_start3A_573 = tpu.memref_slice %arg4[%add3A_540, %dma_start3A_571, %dma_start3A_572] : memref<16384x200x128xf32, #tpu.memory_space<hbm>> -> memref<2x200x64xf32, #tpu.memory_space<hbm>>
      %dma_start3A_574 = arith.constant 0 : i32
      %dma_start3A_575 = arith.constant 0 : i32
      %dma_start3A_576 = arith.constant 0 : i32
      %dma_start3A_577 = tpu.memref_slice %arg6[%dma_start3A_559, %dma_start3A_574, %dma_start3A_575, %dma_start3A_576] : memref<4x2x200x64xf32, #tpu.memory_space<vmem>> -> memref<1x2x200x64xf32, #tpu.memory_space<vmem>>
      %dma_start3A_578 = tpu.memref_squeeze %dma_start3A_577 : memref<1x2x200x64xf32, #tpu.memory_space<vmem>> -> memref<2x200x64xf32, #tpu.memory_space<vmem>>
      tpu.enqueue_dma source(%dma_start3A_578 : memref<2x200x64xf32, #tpu.memory_space<vmem>>) target(%dma_start3A_573 : memref<2x200x64xf32, #tpu.memory_space<hbm>>) target_semaphore(%dma_start3A_570 : memref<!tpu.dma_semaphore, #tpu.memory_space<semaphore_mem>>)
      %mul3A_579 = arith.constant 4 : i32
      %mul3A_580 = arith.muli %add3A_170, %mul3A_579 : i32
      %add3A_581 = arith.constant 1 : i32
      %add3A_582 = arith.addi %mul3A_580, %add3A_581 : i32
      %mul3A_583 = arith.constant 2 : i32
      %mul3A_584 = arith.muli %add3A_582, %mul3A_583 : i32
      %add3A_585 = arith.addi %mul3A_2, %mul3A_584 : i32
      %dma_wait3A_586 = arith.constant 0 : i32
      %dma_wait3A_587 = arith.constant 1 : i32
      %dma_wait3A_588 = arith.constant 0 : i32
      %dma_wait3A_589 = arith.constant 1 : i32
      %dma_wait3A_590 = arith.constant 1 : i32
      %dma_wait3A_591 = arith.constant 0 : i32
      %dma_wait3A_592 = arith.constant 0 : i32
      %dma_wait3A_593 = arith.constant 0 : i32
      %dma_wait3A_594 = tpu.memref_slice %arg6[%dma_wait3A_589, %dma_wait3A_591, %dma_wait3A_592, %dma_wait3A_593] : memref<4x2x200x64xf32, #tpu.memory_space<vmem>> -> memref<1x2x200x64xf32, #tpu.memory_space<vmem>>
      %dma_wait3A_595 = tpu.memref_squeeze %dma_wait3A_594 : memref<1x2x200x64xf32, #tpu.memory_space<vmem>> -> memref<2x200x64xf32, #tpu.memory_space<vmem>>
      %dma_wait3A_596 = arith.constant 0 : i32
      %dma_wait3A_597 = tpu.memref_slice %arg5[%dma_wait3A_586, %dma_wait3A_587, %dma_wait3A_588, %dma_wait3A_596] : memref<2x4x2x200xi32, #tpu.memory_space<vmem>> -> memref<1x1x1x200xi32, #tpu.memory_space<vmem>>
      %dma_wait3A_598 = tpu.memref_squeeze %dma_wait3A_597 : memref<1x1x1x200xi32, #tpu.memory_space<vmem>> -> memref<200xi32, #tpu.memory_space<vmem>>
      %dma_wait3A_599 = arith.constant 0 : i32
      %dma_wait3A_600 = arith.constant 0 : i32
      %dma_wait3A_601 = tpu.memref_slice %arg3[%dma_wait3A_599, %dma_wait3A_600] : memref<1000000x64xf32, #tpu.memory_space<hbm>> -> memref<1000000x64xf32, #tpu.memory_space<hbm>>
      %dma_wait3A_602 = tpu.memref_slice %arg8[%dma_wait3A_590] : memref<4x!tpu.dma_semaphore, #tpu.memory_space<semaphore_mem>> -> memref<1x!tpu.dma_semaphore, #tpu.memory_space<semaphore_mem>>
      %dma_wait3A_603 = tpu.memref_squeeze %dma_wait3A_602 : memref<1x!tpu.dma_semaphore, #tpu.memory_space<semaphore_mem>> -> memref<!tpu.dma_semaphore, #tpu.memory_space<semaphore_mem>>
      tpu.wait_indirect_dma semaphore(%dma_wait3A_603 : memref<!tpu.dma_semaphore, #tpu.memory_space<semaphore_mem>>) src(%dma_wait3A_601 : memref<1000000x64xf32, #tpu.memory_space<hbm>>) dst(%dma_wait3A_595 : memref<2x200x64xf32, #tpu.memory_space<vmem>>)
      %dma_start3A_604 = arith.constant 1 : i32
      %dma_start3A_605 = arith.constant 1 : i32
      %dma_start3A_606 = arith.constant 0 : i32
      %dma_start3A_607 = arith.constant 0 : i32
      %dma_start3A_608 = arith.constant 0 : i32
      %dma_start3A_609 = tpu.memref_slice %arg6[%dma_start3A_604, %dma_start3A_606, %dma_start3A_607, %dma_start3A_608] : memref<4x2x200x64xf32, #tpu.memory_space<vmem>> -> memref<1x2x200x64xf32, #tpu.memory_space<vmem>>
      %dma_start3A_610 = tpu.memref_squeeze %dma_start3A_609 : memref<1x2x200x64xf32, #tpu.memory_space<vmem>> -> memref<2x200x64xf32, #tpu.memory_space<vmem>>
      %dma_start3A_611 = arith.constant 0 : i32
      %dma_start3A_612 = arith.constant 0 : i32
      %dma_start3A_613 = tpu.memref_slice %arg4[%add3A_585, %dma_start3A_611, %dma_start3A_612] : memref<16384x200x128xf32, #tpu.memory_space<hbm>> -> memref<2x200x64xf32, #tpu.memory_space<hbm>>
      %dma_start3A_614 = tpu.memref_slice %arg9[%dma_start3A_605] : memref<4x!tpu.dma_semaphore, #tpu.memory_space<semaphore_mem>> -> memref<1x!tpu.dma_semaphore, #tpu.memory_space<semaphore_mem>>
      %dma_start3A_615 = tpu.memref_squeeze %dma_start3A_614 : memref<1x!tpu.dma_semaphore, #tpu.memory_space<semaphore_mem>> -> memref<!tpu.dma_semaphore, #tpu.memory_space<semaphore_mem>>
      %dma_start3A_616 = arith.constant 0 : i32
      %dma_start3A_617 = arith.constant 0 : i32
      %dma_start3A_618 = tpu.memref_slice %arg4[%add3A_585, %dma_start3A_616, %dma_start3A_617] : memref<16384x200x128xf32, #tpu.memory_space<hbm>> -> memref<2x200x64xf32, #tpu.memory_space<hbm>>
      %dma_start3A_619 = arith.constant 0 : i32
      %dma_start3A_620 = arith.constant 0 : i32
      %dma_start3A_621 = arith.constant 0 : i32
      %dma_start3A_622 = tpu.memref_slice %arg6[%dma_start3A_604, %dma_start3A_619, %dma_start3A_620, %dma_start3A_621] : memref<4x2x200x64xf32, #tpu.memory_space<vmem>> -> memref<1x2x200x64xf32, #tpu.memory_space<vmem>>
      %dma_start3A_623 = tpu.memref_squeeze %dma_start3A_622 : memref<1x2x200x64xf32, #tpu.memory_space<vmem>> -> memref<2x200x64xf32, #tpu.memory_space<vmem>>
      tpu.enqueue_dma source(%dma_start3A_623 : memref<2x200x64xf32, #tpu.memory_space<vmem>>) target(%dma_start3A_618 : memref<2x200x64xf32, #tpu.memory_space<hbm>>) target_semaphore(%dma_start3A_615 : memref<!tpu.dma_semaphore, #tpu.memory_space<semaphore_mem>>)
      %mul3A_624 = arith.constant 4 : i32
      %mul3A_625 = arith.muli %add3A_170, %mul3A_624 : i32
      %add3A_626 = arith.constant 2 : i32
      %add3A_627 = arith.addi %mul3A_625, %add3A_626 : i32
      %mul3A_628 = arith.constant 2 : i32
      %mul3A_629 = arith.muli %add3A_627, %mul3A_628 : i32
      %add3A_630 = arith.addi %mul3A_2, %mul3A_629 : i32
      %dma_wait3A_631 = arith.constant 0 : i32
      %dma_wait3A_632 = arith.constant 2 : i32
      %dma_wait3A_633 = arith.constant 0 : i32
      %dma_wait3A_634 = arith.constant 2 : i32
      %dma_wait3A_635 = arith.constant 2 : i32
      %dma_wait3A_636 = arith.constant 0 : i32
      %dma_wait3A_637 = arith.constant 0 : i32
      %dma_wait3A_638 = arith.constant 0 : i32
      %dma_wait3A_639 = tpu.memref_slice %arg6[%dma_wait3A_634, %dma_wait3A_636, %dma_wait3A_637, %dma_wait3A_638] : memref<4x2x200x64xf32, #tpu.memory_space<vmem>> -> memref<1x2x200x64xf32, #tpu.memory_space<vmem>>
      %dma_wait3A_640 = tpu.memref_squeeze %dma_wait3A_639 : memref<1x2x200x64xf32, #tpu.memory_space<vmem>> -> memref<2x200x64xf32, #tpu.memory_space<vmem>>
      %dma_wait3A_641 = arith.constant 0 : i32
      %dma_wait3A_642 = tpu.memref_slice %arg5[%dma_wait3A_631, %dma_wait3A_632, %dma_wait3A_633, %dma_wait3A_641] : memref<2x4x2x200xi32, #tpu.memory_space<vmem>> -> memref<1x1x1x200xi32, #tpu.memory_space<vmem>>
      %dma_wait3A_643 = tpu.memref_squeeze %dma_wait3A_642 : memref<1x1x1x200xi32, #tpu.memory_space<vmem>> -> memref<200xi32, #tpu.memory_space<vmem>>
      %dma_wait3A_644 = arith.constant 0 : i32
      %dma_wait3A_645 = arith.constant 0 : i32
      %dma_wait3A_646 = tpu.memref_slice %arg3[%dma_wait3A_644, %dma_wait3A_645] : memref<1000000x64xf32, #tpu.memory_space<hbm>> -> memref<1000000x64xf32, #tpu.memory_space<hbm>>
      %dma_wait3A_647 = tpu.memref_slice %arg8[%dma_wait3A_635] : memref<4x!tpu.dma_semaphore, #tpu.memory_space<semaphore_mem>> -> memref<1x!tpu.dma_semaphore, #tpu.memory_space<semaphore_mem>>
      %dma_wait3A_648 = tpu.memref_squeeze %dma_wait3A_647 : memref<1x!tpu.dma_semaphore, #tpu.memory_space<semaphore_mem>> -> memref<!tpu.dma_semaphore, #tpu.memory_space<semaphore_mem>>
      tpu.wait_indirect_dma semaphore(%dma_wait3A_648 : memref<!tpu.dma_semaphore, #tpu.memory_space<semaphore_mem>>) src(%dma_wait3A_646 : memref<1000000x64xf32, #tpu.memory_space<hbm>>) dst(%dma_wait3A_640 : memref<2x200x64xf32, #tpu.memory_space<vmem>>)
      %dma_start3A_649 = arith.constant 2 : i32
      %dma_start3A_650 = arith.constant 2 : i32
      %dma_start3A_651 = arith.constant 0 : i32
      %dma_start3A_652 = arith.constant 0 : i32
      %dma_start3A_653 = arith.constant 0 : i32
      %dma_start3A_654 = tpu.memref_slice %arg6[%dma_start3A_649, %dma_start3A_651, %dma_start3A_652, %dma_start3A_653] : memref<4x2x200x64xf32, #tpu.memory_space<vmem>> -> memref<1x2x200x64xf32, #tpu.memory_space<vmem>>
      %dma_start3A_655 = tpu.memref_squeeze %dma_start3A_654 : memref<1x2x200x64xf32, #tpu.memory_space<vmem>> -> memref<2x200x64xf32, #tpu.memory_space<vmem>>
      %dma_start3A_656 = arith.constant 0 : i32
      %dma_start3A_657 = arith.constant 0 : i32
      %dma_start3A_658 = tpu.memref_slice %arg4[%add3A_630, %dma_start3A_656, %dma_start3A_657] : memref<16384x200x128xf32, #tpu.memory_space<hbm>> -> memref<2x200x64xf32, #tpu.memory_space<hbm>>
      %dma_start3A_659 = tpu.memref_slice %arg9[%dma_start3A_650] : memref<4x!tpu.dma_semaphore, #tpu.memory_space<semaphore_mem>> -> memref<1x!tpu.dma_semaphore, #tpu.memory_space<semaphore_mem>>
      %dma_start3A_660 = tpu.memref_squeeze %dma_start3A_659 : memref<1x!tpu.dma_semaphore, #tpu.memory_space<semaphore_mem>> -> memref<!tpu.dma_semaphore, #tpu.memory_space<semaphore_mem>>
      %dma_start3A_661 = arith.constant 0 : i32
      %dma_start3A_662 = arith.constant 0 : i32
      %dma_start3A_663 = tpu.memref_slice %arg4[%add3A_630, %dma_start3A_661, %dma_start3A_662] : memref<16384x200x128xf32, #tpu.memory_space<hbm>> -> memref<2x200x64xf32, #tpu.memory_space<hbm>>
      %dma_start3A_664 = arith.constant 0 : i32
      %dma_start3A_665 = arith.constant 0 : i32
      %dma_start3A_666 = arith.constant 0 : i32
      %dma_start3A_667 = tpu.memref_slice %arg6[%dma_start3A_649, %dma_start3A_664, %dma_start3A_665, %dma_start3A_666] : memref<4x2x200x64xf32, #tpu.memory_space<vmem>> -> memref<1x2x200x64xf32, #tpu.memory_space<vmem>>
      %dma_start3A_668 = tpu.memref_squeeze %dma_start3A_667 : memref<1x2x200x64xf32, #tpu.memory_space<vmem>> -> memref<2x200x64xf32, #tpu.memory_space<vmem>>
      tpu.enqueue_dma source(%dma_start3A_668 : memref<2x200x64xf32, #tpu.memory_space<vmem>>) target(%dma_start3A_663 : memref<2x200x64xf32, #tpu.memory_space<hbm>>) target_semaphore(%dma_start3A_660 : memref<!tpu.dma_semaphore, #tpu.memory_space<semaphore_mem>>)
      %mul3A_669 = arith.constant 4 : i32
      %mul3A_670 = arith.muli %add3A_170, %mul3A_669 : i32
      %add3A_671 = arith.constant 3 : i32
      %add3A_672 = arith.addi %mul3A_670, %add3A_671 : i32
      %mul3A_673 = arith.constant 2 : i32
      %mul3A_674 = arith.muli %add3A_672, %mul3A_673 : i32
      %add3A_675 = arith.addi %mul3A_2, %mul3A_674 : i32
      %dma_wait3A_676 = arith.constant 0 : i32
      %dma_wait3A_677 = arith.constant 3 : i32
      %dma_wait3A_678 = arith.constant 0 : i32
      %dma_wait3A_679 = arith.constant 3 : i32
      %dma_wait3A_680 = arith.constant 3 : i32
      %dma_wait3A_681 = arith.constant 0 : i32
      %dma_wait3A_682 = arith.constant 0 : i32
      %dma_wait3A_683 = arith.constant 0 : i32
      %dma_wait3A_684 = tpu.memref_slice %arg6[%dma_wait3A_679, %dma_wait3A_681, %dma_wait3A_682, %dma_wait3A_683] : memref<4x2x200x64xf32, #tpu.memory_space<vmem>> -> memref<1x2x200x64xf32, #tpu.memory_space<vmem>>
      %dma_wait3A_685 = tpu.memref_squeeze %dma_wait3A_684 : memref<1x2x200x64xf32, #tpu.memory_space<vmem>> -> memref<2x200x64xf32, #tpu.memory_space<vmem>>
      %dma_wait3A_686 = arith.constant 0 : i32
      %dma_wait3A_687 = tpu.memref_slice %arg5[%dma_wait3A_676, %dma_wait3A_677, %dma_wait3A_678, %dma_wait3A_686] : memref<2x4x2x200xi32, #tpu.memory_space<vmem>> -> memref<1x1x1x200xi32, #tpu.memory_space<vmem>>
      %dma_wait3A_688 = tpu.memref_squeeze %dma_wait3A_687 : memref<1x1x1x200xi32, #tpu.memory_space<vmem>> -> memref<200xi32, #tpu.memory_space<vmem>>
      %dma_wait3A_689 = arith.constant 0 : i32
      %dma_wait3A_690 = arith.constant 0 : i32
      %dma_wait3A_691 = tpu.memref_slice %arg3[%dma_wait3A_689, %dma_wait3A_690] : memref<1000000x64xf32, #tpu.memory_space<hbm>> -> memref<1000000x64xf32, #tpu.memory_space<hbm>>
      %dma_wait3A_692 = tpu.memref_slice %arg8[%dma_wait3A_680] : memref<4x!tpu.dma_semaphore, #tpu.memory_space<semaphore_mem>> -> memref<1x!tpu.dma_semaphore, #tpu.memory_space<semaphore_mem>>
      %dma_wait3A_693 = tpu.memref_squeeze %dma_wait3A_692 : memref<1x!tpu.dma_semaphore, #tpu.memory_space<semaphore_mem>> -> memref<!tpu.dma_semaphore, #tpu.memory_space<semaphore_mem>>
      tpu.wait_indirect_dma semaphore(%dma_wait3A_693 : memref<!tpu.dma_semaphore, #tpu.memory_space<semaphore_mem>>) src(%dma_wait3A_691 : memref<1000000x64xf32, #tpu.memory_space<hbm>>) dst(%dma_wait3A_685 : memref<2x200x64xf32, #tpu.memory_space<vmem>>)
      %dma_start3A_694 = arith.constant 3 : i32
      %dma_start3A_695 = arith.constant 3 : i32
      %dma_start3A_696 = arith.constant 0 : i32
      %dma_start3A_697 = arith.constant 0 : i32
      %dma_start3A_698 = arith.constant 0 : i32
      %dma_start3A_699 = tpu.memref_slice %arg6[%dma_start3A_694, %dma_start3A_696, %dma_start3A_697, %dma_start3A_698] : memref<4x2x200x64xf32, #tpu.memory_space<vmem>> -> memref<1x2x200x64xf32, #tpu.memory_space<vmem>>
      %dma_start3A_700 = tpu.memref_squeeze %dma_start3A_699 : memref<1x2x200x64xf32, #tpu.memory_space<vmem>> -> memref<2x200x64xf32, #tpu.memory_space<vmem>>
      %dma_start3A_701 = arith.constant 0 : i32
      %dma_start3A_702 = arith.constant 0 : i32
      %dma_start3A_703 = tpu.memref_slice %arg4[%add3A_675, %dma_start3A_701, %dma_start3A_702] : memref<16384x200x128xf32, #tpu.memory_space<hbm>> -> memref<2x200x64xf32, #tpu.memory_space<hbm>>
      %dma_start3A_704 = tpu.memref_slice %arg9[%dma_start3A_695] : memref<4x!tpu.dma_semaphore, #tpu.memory_space<semaphore_mem>> -> memref<1x!tpu.dma_semaphore, #tpu.memory_space<semaphore_mem>>
      %dma_start3A_705 = tpu.memref_squeeze %dma_start3A_704 : memref<1x!tpu.dma_semaphore, #tpu.memory_space<semaphore_mem>> -> memref<!tpu.dma_semaphore, #tpu.memory_space<semaphore_mem>>
      %dma_start3A_706 = arith.constant 0 : i32
      %dma_start3A_707 = arith.constant 0 : i32
      %dma_start3A_708 = tpu.memref_slice %arg4[%add3A_675, %dma_start3A_706, %dma_start3A_707] : memref<16384x200x128xf32, #tpu.memory_space<hbm>> -> memref<2x200x64xf32, #tpu.memory_space<hbm>>
      %dma_start3A_709 = arith.constant 0 : i32
      %dma_start3A_710 = arith.constant 0 : i32
      %dma_start3A_711 = arith.constant 0 : i32
      %dma_start3A_712 = tpu.memref_slice %arg6[%dma_start3A_694, %dma_start3A_709, %dma_start3A_710, %dma_start3A_711] : memref<4x2x200x64xf32, #tpu.memory_space<vmem>> -> memref<1x2x200x64xf32, #tpu.memory_space<vmem>>
      %dma_start3A_713 = tpu.memref_squeeze %dma_start3A_712 : memref<1x2x200x64xf32, #tpu.memory_space<vmem>> -> memref<2x200x64xf32, #tpu.memory_space<vmem>>
      tpu.enqueue_dma source(%dma_start3A_713 : memref<2x200x64xf32, #tpu.memory_space<vmem>>) target(%dma_start3A_708 : memref<2x200x64xf32, #tpu.memory_space<hbm>>) target_semaphore(%dma_start3A_705 : memref<!tpu.dma_semaphore, #tpu.memory_space<semaphore_mem>>)
      %mul3A_714 = arith.constant 2 : i32
      %mul3A_715 = arith.muli %mul3A_714, %scan3A_166 : i32
      %add3A_716 = arith.constant 1 : i32
      %add3A_717 = arith.addi %mul3A_715, %add3A_716 : i32
      %mul3A_718 = arith.constant 4 : i32
      %mul3A_719 = arith.muli %add3A_717, %mul3A_718 : i32
      %add3A_720 = arith.constant 0 : i32
      %add3A_721 = arith.addi %mul3A_719, %add3A_720 : i32
      %mul3A_722 = arith.constant 2 : i32
      %mul3A_723 = arith.muli %add3A_721, %mul3A_722 : i32
      %add3A_724 = arith.addi %mul3A_2, %mul3A_723 : i32
      %gt3A_725 = arith.constant 0 : i32
      %gt3A_726 = arith.cmpi sgt, %add3A_717, %gt3A_725 : i32
      %convert_element_type3A_727 = arith.extui %gt3A_726 : i1 to i32
      %cond3A_728 = arith.constant 0 : i32
      %cond3A_729 = arith.cmpi ne, %convert_element_type3A_727, %cond3A_728 : i32
      scf.if %cond3A_729 {
        %dma_wait3A_1166 = arith.constant 0 : i32
        %dma_wait3A_1167 = arith.constant 0 : i32
        %dma_wait3A_1168 = arith.constant 0 : i32
        %dma_wait3A_1169 = arith.constant 0 : i32
        %dma_wait3A_1170 = arith.constant 0 : i32
        %dma_wait3A_1171 = tpu.memref_slice %arg6[%dma_wait3A_1166, %dma_wait3A_1168, %dma_wait3A_1169, %dma_wait3A_1170] : memref<4x2x200x64xf32, #tpu.memory_space<vmem>> -> memref<1x2x200x64xf32, #tpu.memory_space<vmem>>
        %dma_wait3A_1172 = tpu.memref_squeeze %dma_wait3A_1171 : memref<1x2x200x64xf32, #tpu.memory_space<vmem>> -> memref<2x200x64xf32, #tpu.memory_space<vmem>>
        %dma_wait3A_1173 = arith.constant 0 : i32
        %dma_wait3A_1174 = arith.constant 0 : i32
        %dma_wait3A_1175 = tpu.memref_slice %arg4[%add3A_724, %dma_wait3A_1173, %dma_wait3A_1174] : memref<16384x200x128xf32, #tpu.memory_space<hbm>> -> memref<2x200x64xf32, #tpu.memory_space<hbm>>
        %dma_wait3A_1176 = tpu.memref_slice %arg9[%dma_wait3A_1167] : memref<4x!tpu.dma_semaphore, #tpu.memory_space<semaphore_mem>> -> memref<1x!tpu.dma_semaphore, #tpu.memory_space<semaphore_mem>>
        %dma_wait3A_1177 = tpu.memref_squeeze %dma_wait3A_1176 : memref<1x!tpu.dma_semaphore, #tpu.memory_space<semaphore_mem>> -> memref<!tpu.dma_semaphore, #tpu.memory_space<semaphore_mem>>
        %dma_wait3A_1178 = arith.constant 0 : i32
        %dma_wait3A_1179 = arith.constant 0 : i32
        %dma_wait3A_1180 = tpu.memref_slice %arg4[%add3A_724, %dma_wait3A_1178, %dma_wait3A_1179] : memref<16384x200x128xf32, #tpu.memory_space<hbm>> -> memref<2x200x64xf32, #tpu.memory_space<hbm>>
        %dma_wait3A_1181 = arith.constant 0 : i32
        %dma_wait3A_1182 = arith.constant 0 : i32
        %dma_wait3A_1183 = arith.constant 0 : i32
        %dma_wait3A_1184 = tpu.memref_slice %arg6[%dma_wait3A_1166, %dma_wait3A_1181, %dma_wait3A_1182, %dma_wait3A_1183] : memref<4x2x200x64xf32, #tpu.memory_space<vmem>> -> memref<1x2x200x64xf32, #tpu.memory_space<vmem>>
        %dma_wait3A_1185 = tpu.memref_squeeze %dma_wait3A_1184 : memref<1x2x200x64xf32, #tpu.memory_space<vmem>> -> memref<2x200x64xf32, #tpu.memory_space<vmem>>
        tpu.wait_dma2 semaphore(%dma_wait3A_1177 : memref<!tpu.dma_semaphore, #tpu.memory_space<semaphore_mem>>) src(%dma_wait3A_1185 : memref<2x200x64xf32, #tpu.memory_space<vmem>>) dst(%dma_wait3A_1180 : memref<2x200x64xf32, #tpu.memory_space<hbm>>)
      } else {
      }
      %dma_wait3A_730 = arith.constant 1 : i32
      %dma_wait3A_731 = arith.constant 0 : i32
      %dma_wait3A_732 = arith.constant 1 : i32
      %dma_wait3A_733 = arith.constant 0 : i32
      %dma_wait3A_734 = arith.constant 0 : i32
      %dma_wait3A_735 = arith.constant 0 : i32
      %dma_wait3A_736 = tpu.memref_slice %arg5[%dma_wait3A_730, %dma_wait3A_731, %dma_wait3A_734, %dma_wait3A_735] : memref<2x4x2x200xi32, #tpu.memory_space<vmem>> -> memref<1x1x2x200xi32, #tpu.memory_space<vmem>>
      %dma_wait3A_737 = tpu.memref_squeeze %dma_wait3A_736 : memref<1x1x2x200xi32, #tpu.memory_space<vmem>> -> memref<2x200xi32, #tpu.memory_space<vmem>>
      %dma_wait3A_738 = arith.constant 0 : i32
      %dma_wait3A_739 = tpu.memref_slice %arg2[%add3A_724, %dma_wait3A_738] : memref<16384x200xi32, #tpu.memory_space<hbm>> -> memref<2x200xi32, #tpu.memory_space<hbm>>
      %dma_wait3A_740 = tpu.memref_slice %arg7[%dma_wait3A_732, %dma_wait3A_733] : memref<2x4x!tpu.dma_semaphore, #tpu.memory_space<semaphore_mem>> -> memref<1x1x!tpu.dma_semaphore, #tpu.memory_space<semaphore_mem>>
      %dma_wait3A_741 = tpu.memref_squeeze %dma_wait3A_740 : memref<1x1x!tpu.dma_semaphore, #tpu.memory_space<semaphore_mem>> -> memref<!tpu.dma_semaphore, #tpu.memory_space<semaphore_mem>>
      %dma_wait3A_742 = arith.constant 0 : i32
      %dma_wait3A_743 = arith.constant 0 : i32
      %dma_wait3A_744 = tpu.memref_slice %arg5[%dma_wait3A_730, %dma_wait3A_731, %dma_wait3A_742, %dma_wait3A_743] : memref<2x4x2x200xi32, #tpu.memory_space<vmem>> -> memref<1x1x2x200xi32, #tpu.memory_space<vmem>>
      %dma_wait3A_745 = tpu.memref_squeeze %dma_wait3A_744 : memref<1x1x2x200xi32, #tpu.memory_space<vmem>> -> memref<2x200xi32, #tpu.memory_space<vmem>>
      %dma_wait3A_746 = arith.constant 0 : i32
      %dma_wait3A_747 = tpu.memref_slice %arg2[%add3A_724, %dma_wait3A_746] : memref<16384x200xi32, #tpu.memory_space<hbm>> -> memref<2x200xi32, #tpu.memory_space<hbm>>
      tpu.wait_dma2 semaphore(%dma_wait3A_741 : memref<!tpu.dma_semaphore, #tpu.memory_space<semaphore_mem>>) src(%dma_wait3A_747 : memref<2x200xi32, #tpu.memory_space<hbm>>) dst(%dma_wait3A_745 : memref<2x200xi32, #tpu.memory_space<vmem>>)
      %dma_start3A_748 = arith.constant 1 : i32
      %dma_start3A_749 = arith.constant 0 : i32
      %dma_start3A_750 = arith.constant 0 : i32
      %dma_start3A_751 = arith.constant 0 : i32
      %dma_start3A_752 = arith.constant 0 : i32
      %dma_start3A_753 = arith.constant 0 : i32
      %dma_start3A_754 = arith.constant 0 : i32
      %dma_start3A_755 = arith.constant 0 : i32
      %dma_start3A_756 = tpu.memref_slice %arg6[%dma_start3A_751, %dma_start3A_752, %dma_start3A_754, %dma_start3A_755] : memref<4x2x200x64xf32, #tpu.memory_space<vmem>> -> memref<1x1x200x64xf32, #tpu.memory_space<vmem>>
      %dma_start3A_757 = tpu.memref_squeeze %dma_start3A_756 : memref<1x1x200x64xf32, #tpu.memory_space<vmem>> -> memref<200x64xf32, #tpu.memory_space<vmem>>
      %dma_start3A_758 = arith.constant 0 : i32
      %dma_start3A_759 = tpu.memref_slice %arg5[%dma_start3A_748, %dma_start3A_749, %dma_start3A_750, %dma_start3A_758] : memref<2x4x2x200xi32, #tpu.memory_space<vmem>> -> memref<1x1x1x200xi32, #tpu.memory_space<vmem>>
      %dma_start3A_760 = tpu.memref_squeeze %dma_start3A_759 : memref<1x1x1x200xi32, #tpu.memory_space<vmem>> -> memref<200xi32, #tpu.memory_space<vmem>>
      %dma_start3A_761 = arith.constant 0 : i32
      %dma_start3A_762 = arith.constant 0 : i32
      %dma_start3A_763 = tpu.memref_slice %arg3[%dma_start3A_761, %dma_start3A_762] : memref<1000000x64xf32, #tpu.memory_space<hbm>> -> memref<1000000x64xf32, #tpu.memory_space<hbm>>
      %dma_start3A_764 = tpu.memref_slice %arg8[%dma_start3A_753] : memref<4x!tpu.dma_semaphore, #tpu.memory_space<semaphore_mem>> -> memref<1x!tpu.dma_semaphore, #tpu.memory_space<semaphore_mem>>
      %dma_start3A_765 = tpu.memref_squeeze %dma_start3A_764 : memref<1x!tpu.dma_semaphore, #tpu.memory_space<semaphore_mem>> -> memref<!tpu.dma_semaphore, #tpu.memory_space<semaphore_mem>>
      tpu.enqueue_indirect_dma source(%dma_start3A_763 : memref<1000000x64xf32, #tpu.memory_space<hbm>>) target(%dma_start3A_757 : memref<200x64xf32, #tpu.memory_space<vmem>>) offsets(%dma_start3A_760 : memref<200xi32, #tpu.memory_space<vmem>>) semaphore(%dma_start3A_765 : memref<!tpu.dma_semaphore, #tpu.memory_space<semaphore_mem>>)
      %dma_start3A_766 = arith.constant 1 : i32
      %dma_start3A_767 = arith.constant 0 : i32
      %dma_start3A_768 = arith.constant 1 : i32
      %dma_start3A_769 = arith.constant 0 : i32
      %dma_start3A_770 = arith.constant 1 : i32
      %dma_start3A_771 = arith.constant 0 : i32
      %dma_start3A_772 = arith.constant 0 : i32
      %dma_start3A_773 = arith.constant 0 : i32
      %dma_start3A_774 = tpu.memref_slice %arg6[%dma_start3A_769, %dma_start3A_770, %dma_start3A_772, %dma_start3A_773] : memref<4x2x200x64xf32, #tpu.memory_space<vmem>> -> memref<1x1x200x64xf32, #tpu.memory_space<vmem>>
      %dma_start3A_775 = tpu.memref_squeeze %dma_start3A_774 : memref<1x1x200x64xf32, #tpu.memory_space<vmem>> -> memref<200x64xf32, #tpu.memory_space<vmem>>
      %dma_start3A_776 = arith.constant 0 : i32
      %dma_start3A_777 = tpu.memref_slice %arg5[%dma_start3A_766, %dma_start3A_767, %dma_start3A_768, %dma_start3A_776] : memref<2x4x2x200xi32, #tpu.memory_space<vmem>> -> memref<1x1x1x200xi32, #tpu.memory_space<vmem>>
      %dma_start3A_778 = tpu.memref_squeeze %dma_start3A_777 : memref<1x1x1x200xi32, #tpu.memory_space<vmem>> -> memref<200xi32, #tpu.memory_space<vmem>>
      %dma_start3A_779 = arith.constant 0 : i32
      %dma_start3A_780 = arith.constant 0 : i32
      %dma_start3A_781 = tpu.memref_slice %arg3[%dma_start3A_779, %dma_start3A_780] : memref<1000000x64xf32, #tpu.memory_space<hbm>> -> memref<1000000x64xf32, #tpu.memory_space<hbm>>
      %dma_start3A_782 = tpu.memref_slice %arg8[%dma_start3A_771] : memref<4x!tpu.dma_semaphore, #tpu.memory_space<semaphore_mem>> -> memref<1x!tpu.dma_semaphore, #tpu.memory_space<semaphore_mem>>
      %dma_start3A_783 = tpu.memref_squeeze %dma_start3A_782 : memref<1x!tpu.dma_semaphore, #tpu.memory_space<semaphore_mem>> -> memref<!tpu.dma_semaphore, #tpu.memory_space<semaphore_mem>>
      tpu.enqueue_indirect_dma source(%dma_start3A_781 : memref<1000000x64xf32, #tpu.memory_space<hbm>>) target(%dma_start3A_775 : memref<200x64xf32, #tpu.memory_space<vmem>>) offsets(%dma_start3A_778 : memref<200xi32, #tpu.memory_space<vmem>>) semaphore(%dma_start3A_783 : memref<!tpu.dma_semaphore, #tpu.memory_space<semaphore_mem>>)
      %mul3A_784 = arith.constant 4 : i32
      %mul3A_785 = arith.muli %add3A_717, %mul3A_784 : i32
      %add3A_786 = arith.constant 1 : i32
      %add3A_787 = arith.addi %mul3A_785, %add3A_786 : i32
      %mul3A_788 = arith.constant 2 : i32
      %mul3A_789 = arith.muli %add3A_787, %mul3A_788 : i32
      %add3A_790 = arith.addi %mul3A_2, %mul3A_789 : i32
      %gt3A_791 = arith.constant 0 : i32
      %gt3A_792 = arith.cmpi sgt, %add3A_717, %gt3A_791 : i32
      %convert_element_type3A_793 = arith.extui %gt3A_792 : i1 to i32
      %cond3A_794 = arith.constant 0 : i32
      %cond3A_795 = arith.cmpi ne, %convert_element_type3A_793, %cond3A_794 : i32
      scf.if %cond3A_795 {
        %dma_wait3A_1166 = arith.constant 1 : i32
        %dma_wait3A_1167 = arith.constant 1 : i32
        %dma_wait3A_1168 = arith.constant 0 : i32
        %dma_wait3A_1169 = arith.constant 0 : i32
        %dma_wait3A_1170 = arith.constant 0 : i32
        %dma_wait3A_1171 = tpu.memref_slice %arg6[%dma_wait3A_1166, %dma_wait3A_1168, %dma_wait3A_1169, %dma_wait3A_1170] : memref<4x2x200x64xf32, #tpu.memory_space<vmem>> -> memref<1x2x200x64xf32, #tpu.memory_space<vmem>>
        %dma_wait3A_1172 = tpu.memref_squeeze %dma_wait3A_1171 : memref<1x2x200x64xf32, #tpu.memory_space<vmem>> -> memref<2x200x64xf32, #tpu.memory_space<vmem>>
        %dma_wait3A_1173 = arith.constant 0 : i32
        %dma_wait3A_1174 = arith.constant 0 : i32
        %dma_wait3A_1175 = tpu.memref_slice %arg4[%add3A_790, %dma_wait3A_1173, %dma_wait3A_1174] : memref<16384x200x128xf32, #tpu.memory_space<hbm>> -> memref<2x200x64xf32, #tpu.memory_space<hbm>>
        %dma_wait3A_1176 = tpu.memref_slice %arg9[%dma_wait3A_1167] : memref<4x!tpu.dma_semaphore, #tpu.memory_space<semaphore_mem>> -> memref<1x!tpu.dma_semaphore, #tpu.memory_space<semaphore_mem>>
        %dma_wait3A_1177 = tpu.memref_squeeze %dma_wait3A_1176 : memref<1x!tpu.dma_semaphore, #tpu.memory_space<semaphore_mem>> -> memref<!tpu.dma_semaphore, #tpu.memory_space<semaphore_mem>>
        %dma_wait3A_1178 = arith.constant 0 : i32
        %dma_wait3A_1179 = arith.constant 0 : i32
        %dma_wait3A_1180 = tpu.memref_slice %arg4[%add3A_790, %dma_wait3A_1178, %dma_wait3A_1179] : memref<16384x200x128xf32, #tpu.memory_space<hbm>> -> memref<2x200x64xf32, #tpu.memory_space<hbm>>
        %dma_wait3A_1181 = arith.constant 0 : i32
        %dma_wait3A_1182 = arith.constant 0 : i32
        %dma_wait3A_1183 = arith.constant 0 : i32
        %dma_wait3A_1184 = tpu.memref_slice %arg6[%dma_wait3A_1166, %dma_wait3A_1181, %dma_wait3A_1182, %dma_wait3A_1183] : memref<4x2x200x64xf32, #tpu.memory_space<vmem>> -> memref<1x2x200x64xf32, #tpu.memory_space<vmem>>
        %dma_wait3A_1185 = tpu.memref_squeeze %dma_wait3A_1184 : memref<1x2x200x64xf32, #tpu.memory_space<vmem>> -> memref<2x200x64xf32, #tpu.memory_space<vmem>>
        tpu.wait_dma2 semaphore(%dma_wait3A_1177 : memref<!tpu.dma_semaphore, #tpu.memory_space<semaphore_mem>>) src(%dma_wait3A_1185 : memref<2x200x64xf32, #tpu.memory_space<vmem>>) dst(%dma_wait3A_1180 : memref<2x200x64xf32, #tpu.memory_space<hbm>>)
      } else {
      }
      %dma_wait3A_796 = arith.constant 1 : i32
      %dma_wait3A_797 = arith.constant 1 : i32
      %dma_wait3A_798 = arith.constant 1 : i32
      %dma_wait3A_799 = arith.constant 1 : i32
      %dma_wait3A_800 = arith.constant 0 : i32
      %dma_wait3A_801 = arith.constant 0 : i32
      %dma_wait3A_802 = tpu.memref_slice %arg5[%dma_wait3A_796, %dma_wait3A_797, %dma_wait3A_800, %dma_wait3A_801] : memref<2x4x2x200xi32, #tpu.memory_space<vmem>> -> memref<1x1x2x200xi32, #tpu.memory_space<vmem>>
      %dma_wait3A_803 = tpu.memref_squeeze %dma_wait3A_802 : memref<1x1x2x200xi32, #tpu.memory_space<vmem>> -> memref<2x200xi32, #tpu.memory_space<vmem>>
      %dma_wait3A_804 = arith.constant 0 : i32
      %dma_wait3A_805 = tpu.memref_slice %arg2[%add3A_790, %dma_wait3A_804] : memref<16384x200xi32, #tpu.memory_space<hbm>> -> memref<2x200xi32, #tpu.memory_space<hbm>>
      %dma_wait3A_806 = tpu.memref_slice %arg7[%dma_wait3A_798, %dma_wait3A_799] : memref<2x4x!tpu.dma_semaphore, #tpu.memory_space<semaphore_mem>> -> memref<1x1x!tpu.dma_semaphore, #tpu.memory_space<semaphore_mem>>
      %dma_wait3A_807 = tpu.memref_squeeze %dma_wait3A_806 : memref<1x1x!tpu.dma_semaphore, #tpu.memory_space<semaphore_mem>> -> memref<!tpu.dma_semaphore, #tpu.memory_space<semaphore_mem>>
      %dma_wait3A_808 = arith.constant 0 : i32
      %dma_wait3A_809 = arith.constant 0 : i32
      %dma_wait3A_810 = tpu.memref_slice %arg5[%dma_wait3A_796, %dma_wait3A_797, %dma_wait3A_808, %dma_wait3A_809] : memref<2x4x2x200xi32, #tpu.memory_space<vmem>> -> memref<1x1x2x200xi32, #tpu.memory_space<vmem>>
      %dma_wait3A_811 = tpu.memref_squeeze %dma_wait3A_810 : memref<1x1x2x200xi32, #tpu.memory_space<vmem>> -> memref<2x200xi32, #tpu.memory_space<vmem>>
      %dma_wait3A_812 = arith.constant 0 : i32
      %dma_wait3A_813 = tpu.memref_slice %arg2[%add3A_790, %dma_wait3A_812] : memref<16384x200xi32, #tpu.memory_space<hbm>> -> memref<2x200xi32, #tpu.memory_space<hbm>>
      tpu.wait_dma2 semaphore(%dma_wait3A_807 : memref<!tpu.dma_semaphore, #tpu.memory_space<semaphore_mem>>) src(%dma_wait3A_813 : memref<2x200xi32, #tpu.memory_space<hbm>>) dst(%dma_wait3A_811 : memref<2x200xi32, #tpu.memory_space<vmem>>)
      %dma_start3A_814 = arith.constant 1 : i32
      %dma_start3A_815 = arith.constant 1 : i32
      %dma_start3A_816 = arith.constant 0 : i32
      %dma_start3A_817 = arith.constant 1 : i32
      %dma_start3A_818 = arith.constant 0 : i32
      %dma_start3A_819 = arith.constant 1 : i32
      %dma_start3A_820 = arith.constant 0 : i32
      %dma_start3A_821 = arith.constant 0 : i32
      %dma_start3A_822 = tpu.memref_slice %arg6[%dma_start3A_817, %dma_start3A_818, %dma_start3A_820, %dma_start3A_821] : memref<4x2x200x64xf32, #tpu.memory_space<vmem>> -> memref<1x1x200x64xf32, #tpu.memory_space<vmem>>
      %dma_start3A_823 = tpu.memref_squeeze %dma_start3A_822 : memref<1x1x200x64xf32, #tpu.memory_space<vmem>> -> memref<200x64xf32, #tpu.memory_space<vmem>>
      %dma_start3A_824 = arith.constant 0 : i32
      %dma_start3A_825 = tpu.memref_slice %arg5[%dma_start3A_814, %dma_start3A_815, %dma_start3A_816, %dma_start3A_824] : memref<2x4x2x200xi32, #tpu.memory_space<vmem>> -> memref<1x1x1x200xi32, #tpu.memory_space<vmem>>
      %dma_start3A_826 = tpu.memref_squeeze %dma_start3A_825 : memref<1x1x1x200xi32, #tpu.memory_space<vmem>> -> memref<200xi32, #tpu.memory_space<vmem>>
      %dma_start3A_827 = arith.constant 0 : i32
      %dma_start3A_828 = arith.constant 0 : i32
      %dma_start3A_829 = tpu.memref_slice %arg3[%dma_start3A_827, %dma_start3A_828] : memref<1000000x64xf32, #tpu.memory_space<hbm>> -> memref<1000000x64xf32, #tpu.memory_space<hbm>>
      %dma_start3A_830 = tpu.memref_slice %arg8[%dma_start3A_819] : memref<4x!tpu.dma_semaphore, #tpu.memory_space<semaphore_mem>> -> memref<1x!tpu.dma_semaphore, #tpu.memory_space<semaphore_mem>>
      %dma_start3A_831 = tpu.memref_squeeze %dma_start3A_830 : memref<1x!tpu.dma_semaphore, #tpu.memory_space<semaphore_mem>> -> memref<!tpu.dma_semaphore, #tpu.memory_space<semaphore_mem>>
      tpu.enqueue_indirect_dma source(%dma_start3A_829 : memref<1000000x64xf32, #tpu.memory_space<hbm>>) target(%dma_start3A_823 : memref<200x64xf32, #tpu.memory_space<vmem>>) offsets(%dma_start3A_826 : memref<200xi32, #tpu.memory_space<vmem>>) semaphore(%dma_start3A_831 : memref<!tpu.dma_semaphore, #tpu.memory_space<semaphore_mem>>)
      %dma_start3A_832 = arith.constant 1 : i32
      %dma_start3A_833 = arith.constant 1 : i32
      %dma_start3A_834 = arith.constant 1 : i32
      %dma_start3A_835 = arith.constant 1 : i32
      %dma_start3A_836 = arith.constant 1 : i32
      %dma_start3A_837 = arith.constant 1 : i32
      %dma_start3A_838 = arith.constant 0 : i32
      %dma_start3A_839 = arith.constant 0 : i32
      %dma_start3A_840 = tpu.memref_slice %arg6[%dma_start3A_835, %dma_start3A_836, %dma_start3A_838, %dma_start3A_839] : memref<4x2x200x64xf32, #tpu.memory_space<vmem>> -> memref<1x1x200x64xf32, #tpu.memory_space<vmem>>
      %dma_start3A_841 = tpu.memref_squeeze %dma_start3A_840 : memref<1x1x200x64xf32, #tpu.memory_space<vmem>> -> memref<200x64xf32, #tpu.memory_space<vmem>>
      %dma_start3A_842 = arith.constant 0 : i32
      %dma_start3A_843 = tpu.memref_slice %arg5[%dma_start3A_832, %dma_start3A_833, %dma_start3A_834, %dma_start3A_842] : memref<2x4x2x200xi32, #tpu.memory_space<vmem>> -> memref<1x1x1x200xi32, #tpu.memory_space<vmem>>
      %dma_start3A_844 = tpu.memref_squeeze %dma_start3A_843 : memref<1x1x1x200xi32, #tpu.memory_space<vmem>> -> memref<200xi32, #tpu.memory_space<vmem>>
      %dma_start3A_845 = arith.constant 0 : i32
      %dma_start3A_846 = arith.constant 0 : i32
      %dma_start3A_847 = tpu.memref_slice %arg3[%dma_start3A_845, %dma_start3A_846] : memref<1000000x64xf32, #tpu.memory_space<hbm>> -> memref<1000000x64xf32, #tpu.memory_space<hbm>>
      %dma_start3A_848 = tpu.memref_slice %arg8[%dma_start3A_837] : memref<4x!tpu.dma_semaphore, #tpu.memory_space<semaphore_mem>> -> memref<1x!tpu.dma_semaphore, #tpu.memory_space<semaphore_mem>>
      %dma_start3A_849 = tpu.memref_squeeze %dma_start3A_848 : memref<1x!tpu.dma_semaphore, #tpu.memory_space<semaphore_mem>> -> memref<!tpu.dma_semaphore, #tpu.memory_space<semaphore_mem>>
      tpu.enqueue_indirect_dma source(%dma_start3A_847 : memref<1000000x64xf32, #tpu.memory_space<hbm>>) target(%dma_start3A_841 : memref<200x64xf32, #tpu.memory_space<vmem>>) offsets(%dma_start3A_844 : memref<200xi32, #tpu.memory_space<vmem>>) semaphore(%dma_start3A_849 : memref<!tpu.dma_semaphore, #tpu.memory_space<semaphore_mem>>)
      %mul3A_850 = arith.constant 4 : i32
      %mul3A_851 = arith.muli %add3A_717, %mul3A_850 : i32
      %add3A_852 = arith.constant 2 : i32
      %add3A_853 = arith.addi %mul3A_851, %add3A_852 : i32
      %mul3A_854 = arith.constant 2 : i32
      %mul3A_855 = arith.muli %add3A_853, %mul3A_854 : i32
      %add3A_856 = arith.addi %mul3A_2, %mul3A_855 : i32
      %gt3A_857 = arith.constant 0 : i32
      %gt3A_858 = arith.cmpi sgt, %add3A_717, %gt3A_857 : i32
      %convert_element_type3A_859 = arith.extui %gt3A_858 : i1 to i32
      %cond3A_860 = arith.constant 0 : i32
      %cond3A_861 = arith.cmpi ne, %convert_element_type3A_859, %cond3A_860 : i32
      scf.if %cond3A_861 {
        %dma_wait3A_1166 = arith.constant 2 : i32
        %dma_wait3A_1167 = arith.constant 2 : i32
        %dma_wait3A_1168 = arith.constant 0 : i32
        %dma_wait3A_1169 = arith.constant 0 : i32
        %dma_wait3A_1170 = arith.constant 0 : i32
        %dma_wait3A_1171 = tpu.memref_slice %arg6[%dma_wait3A_1166, %dma_wait3A_1168, %dma_wait3A_1169, %dma_wait3A_1170] : memref<4x2x200x64xf32, #tpu.memory_space<vmem>> -> memref<1x2x200x64xf32, #tpu.memory_space<vmem>>
        %dma_wait3A_1172 = tpu.memref_squeeze %dma_wait3A_1171 : memref<1x2x200x64xf32, #tpu.memory_space<vmem>> -> memref<2x200x64xf32, #tpu.memory_space<vmem>>
        %dma_wait3A_1173 = arith.constant 0 : i32
        %dma_wait3A_1174 = arith.constant 0 : i32
        %dma_wait3A_1175 = tpu.memref_slice %arg4[%add3A_856, %dma_wait3A_1173, %dma_wait3A_1174] : memref<16384x200x128xf32, #tpu.memory_space<hbm>> -> memref<2x200x64xf32, #tpu.memory_space<hbm>>
        %dma_wait3A_1176 = tpu.memref_slice %arg9[%dma_wait3A_1167] : memref<4x!tpu.dma_semaphore, #tpu.memory_space<semaphore_mem>> -> memref<1x!tpu.dma_semaphore, #tpu.memory_space<semaphore_mem>>
        %dma_wait3A_1177 = tpu.memref_squeeze %dma_wait3A_1176 : memref<1x!tpu.dma_semaphore, #tpu.memory_space<semaphore_mem>> -> memref<!tpu.dma_semaphore, #tpu.memory_space<semaphore_mem>>
        %dma_wait3A_1178 = arith.constant 0 : i32
        %dma_wait3A_1179 = arith.constant 0 : i32
        %dma_wait3A_1180 = tpu.memref_slice %arg4[%add3A_856, %dma_wait3A_1178, %dma_wait3A_1179] : memref<16384x200x128xf32, #tpu.memory_space<hbm>> -> memref<2x200x64xf32, #tpu.memory_space<hbm>>
        %dma_wait3A_1181 = arith.constant 0 : i32
        %dma_wait3A_1182 = arith.constant 0 : i32
        %dma_wait3A_1183 = arith.constant 0 : i32
        %dma_wait3A_1184 = tpu.memref_slice %arg6[%dma_wait3A_1166, %dma_wait3A_1181, %dma_wait3A_1182, %dma_wait3A_1183] : memref<4x2x200x64xf32, #tpu.memory_space<vmem>> -> memref<1x2x200x64xf32, #tpu.memory_space<vmem>>
        %dma_wait3A_1185 = tpu.memref_squeeze %dma_wait3A_1184 : memref<1x2x200x64xf32, #tpu.memory_space<vmem>> -> memref<2x200x64xf32, #tpu.memory_space<vmem>>
        tpu.wait_dma2 semaphore(%dma_wait3A_1177 : memref<!tpu.dma_semaphore, #tpu.memory_space<semaphore_mem>>) src(%dma_wait3A_1185 : memref<2x200x64xf32, #tpu.memory_space<vmem>>) dst(%dma_wait3A_1180 : memref<2x200x64xf32, #tpu.memory_space<hbm>>)
      } else {
      }
      %dma_wait3A_862 = arith.constant 1 : i32
      %dma_wait3A_863 = arith.constant 2 : i32
      %dma_wait3A_864 = arith.constant 1 : i32
      %dma_wait3A_865 = arith.constant 2 : i32
      %dma_wait3A_866 = arith.constant 0 : i32
      %dma_wait3A_867 = arith.constant 0 : i32
      %dma_wait3A_868 = tpu.memref_slice %arg5[%dma_wait3A_862, %dma_wait3A_863, %dma_wait3A_866, %dma_wait3A_867] : memref<2x4x2x200xi32, #tpu.memory_space<vmem>> -> memref<1x1x2x200xi32, #tpu.memory_space<vmem>>
      %dma_wait3A_869 = tpu.memref_squeeze %dma_wait3A_868 : memref<1x1x2x200xi32, #tpu.memory_space<vmem>> -> memref<2x200xi32, #tpu.memory_space<vmem>>
      %dma_wait3A_870 = arith.constant 0 : i32
      %dma_wait3A_871 = tpu.memref_slice %arg2[%add3A_856, %dma_wait3A_870] : memref<16384x200xi32, #tpu.memory_space<hbm>> -> memref<2x200xi32, #tpu.memory_space<hbm>>
      %dma_wait3A_872 = tpu.memref_slice %arg7[%dma_wait3A_864, %dma_wait3A_865] : memref<2x4x!tpu.dma_semaphore, #tpu.memory_space<semaphore_mem>> -> memref<1x1x!tpu.dma_semaphore, #tpu.memory_space<semaphore_mem>>
      %dma_wait3A_873 = tpu.memref_squeeze %dma_wait3A_872 : memref<1x1x!tpu.dma_semaphore, #tpu.memory_space<semaphore_mem>> -> memref<!tpu.dma_semaphore, #tpu.memory_space<semaphore_mem>>
      %dma_wait3A_874 = arith.constant 0 : i32
      %dma_wait3A_875 = arith.constant 0 : i32
      %dma_wait3A_876 = tpu.memref_slice %arg5[%dma_wait3A_862, %dma_wait3A_863, %dma_wait3A_874, %dma_wait3A_875] : memref<2x4x2x200xi32, #tpu.memory_space<vmem>> -> memref<1x1x2x200xi32, #tpu.memory_space<vmem>>
      %dma_wait3A_877 = tpu.memref_squeeze %dma_wait3A_876 : memref<1x1x2x200xi32, #tpu.memory_space<vmem>> -> memref<2x200xi32, #tpu.memory_space<vmem>>
      %dma_wait3A_878 = arith.constant 0 : i32
      %dma_wait3A_879 = tpu.memref_slice %arg2[%add3A_856, %dma_wait3A_878] : memref<16384x200xi32, #tpu.memory_space<hbm>> -> memref<2x200xi32, #tpu.memory_space<hbm>>
      tpu.wait_dma2 semaphore(%dma_wait3A_873 : memref<!tpu.dma_semaphore, #tpu.memory_space<semaphore_mem>>) src(%dma_wait3A_879 : memref<2x200xi32, #tpu.memory_space<hbm>>) dst(%dma_wait3A_877 : memref<2x200xi32, #tpu.memory_space<vmem>>)
      %dma_start3A_880 = arith.constant 1 : i32
      %dma_start3A_881 = arith.constant 2 : i32
      %dma_start3A_882 = arith.constant 0 : i32
      %dma_start3A_883 = arith.constant 2 : i32
      %dma_start3A_884 = arith.constant 0 : i32
      %dma_start3A_885 = arith.constant 2 : i32
      %dma_start3A_886 = arith.constant 0 : i32
      %dma_start3A_887 = arith.constant 0 : i32
      %dma_start3A_888 = tpu.memref_slice %arg6[%dma_start3A_883, %dma_start3A_884, %dma_start3A_886, %dma_start3A_887] : memref<4x2x200x64xf32, #tpu.memory_space<vmem>> -> memref<1x1x200x64xf32, #tpu.memory_space<vmem>>
      %dma_start3A_889 = tpu.memref_squeeze %dma_start3A_888 : memref<1x1x200x64xf32, #tpu.memory_space<vmem>> -> memref<200x64xf32, #tpu.memory_space<vmem>>
      %dma_start3A_890 = arith.constant 0 : i32
      %dma_start3A_891 = tpu.memref_slice %arg5[%dma_start3A_880, %dma_start3A_881, %dma_start3A_882, %dma_start3A_890] : memref<2x4x2x200xi32, #tpu.memory_space<vmem>> -> memref<1x1x1x200xi32, #tpu.memory_space<vmem>>
      %dma_start3A_892 = tpu.memref_squeeze %dma_start3A_891 : memref<1x1x1x200xi32, #tpu.memory_space<vmem>> -> memref<200xi32, #tpu.memory_space<vmem>>
      %dma_start3A_893 = arith.constant 0 : i32
      %dma_start3A_894 = arith.constant 0 : i32
      %dma_start3A_895 = tpu.memref_slice %arg3[%dma_start3A_893, %dma_start3A_894] : memref<1000000x64xf32, #tpu.memory_space<hbm>> -> memref<1000000x64xf32, #tpu.memory_space<hbm>>
      %dma_start3A_896 = tpu.memref_slice %arg8[%dma_start3A_885] : memref<4x!tpu.dma_semaphore, #tpu.memory_space<semaphore_mem>> -> memref<1x!tpu.dma_semaphore, #tpu.memory_space<semaphore_mem>>
      %dma_start3A_897 = tpu.memref_squeeze %dma_start3A_896 : memref<1x!tpu.dma_semaphore, #tpu.memory_space<semaphore_mem>> -> memref<!tpu.dma_semaphore, #tpu.memory_space<semaphore_mem>>
      tpu.enqueue_indirect_dma source(%dma_start3A_895 : memref<1000000x64xf32, #tpu.memory_space<hbm>>) target(%dma_start3A_889 : memref<200x64xf32, #tpu.memory_space<vmem>>) offsets(%dma_start3A_892 : memref<200xi32, #tpu.memory_space<vmem>>) semaphore(%dma_start3A_897 : memref<!tpu.dma_semaphore, #tpu.memory_space<semaphore_mem>>)
      %dma_start3A_898 = arith.constant 1 : i32
      %dma_start3A_899 = arith.constant 2 : i32
      %dma_start3A_900 = arith.constant 1 : i32
      %dma_start3A_901 = arith.constant 2 : i32
      %dma_start3A_902 = arith.constant 1 : i32
      %dma_start3A_903 = arith.constant 2 : i32
      %dma_start3A_904 = arith.constant 0 : i32
      %dma_start3A_905 = arith.constant 0 : i32
      %dma_start3A_906 = tpu.memref_slice %arg6[%dma_start3A_901, %dma_start3A_902, %dma_start3A_904, %dma_start3A_905] : memref<4x2x200x64xf32, #tpu.memory_space<vmem>> -> memref<1x1x200x64xf32, #tpu.memory_space<vmem>>
      %dma_start3A_907 = tpu.memref_squeeze %dma_start3A_906 : memref<1x1x200x64xf32, #tpu.memory_space<vmem>> -> memref<200x64xf32, #tpu.memory_space<vmem>>
      %dma_start3A_908 = arith.constant 0 : i32
      %dma_start3A_909 = tpu.memref_slice %arg5[%dma_start3A_898, %dma_start3A_899, %dma_start3A_900, %dma_start3A_908] : memref<2x4x2x200xi32, #tpu.memory_space<vmem>> -> memref<1x1x1x200xi32, #tpu.memory_space<vmem>>
      %dma_start3A_910 = tpu.memref_squeeze %dma_start3A_909 : memref<1x1x1x200xi32, #tpu.memory_space<vmem>> -> memref<200xi32, #tpu.memory_space<vmem>>
      %dma_start3A_911 = arith.constant 0 : i32
      %dma_start3A_912 = arith.constant 0 : i32
      %dma_start3A_913 = tpu.memref_slice %arg3[%dma_start3A_911, %dma_start3A_912] : memref<1000000x64xf32, #tpu.memory_space<hbm>> -> memref<1000000x64xf32, #tpu.memory_space<hbm>>
      %dma_start3A_914 = tpu.memref_slice %arg8[%dma_start3A_903] : memref<4x!tpu.dma_semaphore, #tpu.memory_space<semaphore_mem>> -> memref<1x!tpu.dma_semaphore, #tpu.memory_space<semaphore_mem>>
      %dma_start3A_915 = tpu.memref_squeeze %dma_start3A_914 : memref<1x!tpu.dma_semaphore, #tpu.memory_space<semaphore_mem>> -> memref<!tpu.dma_semaphore, #tpu.memory_space<semaphore_mem>>
      tpu.enqueue_indirect_dma source(%dma_start3A_913 : memref<1000000x64xf32, #tpu.memory_space<hbm>>) target(%dma_start3A_907 : memref<200x64xf32, #tpu.memory_space<vmem>>) offsets(%dma_start3A_910 : memref<200xi32, #tpu.memory_space<vmem>>) semaphore(%dma_start3A_915 : memref<!tpu.dma_semaphore, #tpu.memory_space<semaphore_mem>>)
      %mul3A_916 = arith.constant 4 : i32
      %mul3A_917 = arith.muli %add3A_717, %mul3A_916 : i32
      %add3A_918 = arith.constant 3 : i32
      %add3A_919 = arith.addi %mul3A_917, %add3A_918 : i32
      %mul3A_920 = arith.constant 2 : i32
      %mul3A_921 = arith.muli %add3A_919, %mul3A_920 : i32
      %add3A_922 = arith.addi %mul3A_2, %mul3A_921 : i32
      %gt3A_923 = arith.constant 0 : i32
      %gt3A_924 = arith.cmpi sgt, %add3A_717, %gt3A_923 : i32
      %convert_element_type3A_925 = arith.extui %gt3A_924 : i1 to i32
      %cond3A_926 = arith.constant 0 : i32
      %cond3A_927 = arith.cmpi ne, %convert_element_type3A_925, %cond3A_926 : i32
      scf.if %cond3A_927 {
        %dma_wait3A_1166 = arith.constant 3 : i32
        %dma_wait3A_1167 = arith.constant 3 : i32
        %dma_wait3A_1168 = arith.constant 0 : i32
        %dma_wait3A_1169 = arith.constant 0 : i32
        %dma_wait3A_1170 = arith.constant 0 : i32
        %dma_wait3A_1171 = tpu.memref_slice %arg6[%dma_wait3A_1166, %dma_wait3A_1168, %dma_wait3A_1169, %dma_wait3A_1170] : memref<4x2x200x64xf32, #tpu.memory_space<vmem>> -> memref<1x2x200x64xf32, #tpu.memory_space<vmem>>
        %dma_wait3A_1172 = tpu.memref_squeeze %dma_wait3A_1171 : memref<1x2x200x64xf32, #tpu.memory_space<vmem>> -> memref<2x200x64xf32, #tpu.memory_space<vmem>>
        %dma_wait3A_1173 = arith.constant 0 : i32
        %dma_wait3A_1174 = arith.constant 0 : i32
        %dma_wait3A_1175 = tpu.memref_slice %arg4[%add3A_922, %dma_wait3A_1173, %dma_wait3A_1174] : memref<16384x200x128xf32, #tpu.memory_space<hbm>> -> memref<2x200x64xf32, #tpu.memory_space<hbm>>
        %dma_wait3A_1176 = tpu.memref_slice %arg9[%dma_wait3A_1167] : memref<4x!tpu.dma_semaphore, #tpu.memory_space<semaphore_mem>> -> memref<1x!tpu.dma_semaphore, #tpu.memory_space<semaphore_mem>>
        %dma_wait3A_1177 = tpu.memref_squeeze %dma_wait3A_1176 : memref<1x!tpu.dma_semaphore, #tpu.memory_space<semaphore_mem>> -> memref<!tpu.dma_semaphore, #tpu.memory_space<semaphore_mem>>
        %dma_wait3A_1178 = arith.constant 0 : i32
        %dma_wait3A_1179 = arith.constant 0 : i32
        %dma_wait3A_1180 = tpu.memref_slice %arg4[%add3A_922, %dma_wait3A_1178, %dma_wait3A_1179] : memref<16384x200x128xf32, #tpu.memory_space<hbm>> -> memref<2x200x64xf32, #tpu.memory_space<hbm>>
        %dma_wait3A_1181 = arith.constant 0 : i32
        %dma_wait3A_1182 = arith.constant 0 : i32
        %dma_wait3A_1183 = arith.constant 0 : i32
        %dma_wait3A_1184 = tpu.memref_slice %arg6[%dma_wait3A_1166, %dma_wait3A_1181, %dma_wait3A_1182, %dma_wait3A_1183] : memref<4x2x200x64xf32, #tpu.memory_space<vmem>> -> memref<1x2x200x64xf32, #tpu.memory_space<vmem>>
        %dma_wait3A_1185 = tpu.memref_squeeze %dma_wait3A_1184 : memref<1x2x200x64xf32, #tpu.memory_space<vmem>> -> memref<2x200x64xf32, #tpu.memory_space<vmem>>
        tpu.wait_dma2 semaphore(%dma_wait3A_1177 : memref<!tpu.dma_semaphore, #tpu.memory_space<semaphore_mem>>) src(%dma_wait3A_1185 : memref<2x200x64xf32, #tpu.memory_space<vmem>>) dst(%dma_wait3A_1180 : memref<2x200x64xf32, #tpu.memory_space<hbm>>)
      } else {
      }
      %dma_wait3A_928 = arith.constant 1 : i32
      %dma_wait3A_929 = arith.constant 3 : i32
      %dma_wait3A_930 = arith.constant 1 : i32
      %dma_wait3A_931 = arith.constant 3 : i32
      %dma_wait3A_932 = arith.constant 0 : i32
      %dma_wait3A_933 = arith.constant 0 : i32
      %dma_wait3A_934 = tpu.memref_slice %arg5[%dma_wait3A_928, %dma_wait3A_929, %dma_wait3A_932, %dma_wait3A_933] : memref<2x4x2x200xi32, #tpu.memory_space<vmem>> -> memref<1x1x2x200xi32, #tpu.memory_space<vmem>>
      %dma_wait3A_935 = tpu.memref_squeeze %dma_wait3A_934 : memref<1x1x2x200xi32, #tpu.memory_space<vmem>> -> memref<2x200xi32, #tpu.memory_space<vmem>>
      %dma_wait3A_936 = arith.constant 0 : i32
      %dma_wait3A_937 = tpu.memref_slice %arg2[%add3A_922, %dma_wait3A_936] : memref<16384x200xi32, #tpu.memory_space<hbm>> -> memref<2x200xi32, #tpu.memory_space<hbm>>
      %dma_wait3A_938 = tpu.memref_slice %arg7[%dma_wait3A_930, %dma_wait3A_931] : memref<2x4x!tpu.dma_semaphore, #tpu.memory_space<semaphore_mem>> -> memref<1x1x!tpu.dma_semaphore, #tpu.memory_space<semaphore_mem>>
      %dma_wait3A_939 = tpu.memref_squeeze %dma_wait3A_938 : memref<1x1x!tpu.dma_semaphore, #tpu.memory_space<semaphore_mem>> -> memref<!tpu.dma_semaphore, #tpu.memory_space<semaphore_mem>>
      %dma_wait3A_940 = arith.constant 0 : i32
      %dma_wait3A_941 = arith.constant 0 : i32
      %dma_wait3A_942 = tpu.memref_slice %arg5[%dma_wait3A_928, %dma_wait3A_929, %dma_wait3A_940, %dma_wait3A_941] : memref<2x4x2x200xi32, #tpu.memory_space<vmem>> -> memref<1x1x2x200xi32, #tpu.memory_space<vmem>>
      %dma_wait3A_943 = tpu.memref_squeeze %dma_wait3A_942 : memref<1x1x2x200xi32, #tpu.memory_space<vmem>> -> memref<2x200xi32, #tpu.memory_space<vmem>>
      %dma_wait3A_944 = arith.constant 0 : i32
      %dma_wait3A_945 = tpu.memref_slice %arg2[%add3A_922, %dma_wait3A_944] : memref<16384x200xi32, #tpu.memory_space<hbm>> -> memref<2x200xi32, #tpu.memory_space<hbm>>
      tpu.wait_dma2 semaphore(%dma_wait3A_939 : memref<!tpu.dma_semaphore, #tpu.memory_space<semaphore_mem>>) src(%dma_wait3A_945 : memref<2x200xi32, #tpu.memory_space<hbm>>) dst(%dma_wait3A_943 : memref<2x200xi32, #tpu.memory_space<vmem>>)
      %dma_start3A_946 = arith.constant 1 : i32
      %dma_start3A_947 = arith.constant 3 : i32
      %dma_start3A_948 = arith.constant 0 : i32
      %dma_start3A_949 = arith.constant 3 : i32
      %dma_start3A_950 = arith.constant 0 : i32
      %dma_start3A_951 = arith.constant 3 : i32
      %dma_start3A_952 = arith.constant 0 : i32
      %dma_start3A_953 = arith.constant 0 : i32
      %dma_start3A_954 = tpu.memref_slice %arg6[%dma_start3A_949, %dma_start3A_950, %dma_start3A_952, %dma_start3A_953] : memref<4x2x200x64xf32, #tpu.memory_space<vmem>> -> memref<1x1x200x64xf32, #tpu.memory_space<vmem>>
      %dma_start3A_955 = tpu.memref_squeeze %dma_start3A_954 : memref<1x1x200x64xf32, #tpu.memory_space<vmem>> -> memref<200x64xf32, #tpu.memory_space<vmem>>
      %dma_start3A_956 = arith.constant 0 : i32
      %dma_start3A_957 = tpu.memref_slice %arg5[%dma_start3A_946, %dma_start3A_947, %dma_start3A_948, %dma_start3A_956] : memref<2x4x2x200xi32, #tpu.memory_space<vmem>> -> memref<1x1x1x200xi32, #tpu.memory_space<vmem>>
      %dma_start3A_958 = tpu.memref_squeeze %dma_start3A_957 : memref<1x1x1x200xi32, #tpu.memory_space<vmem>> -> memref<200xi32, #tpu.memory_space<vmem>>
      %dma_start3A_959 = arith.constant 0 : i32
      %dma_start3A_960 = arith.constant 0 : i32
      %dma_start3A_961 = tpu.memref_slice %arg3[%dma_start3A_959, %dma_start3A_960] : memref<1000000x64xf32, #tpu.memory_space<hbm>> -> memref<1000000x64xf32, #tpu.memory_space<hbm>>
      %dma_start3A_962 = tpu.memref_slice %arg8[%dma_start3A_951] : memref<4x!tpu.dma_semaphore, #tpu.memory_space<semaphore_mem>> -> memref<1x!tpu.dma_semaphore, #tpu.memory_space<semaphore_mem>>
      %dma_start3A_963 = tpu.memref_squeeze %dma_start3A_962 : memref<1x!tpu.dma_semaphore, #tpu.memory_space<semaphore_mem>> -> memref<!tpu.dma_semaphore, #tpu.memory_space<semaphore_mem>>
      tpu.enqueue_indirect_dma source(%dma_start3A_961 : memref<1000000x64xf32, #tpu.memory_space<hbm>>) target(%dma_start3A_955 : memref<200x64xf32, #tpu.memory_space<vmem>>) offsets(%dma_start3A_958 : memref<200xi32, #tpu.memory_space<vmem>>) semaphore(%dma_start3A_963 : memref<!tpu.dma_semaphore, #tpu.memory_space<semaphore_mem>>)
      %dma_start3A_964 = arith.constant 1 : i32
      %dma_start3A_965 = arith.constant 3 : i32
      %dma_start3A_966 = arith.constant 1 : i32
      %dma_start3A_967 = arith.constant 3 : i32
      %dma_start3A_968 = arith.constant 1 : i32
      %dma_start3A_969 = arith.constant 3 : i32
      %dma_start3A_970 = arith.constant 0 : i32
      %dma_start3A_971 = arith.constant 0 : i32
      %dma_start3A_972 = tpu.memref_slice %arg6[%dma_start3A_967, %dma_start3A_968, %dma_start3A_970, %dma_start3A_971] : memref<4x2x200x64xf32, #tpu.memory_space<vmem>> -> memref<1x1x200x64xf32, #tpu.memory_space<vmem>>
      %dma_start3A_973 = tpu.memref_squeeze %dma_start3A_972 : memref<1x1x200x64xf32, #tpu.memory_space<vmem>> -> memref<200x64xf32, #tpu.memory_space<vmem>>
      %dma_start3A_974 = arith.constant 0 : i32
      %dma_start3A_975 = tpu.memref_slice %arg5[%dma_start3A_964, %dma_start3A_965, %dma_start3A_966, %dma_start3A_974] : memref<2x4x2x200xi32, #tpu.memory_space<vmem>> -> memref<1x1x1x200xi32, #tpu.memory_space<vmem>>
      %dma_start3A_976 = tpu.memref_squeeze %dma_start3A_975 : memref<1x1x1x200xi32, #tpu.memory_space<vmem>> -> memref<200xi32, #tpu.memory_space<vmem>>
      %dma_start3A_977 = arith.constant 0 : i32
      %dma_start3A_978 = arith.constant 0 : i32
      %dma_start3A_979 = tpu.memref_slice %arg3[%dma_start3A_977, %dma_start3A_978] : memref<1000000x64xf32, #tpu.memory_space<hbm>> -> memref<1000000x64xf32, #tpu.memory_space<hbm>>
      %dma_start3A_980 = tpu.memref_slice %arg8[%dma_start3A_969] : memref<4x!tpu.dma_semaphore, #tpu.memory_space<semaphore_mem>> -> memref<1x!tpu.dma_semaphore, #tpu.memory_space<semaphore_mem>>
      %dma_start3A_981 = tpu.memref_squeeze %dma_start3A_980 : memref<1x!tpu.dma_semaphore, #tpu.memory_space<semaphore_mem>> -> memref<!tpu.dma_semaphore, #tpu.memory_space<semaphore_mem>>
      tpu.enqueue_indirect_dma source(%dma_start3A_979 : memref<1000000x64xf32, #tpu.memory_space<hbm>>) target(%dma_start3A_973 : memref<200x64xf32, #tpu.memory_space<vmem>>) offsets(%dma_start3A_976 : memref<200xi32, #tpu.memory_space<vmem>>) semaphore(%dma_start3A_981 : memref<!tpu.dma_semaphore, #tpu.memory_space<semaphore_mem>>)
      %lt3A = arith.constant 31 : i32
      %lt3A_982 = arith.cmpi slt, %scan3A_166, %lt3A : i32
      %convert_element_type3A_983 = arith.extui %lt3A_982 : i1 to i32
      %cond3A_984 = arith.constant 0 : i32
      %cond3A_985 = arith.cmpi ne, %convert_element_type3A_983, %cond3A_984 : i32
      scf.if %cond3A_985 {
        %add3A_1166 = arith.constant 1 : i32
        %add3A_1167 = arith.addi %add3A_717, %add3A_1166 : i32
        %mul3A_1168 = arith.constant 4 : i32
        %mul3A_1169 = arith.muli %add3A_1167, %mul3A_1168 : i32
        %add3A_1170 = arith.constant 0 : i32
        %add3A_1171 = arith.addi %mul3A_1169, %add3A_1170 : i32
        %mul3A_1172 = arith.constant 2 : i32
        %mul3A_1173 = arith.muli %add3A_1171, %mul3A_1172 : i32
        %add3A_1174 = arith.addi %mul3A_2, %mul3A_1173 : i32
        %dma_start3A_1175 = arith.constant 0 : i32
        %dma_start3A_1176 = arith.constant 0 : i32
        %dma_start3A_1177 = arith.constant 0 : i32
        %dma_start3A_1178 = arith.constant 0 : i32
        %dma_start3A_1179 = arith.constant 0 : i32
        %dma_start3A_1180 = arith.constant 0 : i32
        %dma_start3A_1181 = tpu.memref_slice %arg5[%dma_start3A_1175, %dma_start3A_1176, %dma_start3A_1179, %dma_start3A_1180] : memref<2x4x2x200xi32, #tpu.memory_space<vmem>> -> memref<1x1x2x200xi32, #tpu.memory_space<vmem>>
        %dma_start3A_1182 = tpu.memref_squeeze %dma_start3A_1181 : memref<1x1x2x200xi32, #tpu.memory_space<vmem>> -> memref<2x200xi32, #tpu.memory_space<vmem>>
        %dma_start3A_1183 = arith.constant 0 : i32
        %dma_start3A_1184 = tpu.memref_slice %arg2[%add3A_1174, %dma_start3A_1183] : memref<16384x200xi32, #tpu.memory_space<hbm>> -> memref<2x200xi32, #tpu.memory_space<hbm>>
        %dma_start3A_1185 = tpu.memref_slice %arg7[%dma_start3A_1177, %dma_start3A_1178] : memref<2x4x!tpu.dma_semaphore, #tpu.memory_space<semaphore_mem>> -> memref<1x1x!tpu.dma_semaphore, #tpu.memory_space<semaphore_mem>>
        %dma_start3A_1186 = tpu.memref_squeeze %dma_start3A_1185 : memref<1x1x!tpu.dma_semaphore, #tpu.memory_space<semaphore_mem>> -> memref<!tpu.dma_semaphore, #tpu.memory_space<semaphore_mem>>
        %dma_start3A_1187 = arith.constant 0 : i32
        %dma_start3A_1188 = arith.constant 0 : i32
        %dma_start3A_1189 = tpu.memref_slice %arg5[%dma_start3A_1175, %dma_start3A_1176, %dma_start3A_1187, %dma_start3A_1188] : memref<2x4x2x200xi32, #tpu.memory_space<vmem>> -> memref<1x1x2x200xi32, #tpu.memory_space<vmem>>
        %dma_start3A_1190 = tpu.memref_squeeze %dma_start3A_1189 : memref<1x1x2x200xi32, #tpu.memory_space<vmem>> -> memref<2x200xi32, #tpu.memory_space<vmem>>
        %dma_start3A_1191 = arith.constant 0 : i32
        %dma_start3A_1192 = tpu.memref_slice %arg2[%add3A_1174, %dma_start3A_1191] : memref<16384x200xi32, #tpu.memory_space<hbm>> -> memref<2x200xi32, #tpu.memory_space<hbm>>
        tpu.enqueue_dma source(%dma_start3A_1192 : memref<2x200xi32, #tpu.memory_space<hbm>>) target(%dma_start3A_1190 : memref<2x200xi32, #tpu.memory_space<vmem>>) target_semaphore(%dma_start3A_1186 : memref<!tpu.dma_semaphore, #tpu.memory_space<semaphore_mem>>)
        %mul3A_1193 = arith.constant 4 : i32
        %mul3A_1194 = arith.muli %add3A_1167, %mul3A_1193 : i32
        %add3A_1195 = arith.constant 1 : i32
        %add3A_1196 = arith.addi %mul3A_1194, %add3A_1195 : i32
        %mul3A_1197 = arith.constant 2 : i32
        %mul3A_1198 = arith.muli %add3A_1196, %mul3A_1197 : i32
        %add3A_1199 = arith.addi %mul3A_2, %mul3A_1198 : i32
        %dma_start3A_1200 = arith.constant 0 : i32
        %dma_start3A_1201 = arith.constant 1 : i32
        %dma_start3A_1202 = arith.constant 0 : i32
        %dma_start3A_1203 = arith.constant 1 : i32
        %dma_start3A_1204 = arith.constant 0 : i32
        %dma_start3A_1205 = arith.constant 0 : i32
        %dma_start3A_1206 = tpu.memref_slice %arg5[%dma_start3A_1200, %dma_start3A_1201, %dma_start3A_1204, %dma_start3A_1205] : memref<2x4x2x200xi32, #tpu.memory_space<vmem>> -> memref<1x1x2x200xi32, #tpu.memory_space<vmem>>
        %dma_start3A_1207 = tpu.memref_squeeze %dma_start3A_1206 : memref<1x1x2x200xi32, #tpu.memory_space<vmem>> -> memref<2x200xi32, #tpu.memory_space<vmem>>
        %dma_start3A_1208 = arith.constant 0 : i32
        %dma_start3A_1209 = tpu.memref_slice %arg2[%add3A_1199, %dma_start3A_1208] : memref<16384x200xi32, #tpu.memory_space<hbm>> -> memref<2x200xi32, #tpu.memory_space<hbm>>
        %dma_start3A_1210 = tpu.memref_slice %arg7[%dma_start3A_1202, %dma_start3A_1203] : memref<2x4x!tpu.dma_semaphore, #tpu.memory_space<semaphore_mem>> -> memref<1x1x!tpu.dma_semaphore, #tpu.memory_space<semaphore_mem>>
        %dma_start3A_1211 = tpu.memref_squeeze %dma_start3A_1210 : memref<1x1x!tpu.dma_semaphore, #tpu.memory_space<semaphore_mem>> -> memref<!tpu.dma_semaphore, #tpu.memory_space<semaphore_mem>>
        %dma_start3A_1212 = arith.constant 0 : i32
        %dma_start3A_1213 = arith.constant 0 : i32
        %dma_start3A_1214 = tpu.memref_slice %arg5[%dma_start3A_1200, %dma_start3A_1201, %dma_start3A_1212, %dma_start3A_1213] : memref<2x4x2x200xi32, #tpu.memory_space<vmem>> -> memref<1x1x2x200xi32, #tpu.memory_space<vmem>>
        %dma_start3A_1215 = tpu.memref_squeeze %dma_start3A_1214 : memref<1x1x2x200xi32, #tpu.memory_space<vmem>> -> memref<2x200xi32, #tpu.memory_space<vmem>>
        %dma_start3A_1216 = arith.constant 0 : i32
        %dma_start3A_1217 = tpu.memref_slice %arg2[%add3A_1199, %dma_start3A_1216] : memref<16384x200xi32, #tpu.memory_space<hbm>> -> memref<2x200xi32, #tpu.memory_space<hbm>>
        tpu.enqueue_dma source(%dma_start3A_1217 : memref<2x200xi32, #tpu.memory_space<hbm>>) target(%dma_start3A_1215 : memref<2x200xi32, #tpu.memory_space<vmem>>) target_semaphore(%dma_start3A_1211 : memref<!tpu.dma_semaphore, #tpu.memory_space<semaphore_mem>>)
        %mul3A_1218 = arith.constant 4 : i32
        %mul3A_1219 = arith.muli %add3A_1167, %mul3A_1218 : i32
        %add3A_1220 = arith.constant 2 : i32
        %add3A_1221 = arith.addi %mul3A_1219, %add3A_1220 : i32
        %mul3A_1222 = arith.constant 2 : i32
        %mul3A_1223 = arith.muli %add3A_1221, %mul3A_1222 : i32
        %add3A_1224 = arith.addi %mul3A_2, %mul3A_1223 : i32
        %dma_start3A_1225 = arith.constant 0 : i32
        %dma_start3A_1226 = arith.constant 2 : i32
        %dma_start3A_1227 = arith.constant 0 : i32
        %dma_start3A_1228 = arith.constant 2 : i32
        %dma_start3A_1229 = arith.constant 0 : i32
        %dma_start3A_1230 = arith.constant 0 : i32
        %dma_start3A_1231 = tpu.memref_slice %arg5[%dma_start3A_1225, %dma_start3A_1226, %dma_start3A_1229, %dma_start3A_1230] : memref<2x4x2x200xi32, #tpu.memory_space<vmem>> -> memref<1x1x2x200xi32, #tpu.memory_space<vmem>>
        %dma_start3A_1232 = tpu.memref_squeeze %dma_start3A_1231 : memref<1x1x2x200xi32, #tpu.memory_space<vmem>> -> memref<2x200xi32, #tpu.memory_space<vmem>>
        %dma_start3A_1233 = arith.constant 0 : i32
        %dma_start3A_1234 = tpu.memref_slice %arg2[%add3A_1224, %dma_start3A_1233] : memref<16384x200xi32, #tpu.memory_space<hbm>> -> memref<2x200xi32, #tpu.memory_space<hbm>>
        %dma_start3A_1235 = tpu.memref_slice %arg7[%dma_start3A_1227, %dma_start3A_1228] : memref<2x4x!tpu.dma_semaphore, #tpu.memory_space<semaphore_mem>> -> memref<1x1x!tpu.dma_semaphore, #tpu.memory_space<semaphore_mem>>
        %dma_start3A_1236 = tpu.memref_squeeze %dma_start3A_1235 : memref<1x1x!tpu.dma_semaphore, #tpu.memory_space<semaphore_mem>> -> memref<!tpu.dma_semaphore, #tpu.memory_space<semaphore_mem>>
        %dma_start3A_1237 = arith.constant 0 : i32
        %dma_start3A_1238 = arith.constant 0 : i32
        %dma_start3A_1239 = tpu.memref_slice %arg5[%dma_start3A_1225, %dma_start3A_1226, %dma_start3A_1237, %dma_start3A_1238] : memref<2x4x2x200xi32, #tpu.memory_space<vmem>> -> memref<1x1x2x200xi32, #tpu.memory_space<vmem>>
        %dma_start3A_1240 = tpu.memref_squeeze %dma_start3A_1239 : memref<1x1x2x200xi32, #tpu.memory_space<vmem>> -> memref<2x200xi32, #tpu.memory_space<vmem>>
        %dma_start3A_1241 = arith.constant 0 : i32
        %dma_start3A_1242 = tpu.memref_slice %arg2[%add3A_1224, %dma_start3A_1241] : memref<16384x200xi32, #tpu.memory_space<hbm>> -> memref<2x200xi32, #tpu.memory_space<hbm>>
        tpu.enqueue_dma source(%dma_start3A_1242 : memref<2x200xi32, #tpu.memory_space<hbm>>) target(%dma_start3A_1240 : memref<2x200xi32, #tpu.memory_space<vmem>>) target_semaphore(%dma_start3A_1236 : memref<!tpu.dma_semaphore, #tpu.memory_space<semaphore_mem>>)
        %mul3A_1243 = arith.constant 4 : i32
        %mul3A_1244 = arith.muli %add3A_1167, %mul3A_1243 : i32
        %add3A_1245 = arith.constant 3 : i32
        %add3A_1246 = arith.addi %mul3A_1244, %add3A_1245 : i32
        %mul3A_1247 = arith.constant 2 : i32
        %mul3A_1248 = arith.muli %add3A_1246, %mul3A_1247 : i32
        %add3A_1249 = arith.addi %mul3A_2, %mul3A_1248 : i32
        %dma_start3A_1250 = arith.constant 0 : i32
        %dma_start3A_1251 = arith.constant 3 : i32
        %dma_start3A_1252 = arith.constant 0 : i32
        %dma_start3A_1253 = arith.constant 3 : i32
        %dma_start3A_1254 = arith.constant 0 : i32
        %dma_start3A_1255 = arith.constant 0 : i32
        %dma_start3A_1256 = tpu.memref_slice %arg5[%dma_start3A_1250, %dma_start3A_1251, %dma_start3A_1254, %dma_start3A_1255] : memref<2x4x2x200xi32, #tpu.memory_space<vmem>> -> memref<1x1x2x200xi32, #tpu.memory_space<vmem>>
        %dma_start3A_1257 = tpu.memref_squeeze %dma_start3A_1256 : memref<1x1x2x200xi32, #tpu.memory_space<vmem>> -> memref<2x200xi32, #tpu.memory_space<vmem>>
        %dma_start3A_1258 = arith.constant 0 : i32
        %dma_start3A_1259 = tpu.memref_slice %arg2[%add3A_1249, %dma_start3A_1258] : memref<16384x200xi32, #tpu.memory_space<hbm>> -> memref<2x200xi32, #tpu.memory_space<hbm>>
        %dma_start3A_1260 = tpu.memref_slice %arg7[%dma_start3A_1252, %dma_start3A_1253] : memref<2x4x!tpu.dma_semaphore, #tpu.memory_space<semaphore_mem>> -> memref<1x1x!tpu.dma_semaphore, #tpu.memory_space<semaphore_mem>>
        %dma_start3A_1261 = tpu.memref_squeeze %dma_start3A_1260 : memref<1x1x!tpu.dma_semaphore, #tpu.memory_space<semaphore_mem>> -> memref<!tpu.dma_semaphore, #tpu.memory_space<semaphore_mem>>
        %dma_start3A_1262 = arith.constant 0 : i32
        %dma_start3A_1263 = arith.constant 0 : i32
        %dma_start3A_1264 = tpu.memref_slice %arg5[%dma_start3A_1250, %dma_start3A_1251, %dma_start3A_1262, %dma_start3A_1263] : memref<2x4x2x200xi32, #tpu.memory_space<vmem>> -> memref<1x1x2x200xi32, #tpu.memory_space<vmem>>
        %dma_start3A_1265 = tpu.memref_squeeze %dma_start3A_1264 : memref<1x1x2x200xi32, #tpu.memory_space<vmem>> -> memref<2x200xi32, #tpu.memory_space<vmem>>
        %dma_start3A_1266 = arith.constant 0 : i32
        %dma_start3A_1267 = tpu.memref_slice %arg2[%add3A_1249, %dma_start3A_1266] : memref<16384x200xi32, #tpu.memory_space<hbm>> -> memref<2x200xi32, #tpu.memory_space<hbm>>
        tpu.enqueue_dma source(%dma_start3A_1267 : memref<2x200xi32, #tpu.memory_space<hbm>>) target(%dma_start3A_1265 : memref<2x200xi32, #tpu.memory_space<vmem>>) target_semaphore(%dma_start3A_1261 : memref<!tpu.dma_semaphore, #tpu.memory_space<semaphore_mem>>)
      } else {
      }
      %mul3A_986 = arith.constant 4 : i32
      %mul3A_987 = arith.muli %add3A_717, %mul3A_986 : i32
      %add3A_988 = arith.constant 0 : i32
      %add3A_989 = arith.addi %mul3A_987, %add3A_988 : i32
      %mul3A_990 = arith.constant 2 : i32
      %mul3A_991 = arith.muli %add3A_989, %mul3A_990 : i32
      %add3A_992 = arith.addi %mul3A_2, %mul3A_991 : i32
      %dma_wait3A_993 = arith.constant 1 : i32
      %dma_wait3A_994 = arith.constant 0 : i32
      %dma_wait3A_995 = arith.constant 0 : i32
      %dma_wait3A_996 = arith.constant 0 : i32
      %dma_wait3A_997 = arith.constant 0 : i32
      %dma_wait3A_998 = arith.constant 0 : i32
      %dma_wait3A_999 = arith.constant 0 : i32
      %dma_wait3A_1000 = arith.constant 0 : i32
      %dma_wait3A_1001 = tpu.memref_slice %arg6[%dma_wait3A_996, %dma_wait3A_998, %dma_wait3A_999, %dma_wait3A_1000] : memref<4x2x200x64xf32, #tpu.memory_space<vmem>> -> memref<1x2x200x64xf32, #tpu.memory_space<vmem>>
      %dma_wait3A_1002 = tpu.memref_squeeze %dma_wait3A_1001 : memref<1x2x200x64xf32, #tpu.memory_space<vmem>> -> memref<2x200x64xf32, #tpu.memory_space<vmem>>
      %dma_wait3A_1003 = arith.constant 0 : i32
      %dma_wait3A_1004 = tpu.memref_slice %arg5[%dma_wait3A_993, %dma_wait3A_994, %dma_wait3A_995, %dma_wait3A_1003] : memref<2x4x2x200xi32, #tpu.memory_space<vmem>> -> memref<1x1x1x200xi32, #tpu.memory_space<vmem>>
      %dma_wait3A_1005 = tpu.memref_squeeze %dma_wait3A_1004 : memref<1x1x1x200xi32, #tpu.memory_space<vmem>> -> memref<200xi32, #tpu.memory_space<vmem>>
      %dma_wait3A_1006 = arith.constant 0 : i32
      %dma_wait3A_1007 = arith.constant 0 : i32
      %dma_wait3A_1008 = tpu.memref_slice %arg3[%dma_wait3A_1006, %dma_wait3A_1007] : memref<1000000x64xf32, #tpu.memory_space<hbm>> -> memref<1000000x64xf32, #tpu.memory_space<hbm>>
      %dma_wait3A_1009 = tpu.memref_slice %arg8[%dma_wait3A_997] : memref<4x!tpu.dma_semaphore, #tpu.memory_space<semaphore_mem>> -> memref<1x!tpu.dma_semaphore, #tpu.memory_space<semaphore_mem>>
      %dma_wait3A_1010 = tpu.memref_squeeze %dma_wait3A_1009 : memref<1x!tpu.dma_semaphore, #tpu.memory_space<semaphore_mem>> -> memref<!tpu.dma_semaphore, #tpu.memory_space<semaphore_mem>>
      tpu.wait_indirect_dma semaphore(%dma_wait3A_1010 : memref<!tpu.dma_semaphore, #tpu.memory_space<semaphore_mem>>) src(%dma_wait3A_1008 : memref<1000000x64xf32, #tpu.memory_space<hbm>>) dst(%dma_wait3A_1002 : memref<2x200x64xf32, #tpu.memory_space<vmem>>)
      %dma_start3A_1011 = arith.constant 0 : i32
      %dma_start3A_1012 = arith.constant 0 : i32
      %dma_start3A_1013 = arith.constant 0 : i32
      %dma_start3A_1014 = arith.constant 0 : i32
      %dma_start3A_1015 = arith.constant 0 : i32
      %dma_start3A_1016 = tpu.memref_slice %arg6[%dma_start3A_1011, %dma_start3A_1013, %dma_start3A_1014, %dma_start3A_1015] : memref<4x2x200x64xf32, #tpu.memory_space<vmem>> -> memref<1x2x200x64xf32, #tpu.memory_space<vmem>>
      %dma_start3A_1017 = tpu.memref_squeeze %dma_start3A_1016 : memref<1x2x200x64xf32, #tpu.memory_space<vmem>> -> memref<2x200x64xf32, #tpu.memory_space<vmem>>
      %dma_start3A_1018 = arith.constant 0 : i32
      %dma_start3A_1019 = arith.constant 0 : i32
      %dma_start3A_1020 = tpu.memref_slice %arg4[%add3A_992, %dma_start3A_1018, %dma_start3A_1019] : memref<16384x200x128xf32, #tpu.memory_space<hbm>> -> memref<2x200x64xf32, #tpu.memory_space<hbm>>
      %dma_start3A_1021 = tpu.memref_slice %arg9[%dma_start3A_1012] : memref<4x!tpu.dma_semaphore, #tpu.memory_space<semaphore_mem>> -> memref<1x!tpu.dma_semaphore, #tpu.memory_space<semaphore_mem>>
      %dma_start3A_1022 = tpu.memref_squeeze %dma_start3A_1021 : memref<1x!tpu.dma_semaphore, #tpu.memory_space<semaphore_mem>> -> memref<!tpu.dma_semaphore, #tpu.memory_space<semaphore_mem>>
      %dma_start3A_1023 = arith.constant 0 : i32
      %dma_start3A_1024 = arith.constant 0 : i32
      %dma_start3A_1025 = tpu.memref_slice %arg4[%add3A_992, %dma_start3A_1023, %dma_start3A_1024] : memref<16384x200x128xf32, #tpu.memory_space<hbm>> -> memref<2x200x64xf32, #tpu.memory_space<hbm>>
      %dma_start3A_1026 = arith.constant 0 : i32
      %dma_start3A_1027 = arith.constant 0 : i32
      %dma_start3A_1028 = arith.constant 0 : i32
      %dma_start3A_1029 = tpu.memref_slice %arg6[%dma_start3A_1011, %dma_start3A_1026, %dma_start3A_1027, %dma_start3A_1028] : memref<4x2x200x64xf32, #tpu.memory_space<vmem>> -> memref<1x2x200x64xf32, #tpu.memory_space<vmem>>
      %dma_start3A_1030 = tpu.memref_squeeze %dma_start3A_1029 : memref<1x2x200x64xf32, #tpu.memory_space<vmem>> -> memref<2x200x64xf32, #tpu.memory_space<vmem>>
      tpu.enqueue_dma source(%dma_start3A_1030 : memref<2x200x64xf32, #tpu.memory_space<vmem>>) target(%dma_start3A_1025 : memref<2x200x64xf32, #tpu.memory_space<hbm>>) target_semaphore(%dma_start3A_1022 : memref<!tpu.dma_semaphore, #tpu.memory_space<semaphore_mem>>)
      %mul3A_1031 = arith.constant 4 : i32
      %mul3A_1032 = arith.muli %add3A_717, %mul3A_1031 : i32
      %add3A_1033 = arith.constant 1 : i32
      %add3A_1034 = arith.addi %mul3A_1032, %add3A_1033 : i32
      %mul3A_1035 = arith.constant 2 : i32
      %mul3A_1036 = arith.muli %add3A_1034, %mul3A_1035 : i32
      %add3A_1037 = arith.addi %mul3A_2, %mul3A_1036 : i32
      %dma_wait3A_1038 = arith.constant 1 : i32
      %dma_wait3A_1039 = arith.constant 1 : i32
      %dma_wait3A_1040 = arith.constant 0 : i32
      %dma_wait3A_1041 = arith.constant 1 : i32
      %dma_wait3A_1042 = arith.constant 1 : i32
      %dma_wait3A_1043 = arith.constant 0 : i32
      %dma_wait3A_1044 = arith.constant 0 : i32
      %dma_wait3A_1045 = arith.constant 0 : i32
      %dma_wait3A_1046 = tpu.memref_slice %arg6[%dma_wait3A_1041, %dma_wait3A_1043, %dma_wait3A_1044, %dma_wait3A_1045] : memref<4x2x200x64xf32, #tpu.memory_space<vmem>> -> memref<1x2x200x64xf32, #tpu.memory_space<vmem>>
      %dma_wait3A_1047 = tpu.memref_squeeze %dma_wait3A_1046 : memref<1x2x200x64xf32, #tpu.memory_space<vmem>> -> memref<2x200x64xf32, #tpu.memory_space<vmem>>
      %dma_wait3A_1048 = arith.constant 0 : i32
      %dma_wait3A_1049 = tpu.memref_slice %arg5[%dma_wait3A_1038, %dma_wait3A_1039, %dma_wait3A_1040, %dma_wait3A_1048] : memref<2x4x2x200xi32, #tpu.memory_space<vmem>> -> memref<1x1x1x200xi32, #tpu.memory_space<vmem>>
      %dma_wait3A_1050 = tpu.memref_squeeze %dma_wait3A_1049 : memref<1x1x1x200xi32, #tpu.memory_space<vmem>> -> memref<200xi32, #tpu.memory_space<vmem>>
      %dma_wait3A_1051 = arith.constant 0 : i32
      %dma_wait3A_1052 = arith.constant 0 : i32
      %dma_wait3A_1053 = tpu.memref_slice %arg3[%dma_wait3A_1051, %dma_wait3A_1052] : memref<1000000x64xf32, #tpu.memory_space<hbm>> -> memref<1000000x64xf32, #tpu.memory_space<hbm>>
      %dma_wait3A_1054 = tpu.memref_slice %arg8[%dma_wait3A_1042] : memref<4x!tpu.dma_semaphore, #tpu.memory_space<semaphore_mem>> -> memref<1x!tpu.dma_semaphore, #tpu.memory_space<semaphore_mem>>
      %dma_wait3A_1055 = tpu.memref_squeeze %dma_wait3A_1054 : memref<1x!tpu.dma_semaphore, #tpu.memory_space<semaphore_mem>> -> memref<!tpu.dma_semaphore, #tpu.memory_space<semaphore_mem>>
      tpu.wait_indirect_dma semaphore(%dma_wait3A_1055 : memref<!tpu.dma_semaphore, #tpu.memory_space<semaphore_mem>>) src(%dma_wait3A_1053 : memref<1000000x64xf32, #tpu.memory_space<hbm>>) dst(%dma_wait3A_1047 : memref<2x200x64xf32, #tpu.memory_space<vmem>>)
      %dma_start3A_1056 = arith.constant 1 : i32
      %dma_start3A_1057 = arith.constant 1 : i32
      %dma_start3A_1058 = arith.constant 0 : i32
      %dma_start3A_1059 = arith.constant 0 : i32
      %dma_start3A_1060 = arith.constant 0 : i32
      %dma_start3A_1061 = tpu.memref_slice %arg6[%dma_start3A_1056, %dma_start3A_1058, %dma_start3A_1059, %dma_start3A_1060] : memref<4x2x200x64xf32, #tpu.memory_space<vmem>> -> memref<1x2x200x64xf32, #tpu.memory_space<vmem>>
      %dma_start3A_1062 = tpu.memref_squeeze %dma_start3A_1061 : memref<1x2x200x64xf32, #tpu.memory_space<vmem>> -> memref<2x200x64xf32, #tpu.memory_space<vmem>>
      %dma_start3A_1063 = arith.constant 0 : i32
      %dma_start3A_1064 = arith.constant 0 : i32
      %dma_start3A_1065 = tpu.memref_slice %arg4[%add3A_1037, %dma_start3A_1063, %dma_start3A_1064] : memref<16384x200x128xf32, #tpu.memory_space<hbm>> -> memref<2x200x64xf32, #tpu.memory_space<hbm>>
      %dma_start3A_1066 = tpu.memref_slice %arg9[%dma_start3A_1057] : memref<4x!tpu.dma_semaphore, #tpu.memory_space<semaphore_mem>> -> memref<1x!tpu.dma_semaphore, #tpu.memory_space<semaphore_mem>>
      %dma_start3A_1067 = tpu.memref_squeeze %dma_start3A_1066 : memref<1x!tpu.dma_semaphore, #tpu.memory_space<semaphore_mem>> -> memref<!tpu.dma_semaphore, #tpu.memory_space<semaphore_mem>>
      %dma_start3A_1068 = arith.constant 0 : i32
      %dma_start3A_1069 = arith.constant 0 : i32
      %dma_start3A_1070 = tpu.memref_slice %arg4[%add3A_1037, %dma_start3A_1068, %dma_start3A_1069] : memref<16384x200x128xf32, #tpu.memory_space<hbm>> -> memref<2x200x64xf32, #tpu.memory_space<hbm>>
      %dma_start3A_1071 = arith.constant 0 : i32
      %dma_start3A_1072 = arith.constant 0 : i32
      %dma_start3A_1073 = arith.constant 0 : i32
      %dma_start3A_1074 = tpu.memref_slice %arg6[%dma_start3A_1056, %dma_start3A_1071, %dma_start3A_1072, %dma_start3A_1073] : memref<4x2x200x64xf32, #tpu.memory_space<vmem>> -> memref<1x2x200x64xf32, #tpu.memory_space<vmem>>
      %dma_start3A_1075 = tpu.memref_squeeze %dma_start3A_1074 : memref<1x2x200x64xf32, #tpu.memory_space<vmem>> -> memref<2x200x64xf32, #tpu.memory_space<vmem>>
      tpu.enqueue_dma source(%dma_start3A_1075 : memref<2x200x64xf32, #tpu.memory_space<vmem>>) target(%dma_start3A_1070 : memref<2x200x64xf32, #tpu.memory_space<hbm>>) target_semaphore(%dma_start3A_1067 : memref<!tpu.dma_semaphore, #tpu.memory_space<semaphore_mem>>)
      %mul3A_1076 = arith.constant 4 : i32
      %mul3A_1077 = arith.muli %add3A_717, %mul3A_1076 : i32
      %add3A_1078 = arith.constant 2 : i32
      %add3A_1079 = arith.addi %mul3A_1077, %add3A_1078 : i32
      %mul3A_1080 = arith.constant 2 : i32
      %mul3A_1081 = arith.muli %add3A_1079, %mul3A_1080 : i32
      %add3A_1082 = arith.addi %mul3A_2, %mul3A_1081 : i32
      %dma_wait3A_1083 = arith.constant 1 : i32
      %dma_wait3A_1084 = arith.constant 2 : i32
      %dma_wait3A_1085 = arith.constant 0 : i32
      %dma_wait3A_1086 = arith.constant 2 : i32
      %dma_wait3A_1087 = arith.constant 2 : i32
      %dma_wait3A_1088 = arith.constant 0 : i32
      %dma_wait3A_1089 = arith.constant 0 : i32
      %dma_wait3A_1090 = arith.constant 0 : i32
      %dma_wait3A_1091 = tpu.memref_slice %arg6[%dma_wait3A_1086, %dma_wait3A_1088, %dma_wait3A_1089, %dma_wait3A_1090] : memref<4x2x200x64xf32, #tpu.memory_space<vmem>> -> memref<1x2x200x64xf32, #tpu.memory_space<vmem>>
      %dma_wait3A_1092 = tpu.memref_squeeze %dma_wait3A_1091 : memref<1x2x200x64xf32, #tpu.memory_space<vmem>> -> memref<2x200x64xf32, #tpu.memory_space<vmem>>
      %dma_wait3A_1093 = arith.constant 0 : i32
      %dma_wait3A_1094 = tpu.memref_slice %arg5[%dma_wait3A_1083, %dma_wait3A_1084, %dma_wait3A_1085, %dma_wait3A_1093] : memref<2x4x2x200xi32, #tpu.memory_space<vmem>> -> memref<1x1x1x200xi32, #tpu.memory_space<vmem>>
      %dma_wait3A_1095 = tpu.memref_squeeze %dma_wait3A_1094 : memref<1x1x1x200xi32, #tpu.memory_space<vmem>> -> memref<200xi32, #tpu.memory_space<vmem>>
      %dma_wait3A_1096 = arith.constant 0 : i32
      %dma_wait3A_1097 = arith.constant 0 : i32
      %dma_wait3A_1098 = tpu.memref_slice %arg3[%dma_wait3A_1096, %dma_wait3A_1097] : memref<1000000x64xf32, #tpu.memory_space<hbm>> -> memref<1000000x64xf32, #tpu.memory_space<hbm>>
      %dma_wait3A_1099 = tpu.memref_slice %arg8[%dma_wait3A_1087] : memref<4x!tpu.dma_semaphore, #tpu.memory_space<semaphore_mem>> -> memref<1x!tpu.dma_semaphore, #tpu.memory_space<semaphore_mem>>
      %dma_wait3A_1100 = tpu.memref_squeeze %dma_wait3A_1099 : memref<1x!tpu.dma_semaphore, #tpu.memory_space<semaphore_mem>> -> memref<!tpu.dma_semaphore, #tpu.memory_space<semaphore_mem>>
      tpu.wait_indirect_dma semaphore(%dma_wait3A_1100 : memref<!tpu.dma_semaphore, #tpu.memory_space<semaphore_mem>>) src(%dma_wait3A_1098 : memref<1000000x64xf32, #tpu.memory_space<hbm>>) dst(%dma_wait3A_1092 : memref<2x200x64xf32, #tpu.memory_space<vmem>>)
      %dma_start3A_1101 = arith.constant 2 : i32
      %dma_start3A_1102 = arith.constant 2 : i32
      %dma_start3A_1103 = arith.constant 0 : i32
      %dma_start3A_1104 = arith.constant 0 : i32
      %dma_start3A_1105 = arith.constant 0 : i32
      %dma_start3A_1106 = tpu.memref_slice %arg6[%dma_start3A_1101, %dma_start3A_1103, %dma_start3A_1104, %dma_start3A_1105] : memref<4x2x200x64xf32, #tpu.memory_space<vmem>> -> memref<1x2x200x64xf32, #tpu.memory_space<vmem>>
      %dma_start3A_1107 = tpu.memref_squeeze %dma_start3A_1106 : memref<1x2x200x64xf32, #tpu.memory_space<vmem>> -> memref<2x200x64xf32, #tpu.memory_space<vmem>>
      %dma_start3A_1108 = arith.constant 0 : i32
      %dma_start3A_1109 = arith.constant 0 : i32
      %dma_start3A_1110 = tpu.memref_slice %arg4[%add3A_1082, %dma_start3A_1108, %dma_start3A_1109] : memref<16384x200x128xf32, #tpu.memory_space<hbm>> -> memref<2x200x64xf32, #tpu.memory_space<hbm>>
      %dma_start3A_1111 = tpu.memref_slice %arg9[%dma_start3A_1102] : memref<4x!tpu.dma_semaphore, #tpu.memory_space<semaphore_mem>> -> memref<1x!tpu.dma_semaphore, #tpu.memory_space<semaphore_mem>>
      %dma_start3A_1112 = tpu.memref_squeeze %dma_start3A_1111 : memref<1x!tpu.dma_semaphore, #tpu.memory_space<semaphore_mem>> -> memref<!tpu.dma_semaphore, #tpu.memory_space<semaphore_mem>>
      %dma_start3A_1113 = arith.constant 0 : i32
      %dma_start3A_1114 = arith.constant 0 : i32
      %dma_start3A_1115 = tpu.memref_slice %arg4[%add3A_1082, %dma_start3A_1113, %dma_start3A_1114] : memref<16384x200x128xf32, #tpu.memory_space<hbm>> -> memref<2x200x64xf32, #tpu.memory_space<hbm>>
      %dma_start3A_1116 = arith.constant 0 : i32
      %dma_start3A_1117 = arith.constant 0 : i32
      %dma_start3A_1118 = arith.constant 0 : i32
      %dma_start3A_1119 = tpu.memref_slice %arg6[%dma_start3A_1101, %dma_start3A_1116, %dma_start3A_1117, %dma_start3A_1118] : memref<4x2x200x64xf32, #tpu.memory_space<vmem>> -> memref<1x2x200x64xf32, #tpu.memory_space<vmem>>
      %dma_start3A_1120 = tpu.memref_squeeze %dma_start3A_1119 : memref<1x2x200x64xf32, #tpu.memory_space<vmem>> -> memref<2x200x64xf32, #tpu.memory_space<vmem>>
      tpu.enqueue_dma source(%dma_start3A_1120 : memref<2x200x64xf32, #tpu.memory_space<vmem>>) target(%dma_start3A_1115 : memref<2x200x64xf32, #tpu.memory_space<hbm>>) target_semaphore(%dma_start3A_1112 : memref<!tpu.dma_semaphore, #tpu.memory_space<semaphore_mem>>)
      %mul3A_1121 = arith.constant 4 : i32
      %mul3A_1122 = arith.muli %add3A_717, %mul3A_1121 : i32
      %add3A_1123 = arith.constant 3 : i32
      %add3A_1124 = arith.addi %mul3A_1122, %add3A_1123 : i32
      %mul3A_1125 = arith.constant 2 : i32
      %mul3A_1126 = arith.muli %add3A_1124, %mul3A_1125 : i32
      %add3A_1127 = arith.addi %mul3A_2, %mul3A_1126 : i32
      %dma_wait3A_1128 = arith.constant 1 : i32
      %dma_wait3A_1129 = arith.constant 3 : i32
      %dma_wait3A_1130 = arith.constant 0 : i32
      %dma_wait3A_1131 = arith.constant 3 : i32
      %dma_wait3A_1132 = arith.constant 3 : i32
      %dma_wait3A_1133 = arith.constant 0 : i32
      %dma_wait3A_1134 = arith.constant 0 : i32
      %dma_wait3A_1135 = arith.constant 0 : i32
      %dma_wait3A_1136 = tpu.memref_slice %arg6[%dma_wait3A_1131, %dma_wait3A_1133, %dma_wait3A_1134, %dma_wait3A_1135] : memref<4x2x200x64xf32, #tpu.memory_space<vmem>> -> memref<1x2x200x64xf32, #tpu.memory_space<vmem>>
      %dma_wait3A_1137 = tpu.memref_squeeze %dma_wait3A_1136 : memref<1x2x200x64xf32, #tpu.memory_space<vmem>> -> memref<2x200x64xf32, #tpu.memory_space<vmem>>
      %dma_wait3A_1138 = arith.constant 0 : i32
      %dma_wait3A_1139 = tpu.memref_slice %arg5[%dma_wait3A_1128, %dma_wait3A_1129, %dma_wait3A_1130, %dma_wait3A_1138] : memref<2x4x2x200xi32, #tpu.memory_space<vmem>> -> memref<1x1x1x200xi32, #tpu.memory_space<vmem>>
      %dma_wait3A_1140 = tpu.memref_squeeze %dma_wait3A_1139 : memref<1x1x1x200xi32, #tpu.memory_space<vmem>> -> memref<200xi32, #tpu.memory_space<vmem>>
      %dma_wait3A_1141 = arith.constant 0 : i32
      %dma_wait3A_1142 = arith.constant 0 : i32
      %dma_wait3A_1143 = tpu.memref_slice %arg3[%dma_wait3A_1141, %dma_wait3A_1142] : memref<1000000x64xf32, #tpu.memory_space<hbm>> -> memref<1000000x64xf32, #tpu.memory_space<hbm>>
      %dma_wait3A_1144 = tpu.memref_slice %arg8[%dma_wait3A_1132] : memref<4x!tpu.dma_semaphore, #tpu.memory_space<semaphore_mem>> -> memref<1x!tpu.dma_semaphore, #tpu.memory_space<semaphore_mem>>
      %dma_wait3A_1145 = tpu.memref_squeeze %dma_wait3A_1144 : memref<1x!tpu.dma_semaphore, #tpu.memory_space<semaphore_mem>> -> memref<!tpu.dma_semaphore, #tpu.memory_space<semaphore_mem>>
      tpu.wait_indirect_dma semaphore(%dma_wait3A_1145 : memref<!tpu.dma_semaphore, #tpu.memory_space<semaphore_mem>>) src(%dma_wait3A_1143 : memref<1000000x64xf32, #tpu.memory_space<hbm>>) dst(%dma_wait3A_1137 : memref<2x200x64xf32, #tpu.memory_space<vmem>>)
      %dma_start3A_1146 = arith.constant 3 : i32
      %dma_start3A_1147 = arith.constant 3 : i32
      %dma_start3A_1148 = arith.constant 0 : i32
      %dma_start3A_1149 = arith.constant 0 : i32
      %dma_start3A_1150 = arith.constant 0 : i32
      %dma_start3A_1151 = tpu.memref_slice %arg6[%dma_start3A_1146, %dma_start3A_1148, %dma_start3A_1149, %dma_start3A_1150] : memref<4x2x200x64xf32, #tpu.memory_space<vmem>> -> memref<1x2x200x64xf32, #tpu.memory_space<vmem>>
      %dma_start3A_1152 = tpu.memref_squeeze %dma_start3A_1151 : memref<1x2x200x64xf32, #tpu.memory_space<vmem>> -> memref<2x200x64xf32, #tpu.memory_space<vmem>>
      %dma_start3A_1153 = arith.constant 0 : i32
      %dma_start3A_1154 = arith.constant 0 : i32
      %dma_start3A_1155 = tpu.memref_slice %arg4[%add3A_1127, %dma_start3A_1153, %dma_start3A_1154] : memref<16384x200x128xf32, #tpu.memory_space<hbm>> -> memref<2x200x64xf32, #tpu.memory_space<hbm>>
      %dma_start3A_1156 = tpu.memref_slice %arg9[%dma_start3A_1147] : memref<4x!tpu.dma_semaphore, #tpu.memory_space<semaphore_mem>> -> memref<1x!tpu.dma_semaphore, #tpu.memory_space<semaphore_mem>>
      %dma_start3A_1157 = tpu.memref_squeeze %dma_start3A_1156 : memref<1x!tpu.dma_semaphore, #tpu.memory_space<semaphore_mem>> -> memref<!tpu.dma_semaphore, #tpu.memory_space<semaphore_mem>>
      %dma_start3A_1158 = arith.constant 0 : i32
      %dma_start3A_1159 = arith.constant 0 : i32
      %dma_start3A_1160 = tpu.memref_slice %arg4[%add3A_1127, %dma_start3A_1158, %dma_start3A_1159] : memref<16384x200x128xf32, #tpu.memory_space<hbm>> -> memref<2x200x64xf32, #tpu.memory_space<hbm>>
      %dma_start3A_1161 = arith.constant 0 : i32
      %dma_start3A_1162 = arith.constant 0 : i32
      %dma_start3A_1163 = arith.constant 0 : i32
      %dma_start3A_1164 = tpu.memref_slice %arg6[%dma_start3A_1146, %dma_start3A_1161, %dma_start3A_1162, %dma_start3A_1163] : memref<4x2x200x64xf32, #tpu.memory_space<vmem>> -> memref<1x2x200x64xf32, #tpu.memory_space<vmem>>
      %dma_start3A_1165 = tpu.memref_squeeze %dma_start3A_1164 : memref<1x2x200x64xf32, #tpu.memory_space<vmem>> -> memref<2x200x64xf32, #tpu.memory_space<vmem>>
      tpu.enqueue_dma source(%dma_start3A_1165 : memref<2x200x64xf32, #tpu.memory_space<vmem>>) target(%dma_start3A_1160 : memref<2x200x64xf32, #tpu.memory_space<hbm>>) target_semaphore(%dma_start3A_1157 : memref<!tpu.dma_semaphore, #tpu.memory_space<semaphore_mem>>)
    }
    %scan3A_86 = arith.constant 32 : i32
    %dma_wait3A = arith.constant 0 : i32
    %dma_wait3A_87 = arith.constant 0 : i32
    %dma_wait3A_88 = arith.constant 0 : i32
    %dma_wait3A_89 = arith.constant 0 : i32
    %dma_wait3A_90 = arith.constant 0 : i32
    %dma_wait3A_91 = tpu.memref_slice %arg6[%dma_wait3A, %dma_wait3A_88, %dma_wait3A_89, %dma_wait3A_90] : memref<4x2x200x64xf32, #tpu.memory_space<vmem>> -> memref<1x2x200x64xf32, #tpu.memory_space<vmem>>
    %dma_wait3A_92 = tpu.memref_squeeze %dma_wait3A_91 : memref<1x2x200x64xf32, #tpu.memory_space<vmem>> -> memref<2x200x64xf32, #tpu.memory_space<vmem>>
    %dma_wait3A_93 = arith.constant 0 : i32
    %dma_wait3A_94 = arith.constant 0 : i32
    %dma_wait3A_95 = tpu.memref_slice %arg4[%mul3A_2, %dma_wait3A_93, %dma_wait3A_94] : memref<16384x200x128xf32, #tpu.memory_space<hbm>> -> memref<2x200x64xf32, #tpu.memory_space<hbm>>
    %dma_wait3A_96 = tpu.memref_slice %arg9[%dma_wait3A_87] : memref<4x!tpu.dma_semaphore, #tpu.memory_space<semaphore_mem>> -> memref<1x!tpu.dma_semaphore, #tpu.memory_space<semaphore_mem>>
    %dma_wait3A_97 = tpu.memref_squeeze %dma_wait3A_96 : memref<1x!tpu.dma_semaphore, #tpu.memory_space<semaphore_mem>> -> memref<!tpu.dma_semaphore, #tpu.memory_space<semaphore_mem>>
    %dma_wait3A_98 = arith.constant 0 : i32
    %dma_wait3A_99 = arith.constant 0 : i32
    %dma_wait3A_100 = tpu.memref_slice %arg4[%mul3A_2, %dma_wait3A_98, %dma_wait3A_99] : memref<16384x200x128xf32, #tpu.memory_space<hbm>> -> memref<2x200x64xf32, #tpu.memory_space<hbm>>
    %dma_wait3A_101 = arith.constant 0 : i32
    %dma_wait3A_102 = arith.constant 0 : i32
    %dma_wait3A_103 = arith.constant 0 : i32
    %dma_wait3A_104 = tpu.memref_slice %arg6[%dma_wait3A, %dma_wait3A_101, %dma_wait3A_102, %dma_wait3A_103] : memref<4x2x200x64xf32, #tpu.memory_space<vmem>> -> memref<1x2x200x64xf32, #tpu.memory_space<vmem>>
    %dma_wait3A_105 = tpu.memref_squeeze %dma_wait3A_104 : memref<1x2x200x64xf32, #tpu.memory_space<vmem>> -> memref<2x200x64xf32, #tpu.memory_space<vmem>>
    tpu.wait_dma2 semaphore(%dma_wait3A_97 : memref<!tpu.dma_semaphore, #tpu.memory_space<semaphore_mem>>) src(%dma_wait3A_105 : memref<2x200x64xf32, #tpu.memory_space<vmem>>) dst(%dma_wait3A_100 : memref<2x200x64xf32, #tpu.memory_space<hbm>>)
    %dma_wait3A_106 = arith.constant 1 : i32
    %dma_wait3A_107 = arith.constant 1 : i32
    %dma_wait3A_108 = arith.constant 0 : i32
    %dma_wait3A_109 = arith.constant 0 : i32
    %dma_wait3A_110 = arith.constant 0 : i32
    %dma_wait3A_111 = tpu.memref_slice %arg6[%dma_wait3A_106, %dma_wait3A_108, %dma_wait3A_109, %dma_wait3A_110] : memref<4x2x200x64xf32, #tpu.memory_space<vmem>> -> memref<1x2x200x64xf32, #tpu.memory_space<vmem>>
    %dma_wait3A_112 = tpu.memref_squeeze %dma_wait3A_111 : memref<1x2x200x64xf32, #tpu.memory_space<vmem>> -> memref<2x200x64xf32, #tpu.memory_space<vmem>>
    %dma_wait3A_113 = arith.constant 0 : i32
    %dma_wait3A_114 = arith.constant 0 : i32
    %dma_wait3A_115 = tpu.memref_slice %arg4[%mul3A_2, %dma_wait3A_113, %dma_wait3A_114] : memref<16384x200x128xf32, #tpu.memory_space<hbm>> -> memref<2x200x64xf32, #tpu.memory_space<hbm>>
    %dma_wait3A_116 = tpu.memref_slice %arg9[%dma_wait3A_107] : memref<4x!tpu.dma_semaphore, #tpu.memory_space<semaphore_mem>> -> memref<1x!tpu.dma_semaphore, #tpu.memory_space<semaphore_mem>>
    %dma_wait3A_117 = tpu.memref_squeeze %dma_wait3A_116 : memref<1x!tpu.dma_semaphore, #tpu.memory_space<semaphore_mem>> -> memref<!tpu.dma_semaphore, #tpu.memory_space<semaphore_mem>>
    %dma_wait3A_118 = arith.constant 0 : i32
    %dma_wait3A_119 = arith.constant 0 : i32
    %dma_wait3A_120 = tpu.memref_slice %arg4[%mul3A_2, %dma_wait3A_118, %dma_wait3A_119] : memref<16384x200x128xf32, #tpu.memory_space<hbm>> -> memref<2x200x64xf32, #tpu.memory_space<hbm>>
    %dma_wait3A_121 = arith.constant 0 : i32
    %dma_wait3A_122 = arith.constant 0 : i32
    %dma_wait3A_123 = arith.constant 0 : i32
    %dma_wait3A_124 = tpu.memref_slice %arg6[%dma_wait3A_106, %dma_wait3A_121, %dma_wait3A_122, %dma_wait3A_123] : memref<4x2x200x64xf32, #tpu.memory_space<vmem>> -> memref<1x2x200x64xf32, #tpu.memory_space<vmem>>
    %dma_wait3A_125 = tpu.memref_squeeze %dma_wait3A_124 : memref<1x2x200x64xf32, #tpu.memory_space<vmem>> -> memref<2x200x64xf32, #tpu.memory_space<vmem>>
    tpu.wait_dma2 semaphore(%dma_wait3A_117 : memref<!tpu.dma_semaphore, #tpu.memory_space<semaphore_mem>>) src(%dma_wait3A_125 : memref<2x200x64xf32, #tpu.memory_space<vmem>>) dst(%dma_wait3A_120 : memref<2x200x64xf32, #tpu.memory_space<hbm>>)
    %dma_wait3A_126 = arith.constant 2 : i32
    %dma_wait3A_127 = arith.constant 2 : i32
    %dma_wait3A_128 = arith.constant 0 : i32
    %dma_wait3A_129 = arith.constant 0 : i32
    %dma_wait3A_130 = arith.constant 0 : i32
    %dma_wait3A_131 = tpu.memref_slice %arg6[%dma_wait3A_126, %dma_wait3A_128, %dma_wait3A_129, %dma_wait3A_130] : memref<4x2x200x64xf32, #tpu.memory_space<vmem>> -> memref<1x2x200x64xf32, #tpu.memory_space<vmem>>
    %dma_wait3A_132 = tpu.memref_squeeze %dma_wait3A_131 : memref<1x2x200x64xf32, #tpu.memory_space<vmem>> -> memref<2x200x64xf32, #tpu.memory_space<vmem>>
    %dma_wait3A_133 = arith.constant 0 : i32
    %dma_wait3A_134 = arith.constant 0 : i32
    %dma_wait3A_135 = tpu.memref_slice %arg4[%mul3A_2, %dma_wait3A_133, %dma_wait3A_134] : memref<16384x200x128xf32, #tpu.memory_space<hbm>> -> memref<2x200x64xf32, #tpu.memory_space<hbm>>
    %dma_wait3A_136 = tpu.memref_slice %arg9[%dma_wait3A_127] : memref<4x!tpu.dma_semaphore, #tpu.memory_space<semaphore_mem>> -> memref<1x!tpu.dma_semaphore, #tpu.memory_space<semaphore_mem>>
    %dma_wait3A_137 = tpu.memref_squeeze %dma_wait3A_136 : memref<1x!tpu.dma_semaphore, #tpu.memory_space<semaphore_mem>> -> memref<!tpu.dma_semaphore, #tpu.memory_space<semaphore_mem>>
    %dma_wait3A_138 = arith.constant 0 : i32
    %dma_wait3A_139 = arith.constant 0 : i32
    %dma_wait3A_140 = tpu.memref_slice %arg4[%mul3A_2, %dma_wait3A_138, %dma_wait3A_139] : memref<16384x200x128xf32, #tpu.memory_space<hbm>> -> memref<2x200x64xf32, #tpu.memory_space<hbm>>
    %dma_wait3A_141 = arith.constant 0 : i32
    %dma_wait3A_142 = arith.constant 0 : i32
    %dma_wait3A_143 = arith.constant 0 : i32
    %dma_wait3A_144 = tpu.memref_slice %arg6[%dma_wait3A_126, %dma_wait3A_141, %dma_wait3A_142, %dma_wait3A_143] : memref<4x2x200x64xf32, #tpu.memory_space<vmem>> -> memref<1x2x200x64xf32, #tpu.memory_space<vmem>>
    %dma_wait3A_145 = tpu.memref_squeeze %dma_wait3A_144 : memref<1x2x200x64xf32, #tpu.memory_space<vmem>> -> memref<2x200x64xf32, #tpu.memory_space<vmem>>
    tpu.wait_dma2 semaphore(%dma_wait3A_137 : memref<!tpu.dma_semaphore, #tpu.memory_space<semaphore_mem>>) src(%dma_wait3A_145 : memref<2x200x64xf32, #tpu.memory_space<vmem>>) dst(%dma_wait3A_140 : memref<2x200x64xf32, #tpu.memory_space<hbm>>)
    %dma_wait3A_146 = arith.constant 3 : i32
    %dma_wait3A_147 = arith.constant 3 : i32
    %dma_wait3A_148 = arith.constant 0 : i32
    %dma_wait3A_149 = arith.constant 0 : i32
    %dma_wait3A_150 = arith.constant 0 : i32
    %dma_wait3A_151 = tpu.memref_slice %arg6[%dma_wait3A_146, %dma_wait3A_148, %dma_wait3A_149, %dma_wait3A_150] : memref<4x2x200x64xf32, #tpu.memory_space<vmem>> -> memref<1x2x200x64xf32, #tpu.memory_space<vmem>>
    %dma_wait3A_152 = tpu.memref_squeeze %dma_wait3A_151 : memref<1x2x200x64xf32, #tpu.memory_space<vmem>> -> memref<2x200x64xf32, #tpu.memory_space<vmem>>
    %dma_wait3A_153 = arith.constant 0 : i32
    %dma_wait3A_154 = arith.constant 0 : i32
    %dma_wait3A_155 = tpu.memref_slice %arg4[%mul3A_2, %dma_wait3A_153, %dma_wait3A_154] : memref<16384x200x128xf32, #tpu.memory_space<hbm>> -> memref<2x200x64xf32, #tpu.memory_space<hbm>>
    %dma_wait3A_156 = tpu.memref_slice %arg9[%dma_wait3A_147] : memref<4x!tpu.dma_semaphore, #tpu.memory_space<semaphore_mem>> -> memref<1x!tpu.dma_semaphore, #tpu.memory_space<semaphore_mem>>
    %dma_wait3A_157 = tpu.memref_squeeze %dma_wait3A_156 : memref<1x!tpu.dma_semaphore, #tpu.memory_space<semaphore_mem>> -> memref<!tpu.dma_semaphore, #tpu.memory_space<semaphore_mem>>
    %dma_wait3A_158 = arith.constant 0 : i32
    %dma_wait3A_159 = arith.constant 0 : i32
    %dma_wait3A_160 = tpu.memref_slice %arg4[%mul3A_2, %dma_wait3A_158, %dma_wait3A_159] : memref<16384x200x128xf32, #tpu.memory_space<hbm>> -> memref<2x200x64xf32, #tpu.memory_space<hbm>>
    %dma_wait3A_161 = arith.constant 0 : i32
    %dma_wait3A_162 = arith.constant 0 : i32
    %dma_wait3A_163 = arith.constant 0 : i32
    %dma_wait3A_164 = tpu.memref_slice %arg6[%dma_wait3A_146, %dma_wait3A_161, %dma_wait3A_162, %dma_wait3A_163] : memref<4x2x200x64xf32, #tpu.memory_space<vmem>> -> memref<1x2x200x64xf32, #tpu.memory_space<vmem>>
    %dma_wait3A_165 = tpu.memref_squeeze %dma_wait3A_164 : memref<1x2x200x64xf32, #tpu.memory_space<vmem>> -> memref<2x200x64xf32, #tpu.memory_space<vmem>>
    tpu.wait_dma2 semaphore(%dma_wait3A_157 : memref<!tpu.dma_semaphore, #tpu.memory_space<semaphore_mem>>) src(%dma_wait3A_165 : memref<2x200x64xf32, #tpu.memory_space<vmem>>) dst(%dma_wait3A_160 : memref<2x200x64xf32, #tpu.memory_space<hbm>>)
    return
  }
}

</mosaic_0001>

<sc_bundles>
// kernel: kernel.3.cloned.1.call-start
scs
__scs_entry_jumppad:
0x0: {  	(pc) =	sbr.rel $0x88, $3  }
0x1: {  	(tag) =	ssettag $0x0;
	lr =	simm.s32 $0x1  }
0x2: {  	[smem:$0x3F9F] =	sst lr;
	_ =	strace $0xD0000000  }
0x3: {  	_ = 	snop  }
0x4: {  	_ = 	snop  }
0x5: {  	_ = 	snop  }
0x6: {  	_ = 	snop  }
0x7: {  	_ = 	snop  }
__scs_overlays_trampoline_lowered:
0x8: {  	[smem:$0x3FAE] =	sst s0  }
0x9: {  	[smem:$0x3FAF] =	sst s1  }
0xa: {  	[smem:$0x3FB0] =	sst s2  }
0xb: {  	[smem:$0x3FB1] =	sst s3  }
0xc: {  	[smem:$0x3FB2] =	sst s4  }
0xd: {  	[smem:$0x3FB3] =	sst s5  }
0xe: {  	[smem:$0x3FB4] =	sst s6  }
0xf: {  	[smem:$0x3FB5] =	sst s7  }
0x10: {  	[smem:$0x3FB6] =	sst s8  }
0x11: {  	[smem:$0x3FB7] =	sst s9;
	s0 =	simm.s32 @!p0 $0x0  }
0x12: {  	s1 =	sld [smem:$0x3F9D];
	s0 =	simm.s32 @p0 $0x1  }
0x13: {  	[smem:$0x3FB8] =	sst s0;
	s0 =	simm.s32 @!p1 $0x0  }
0x14: {  	s2 =	sld [smem:$0x3F9C];
	s0 =	simm.s32 @p1 $0x1  }
0x15: {  	[smem:$0x3FB9] =	sst s0;
	s0 =	simm.s32 @!p2 $0x0  }
0x16: {  	s3 =	sld [smem:$0x3FDB];
	s0 =	simm.s32 @p2 $0x1  }
0x17: {  	s4 =	simm.s32 $0x1BF5;
	[smem:$0x3FBB] =	sst s0  }
0x18: {  	s0 =	sld [smem:$0x3F9E];
	_ =	swait.ge [sflag:s4], $0x0  }
0x19: {  	s7 =	sld [smem:$0x3F9F]  }
0x1a: {  	s8 =	sadd.s32 $0xFFFFE003, lr  }
0x1b: {  	s9 =	sadd.s32 $0xFFFFFEF7, lr;
	s5 =	simm.s32 $0xFFFFFFFF;
	p2 =	slt.u32 s8, $0xFFFFF086  }
0x1c: {  	p1 =	slt.u32 s9, $0xF7A;
	s5 =	simm.s32 @!p2 $0x0  }
0x1d: {  	s5 =	simm.s32 @p1 $0x1;
	p0 =	seq.s32 s7, s2  }
0x1e: {  	s7 =	smul.u32 @!p0 $0xF7A, s2;
	p2 =	seq.s32 @!p0 s5, $0x0  }
0x1f: {  	s9 =	smul.u32 $0xF7A, s1;
	s8 =	simm.s32 @!p0 $0x1BF5;
	p2 =	por !p2, p0  }
0x20: {  	[sflag:s8] =	ssyncset.s32 @!p0 $0xFFFFF086;
	s6 =	sadd.s32 @!p0 s3, s7;
	s7 =	simm.s32 @!p0 $0x108  }
0x21: {  	s3 =	sadd.s32 s3, s9;
	s6 =	sadd.s32 @!p0 $0x88, s6;
	s7 =	simm.s32 @p2 $0x1082  }
0x22: {  	[simem:s7], [sflag:s8] =	dma.local @!p0 [hbm:s6], $0xF7A  }
0x23: {  	s9 =	sor.u32 $0xD0000000, s2;
	s6 =	simm.s32 $0x108;
	_ =	swait.ge @!p0 [sflag:s8], $0x0  }
0x24: {  	s3 =	sadd.s32 $0x88, s3;
	s6 =	simm.s32 @!p1 $0x1082;
	[sflag:s4] =	ssyncset.s32 $0xFFFFF086  }
0x25: {  	[simem:s6], [sflag:s4] =	dma.local [hbm:s3], $0xF7A  }
0x26: {  	[smem:$0x3F9F] =	sst s1;
	(tag) =	ssettag s2;
	_ =	strace s9  }
0x27: {  	s1 =	sld [smem:$0x3FAF]  }
0x28: {  	s2 =	sld [smem:$0x3FB0]  }
0x29: {  	s4 =	sld [smem:$0x3FB2]  }
0x2a: {  	p0 =	seq.s32 s5, $0x0;
	s5 =	sld [smem:$0x3FB3]  }
0x2b: {  	s6 =	sld [smem:$0x3FB4]  }
0x2c: {  	s7 =	sld [smem:$0x3FB5]  }
0x2d: {  	s3 =	simm.s32 $0x108;
	s8 =	sld [smem:$0x3FB6]  }
0x2e: {  	s3 =	simm.s32 @!p0 $0x1082;
	s9 =	sld [smem:$0x3FB7]  }
0x2f: {  	lr =	sadd.s32 s0, s3;
	s0 =	sld [smem:$0x3FAE]  }
0x30: {  	s3 =	sld [smem:$0x3FB1]  }
0x31: {  	[smem:$0x3FBA] =	sst s10  }
0x32: {  	s10 =	sld [smem:$0x3FB8];
	_ =	sdelay $0x3  }
0x33: {  	p0 =	seq.s32 s10, $0x1;
	s10 =	sld [smem:$0x3FBA];
	_ =	sdelay $0x3  }
0x34: {  	[smem:$0x3FBA] =	sst s10  }
0x35: {  	s10 =	sld [smem:$0x3FB9];
	_ =	sdelay $0x3  }
0x36: {  	p1 =	seq.s32 s10, $0x1;
	s10 =	sld [smem:$0x3FBA];
	_ =	sdelay $0x3  }
0x37: {  	[smem:$0x3FBA] =	sst s10  }
0x38: {  	s10 =	sld [smem:$0x3FBB]  }
0x39: {  	_ = 	snop;
	(pc) =	sbr.ind lr, $3  }
0x3a: {  	_ = 	snop  }
0x3b: {  	_ = 	snop  }
0x3c: {  	p2 =	seq.s32 s10, $0x1;
	s10 =	sld [smem:$0x3FBA]  }
0x3d: {  	_ =	shalt  }
0x3e: {  	_ =	shalt  }
0x3f: {  	_ =	shalt  }
0x40: {  	_ =	shalt  }
0x41: {  	_ =	shalt  }
0x42: {  	_ =	shalt  }
0x43: {  	_ =	shalt  }
0x44: {  	_ =	shalt  }
0x45: {  	_ =	shalt  }
0x46: {  	_ =	shalt  }
0x47: {  	_ =	shalt  }
0x48: {  	_ =	shalt  }
0x49: {  	_ =	shalt  }
0x4a: {  	_ =	shalt  }
0x4b: {  	_ =	shalt  }
0x4c: {  	_ =	shalt  }
0x4d: {  	_ =	shalt  }
0x4e: {  	_ =	shalt  }
0x4f: {  	_ =	shalt  }
0x50: {  	_ =	shalt  }
0x51: {  	_ =	shalt  }
0x52: {  	_ =	shalt  }
0x53: {  	_ =	shalt  }
0x54: {  	_ =	shalt  }
0x55: {  	_ =	shalt  }
0x56: {  	_ =	shalt  }
0x57: {  	_ =	shalt  }
0x58: {  	_ =	shalt  }
0x59: {  	_ =	shalt  }
0x5a: {  	_ =	shalt  }
0x5b: {  	_ =	shalt  }
0x5c: {  	_ =	shalt  }
0x5d: {  	_ =	shalt  }
0x5e: {  	_ =	shalt  }
0x5f: {  	_ =	shalt  }
0x60: {  	_ =	shalt  }
0x61: {  	_ =	shalt  }
0x62: {  	_ =	shalt  }
0x63: {  	_ =	shalt  }
0x64: {  	_ =	shalt  }
0x65: {  	_ =	shalt  }
0x66: {  	_ =	shalt  }
0x67: {  	_ =	shalt  }
0x68: {  	_ =	shalt  }
0x69: {  	_ =	shalt  }
0x6a: {  	_ =	shalt  }
0x6b: {  	_ =	shalt  }
0x6c: {  	_ =	shalt  }
0x6d: {  	_ =	shalt  }
0x6e: {  	_ =	shalt  }
0x6f: {  	_ =	shalt  }
0x70: {  	_ =	shalt  }
0x71: {  	_ =	shalt  }
0x72: {  	_ =	shalt  }
0x73: {  	_ =	shalt  }
0x74: {  	_ =	shalt  }
0x75: {  	_ =	shalt  }
0x76: {  	_ =	shalt  }
0x77: {  	_ =	shalt  }
0x78: {  	_ =	shalt  }
0x79: {  	_ =	shalt  }
0x7a: {  	_ =	shalt  }
0x7b: {  	_ =	shalt  }
0x7c: {  	_ =	shalt  }
0x7d: {  	_ =	shalt  }
0x7e: {  	_ =	shalt  }
0x7f: {  	_ =	shalt  }
0x80: {  	_ =	shalt  }
0x81: {  	_ =	shalt  }
0x82: {  	_ =	shalt  }
0x83: {  	_ =	shalt  }
0x84: {  	_ =	shalt  }
0x85: {  	_ =	shalt  }
0x86: {  	_ =	shalt  }
0x87: {  	_ =	shalt  }
.Lfunc_end0:
.L_simem_size_0:
called_computation.1_lowered:
.L_overlay_start_0:
0x88: {  	s2 =	sld [smem:$0x3FD9]  }
0x89: {  	s3 =	sld [smem:$0x3FFE];
	_ =	sdelay $0x1  }
0x8a: {  	s1 =	srdreg.scid  }
0x8b: {  	s0 =	sand.u32 $0x1, s1  }
0x8c: {  	s16 =	sshll.u32 s0, $0xA;
	s2 =	sadd.s32 s3, s2  }
0x8d: {  	s2 =	sadd.s32 s2, s16  }
0x8e: {  	[smem:$0x3FC6] =	sst s2  }
0x8f: {  	_ = 	snop  }
0x90: {  	(tm) =	ssettm $0x1  }
0x91: {  	s17 =	sld [smem:$0x3FFB];
	_ =	sdelay $0x3  }
0x92: {  	_ =	strace s17  }
0x93: {  	s2 =	sld [smem:$0x3FFC];
	_ =	sdelay $0x3  }
0x94: {  	_ =	strace s2  }
0x95: {  	s2 =	sld [smem:$0x3FFD];
	_ =	sdelay $0x3  }
0x96: {  	_ =	strace s2  }
0x97: {  	_ =	strace $0x8FFFFFFF  }
0x98: {  	s18 =	sld [smem:$0x3FDB];
	_ =	sdelay $0x1  }
0x99: {  	s19 =	simm.s32 $_scs_section_size  }
0x9a: {  	s4 =	simm.s32 $_size__tile_overlayer_lowered;
	s5 =	simm.s32 $_tile_overlayer_lowered  }
0x9b: {  	s22 =	simm.s32 $0x1BFF;
	s21 =	sshll.u32 s5, $0x1;
	s2 =	sadd.s32 s19, s18  }
0x9c: {  	s6 =	simm.s32 $0x0;
	s20 =	sshll.u32 s4, $0x1;
	s4 =	sadd.s32 s21, s2  }
0x9d: {  	[timem:s6], [sflag:s22] =	dma.local [hbm:s4], s20  }
0x9e: {  	_ =	swait.ge [sflag:s22], s20  }
0x9f: {  	s3 =	ssub.s32 $0x0, s20;
	[sflag:s22] =	ssyncset.done $0x0  }
0xa0: {  	[sflag:s22] =	ssyncadd.s32 s3;
	_ =	sdelay $0x1  }
0xa1: {  	s23 =	simm.s32 $0x1B8B  }
0xa2: {  	_ =	swait.ge [sflag:s23], $0x1  }
0xa3: {  	[sflag:s23] =	ssyncset.done $0x0  }
0xa4: {  	s25 =	simm.s32 $0x1B8E;
	s24 =	sld [smem:$0x3FFE];
	[sflag:s23] =	ssyncadd.s32 $0xFFFFFFFF  }
0xa5: {  	s26 =	simm.s32 $execute0_lowered;
	[smem:$0x3FD2] =	sst s25  }
0xa6: {  	s4 =	sshll.u32 s26, $0x1;
	_ =	strace $0x80000046;
	[dreg:$0x1] =	wrdreg $0xFFFFFFFF  }
0xa7: {  	s28 =	simm.s32 $_size_execute0_lowered;
	s2 =	sadd.s32 s2, s4;
	[dreg:$0x0] =	wrdreg $0x0  }
0xa8: {  	s4 =	sshll.u32 s28, $0x1;
	[dreg:$0x2] =	wrdreg s2  }
0xa9: {  	[dreg:$0x3] =	wrdreg s4  }
0xaa: {  	[dreg:$0x4] =	wrdreg $0xC0  }
0xab: {  	_ =	task [dreg:s6], $0x5FFFF  }
0xac: {  	[dreg:$0x1] =	wrdreg $0xFFFFFFFF  }
0xad: {  	[dreg:$0x0] =	wrdreg $0x60  }
0xae: {  	[dreg:$0x2] =	wrdreg s24  }
0xaf: {  	[dreg:$0x3] =	wrdreg $0x9  }
0xb0: {  	_ =	task.clear_ibuf [dreg:s6], $0x4FFFF;
	_ =	strace $0x90000046  }
0xb1: {  	s29 =	simm.s32 $0x9;
	_ =	strace $0x80000048  }
0xb2: {  	_ =	swait.ge [sflag:s29], $0x1  }
0xb3: {  	[sflag:s29] =	ssyncadd.s32 $0xFFFFFFFF  }
0xb4: {  	_ =	strace $0x90000048  }
0xb5: {  	_ =	sfence  }
0xb6: {  	s30 =	sld [smem:$0x0];
	_ =	sdelay $0x2  }
0xb7: {  	s31 =	sshll.u32 s1, $0xD;
	s1 =	sshrl.u32 s1, $0x2  }
0xb8: {  	s3 =	sand.u32 $0x4000, s31;
	s1 =	sadd.s32 s1, s30  }
0xb9: {  	s0 =	sor.u32 s3, s0;
	s1 =	sshll.u32 s1, $0x11  }
0xba: {  	s0 =	sor.u32 s1, s0  }
0xbb: {  	s0 =	sadd.s32 $0x8F2B, s0  }
0xbc: {  	[sflag:s0] =	ssyncadd.remote.s32 $0x1  }
0xbd: {  	_ =	sfence.sel $0xFFFF  }
0xbe: {  	[dreg:$0x0] =	wrdreg $0xFFFFFFFF;
	(pc) =	sbr.abs _section_cstart, $3  }
0xbf: {  	[dreg:$0x1] =	wrdreg $0xFFFFFFFF  }
0xc0: {  	_ =	task.clear_ibuf [dreg:s6], $0x2FFFF;
	_ =	strace $0x9FFFFFFF  }
0xc1: {  	(tm) =	ssettm $0x7FFFFFFF  }
tec
execute0_lowered:
.L_overlay_start_1:
0x0: {  	(tag) =	ssettag $0x1  }
0x1: {  	s0 =	rddreg [dreg:$0x0];
	s1 =	srdreg.scid  }
0x2: {  	s8 =	stileid.u32;
	s2 =	simm.s32 $0x0;
	s15 =	simm.s32 $0xC8  }
0x3: {  	s16 =	simm.s32 $0xC80;
	s24 =	simm.s32 $0x258;
	s25 =	simm.s32 $0x3E8  }
0x4: {  	s26 =	simm.s32 $0x578;
	s28 =	simm.s32 $0x708;
	s29 =	simm.s32 $0x898  }
0x5: {  	s30 =	simm.s32 $0xA28;
	s31 =	simm.s32 $0xBB8;
	[smem:$0x7FF] =	sst s2  }
0x6: {  	s10 =	simm.s32 $0x0;
	_ =	strace $0x80000047;
	[dreg:$0x2] =	wrdreg s24  }
0x7: {  	s1 =	sand.u32 $0x1, s1;
	s3 =	sshll.u32 s8, $0xA;
	[dreg:$0x3] =	wrdreg s25  }
0x8: {  	s5 =	smul.u32 $0x320000, s8;
	s17 =	sadd.s32 $0x800, s0;
	[dreg:$0x4] =	wrdreg s26  }
0x9: {  	s19 =	smul.u32 $0x6400, s8;
	s8 =	simm.s32 $0xC;
	[dreg:$0x5] =	wrdreg s28  }
0xa: {  	s4 =	sshll.u32 s1, $0x9;
	s21 =	smul.u32 $0x190000, s1;
	[dreg:$0x6] =	wrdreg s29  }
0xb: {  	s18 =	ssub.s32 $0x2, s1;
	s1 =	smul.u32 $0x3200, s1;
	[dreg:$0x7] =	wrdreg s30  }
0xc: {  	[dreg:$0x8] =	wrdreg s31;
	s25 =	simm.s32 $0x13880;
	s3 =	sor.u32 s4, s3  }
0xd: {  	s7 =	sshrl.u32 s18, $0x1;
	s4 =	sadd.s32 s19, s17;
	s6 =	smul.u32 $0x19, s3  }
0xe: {  	s3 =	sadd.s32 $0x64800, s0;
	s0 =	sadd.s32 s5, s0;
	s5 =	ssub.s32 s18, s7  }
0xf: {  	s19 =	simm.s32 $0x7080;
	s7 =	simm.s32 $0xB;
	s5 =	smax.u32 s5, $0x1  }
0x10: {  	s0 =	sadd.s32 s21, s0;
	s9 =	sadd.s32 s17, s6;
	[dreg:$0xd] =	wrdreg s5  }
0x11: {  	s0 =	sadd.s32 $0x810900, s0;
	s5 =	simm.s32 $0x80;
	[dreg:$0x9] =	wrdreg s9  }
0x12: {  	s6 =	simm.s32 $0xA;
	s20 =	sadd.s32 $0x32, s9;
	[dreg:$0xe] =	wrdreg s0  }
0x13: {  	s17 =	simm.s32 $0x7;
	s22 =	sadd.s32 $0x64, s9;
	[dreg:$0xa] =	wrdreg s20  }
0x14: {  	s23 =	sadd.s32 $0x96, s9;
	s9 =	sadd.s32 s1, s4;
	[dreg:$0xb] =	wrdreg s22  }
0x15: {  	s0 =	simm.s32 $0x9;
	s1 =	simm.s32 $0x40;
	[dreg:$0xc] =	wrdreg s23  }
0x16: {  	s22 =	simm.s32 $0xD480;
	s20 =	simm.s32 $0x10;
	s23 =	simm.s32 $0x8  }
.LBB2_1:
0x17: {  	[dreg:$0xf] =	wrdreg s10  }
0x18: {  	s4 =	rddreg [dreg:$0x9]  }
0x19: {  	[tilespmem:s2], [sflag:$0x1] =	stream.linear.gather [hbm4b:s4+s2], $0x190, $0x38;
	[tilespmem:$0x19C80] =	vst v63  }
0x1a: {  	s26 =	rddreg [dreg:$0xa];
	s14 =	simm.s32 $0x190;
	p0 =	por $0x1, $0x1  }
0x1b: {  	[tilespmem:s14], [sflag:$0x2] =	stream.linear.gather [hbm4b:s26+s2], $0x190, $0x38;
	[tilespmem:$0x19C80] =	vst v63  }
0x1c: {  	s31 =	rddreg [dreg:$0xb];
	s18 =	simm.s32 $0x320;
	p0 =	por p0, p0  }
0x1d: {  	[tilespmem:s18], [sflag:$0x3] =	stream.linear.gather [hbm4b:s31+s2], $0x190, $0x38;
	[tilespmem:$0x19C80] =	vst v63  }
0x1e: {  	s10 =	rddreg [dreg:$0xc];
	s21 =	simm.s32 $0x4B0;
	s26 =	simm.s32 @!p0 $0xD  }
0x1f: {  	[tilespmem:s21], [sflag:$0x4] =	stream.linear.gather [hbm4b:s10+s2], $0x190, $0x38;
	[tilespmem:$0x19C80] =	vst v63  }
0x20: {  	_ =	swait.ge @!p0 [sflag:s26], $0x6400  }
0x21: {  	[sflag:s26] =	ssyncset.done @!p0 $0x0  }
0x22: {  	s11 =	simm.s32 $0x1;
	[sflag:s26] =	ssyncadd.s32 @!p0 $0xFFFF9C00  }
0x23: {  	_ =	swait.ge [sflag:s11], $0x190  }
0x24: {  	[sflag:s11] =	ssyncset.done $0x0  }
0x25: {  	[sflag:s11] =	ssyncadd.s32 $0xFFFFFE70  }
0x26: {  	[tilespmem:s16], [sflag:$0x9] =	stream.indirect.gather [hbm4b:s3+s15], $0x40, s2, s15, $0xb8;
	[tilespmem:$0x19C80] =	vst v63  }
0x27: {  	s24 =	simm.s32 $0x3E80;
	s26 =	simm.s32 @!p0 $0xE  }
0x28: {  	[tilespmem:s24], [sflag:$0x9] =	stream.indirect.gather [hbm4b:s3+s15], $0x40, s15, s15, $0xb8;
	[tilespmem:$0x19C80] =	vst v63  }
0x29: {  	_ =	swait.ge @!p0 [sflag:s26], $0x6400  }
0x2a: {  	[sflag:s26] =	ssyncset.done @!p0 $0x0  }
0x2b: {  	s12 =	simm.s32 $0x2;
	[sflag:s26] =	ssyncadd.s32 @!p0 $0xFFFF9C00  }
0x2c: {  	_ =	swait.ge [sflag:s12], $0x190  }
0x2d: {  	[sflag:s12] =	ssyncset.done $0x0  }
0x2e: {  	[sflag:s12] =	ssyncadd.s32 $0xFFFFFE70  }
0x2f: {  	[tilespmem:s19], [sflag:$0xA] =	stream.indirect.gather [hbm4b:s3+s15], $0x40, s14, s15, $0xb8;
	[tilespmem:$0x19C80] =	vst v63  }
0x30: {  	s28 =	simm.s32 @!p0 $0xF;
	s13 =	rddreg [dreg:$0x2];
	s14 =	simm.s32 $0xA280  }
0x31: {  	[tilespmem:s14], [sflag:$0xA] =	stream.indirect.gather [hbm4b:s3+s15], $0x40, s13, s15, $0xb8;
	[tilespmem:$0x19C80] =	vst v63  }
0x32: {  	_ =	swait.ge @!p0 [sflag:s28], $0x6400  }
0x33: {  	[sflag:s28] =	ssyncset.done @!p0 $0x0  }
0x34: {  	s31 =	simm.s32 $0x3;
	[sflag:s28] =	ssyncadd.s32 @!p0 $0xFFFF9C00  }
0x35: {  	_ =	swait.ge [sflag:s31], $0x190  }
0x36: {  	[sflag:s31] =	ssyncset.done $0x0  }
0x37: {  	[sflag:s31] =	ssyncadd.s32 $0xFFFFFE70  }
0x38: {  	[tilespmem:s22], [sflag:$0xB] =	stream.indirect.gather [hbm4b:s3+s15], $0x40, s18, s15, $0xb8;
	[tilespmem:$0x19C80] =	vst v63  }
0x39: {  	s10 =	simm.s32 $0x10680;
	s28 =	simm.s32 @!p0 $0x10;
	s4 =	rddreg [dreg:$0x3]  }
0x3a: {  	[tilespmem:s10], [sflag:$0xB] =	stream.indirect.gather [hbm4b:s3+s15], $0x40, s4, s15, $0xb8;
	[tilespmem:$0x19C80] =	vst v63  }
0x3b: {  	_ =	swait.ge @!p0 [sflag:s28], $0x6400  }
0x3c: {  	[sflag:s28] =	ssyncset.done @!p0 $0x0  }
0x3d: {  	s11 =	simm.s32 $0x4;
	[sflag:s28] =	ssyncadd.s32 @!p0 $0xFFFF9C00  }
0x3e: {  	_ =	swait.ge [sflag:s11], $0x190  }
0x3f: {  	[sflag:s11] =	ssyncset.done $0x0  }
0x40: {  	[sflag:s11] =	ssyncadd.s32 $0xFFFFFE70  }
0x41: {  	[tilespmem:s25], [sflag:$0xC] =	stream.indirect.gather [hbm4b:s3+s15], $0x40, s21, s15, $0xb8;
	[tilespmem:$0x19C80] =	vst v63  }
0x42: {  	s18 =	simm.s32 $0x16A80;
	s28 =	sadd.s32 $0x0, s9;
	s12 =	rddreg [dreg:$0x4]  }
0x43: {  	[tilespmem:s18], [sflag:$0xC] =	stream.indirect.gather [hbm4b:s3+s15], $0x40, s12, s15, $0xb8;
	[tilespmem:$0x19C80] =	vst v63  }
0x44: {  	s13 =	sadd.s32 $0xC8, s28;
	s11 =	simm.s32 $0x640  }
0x45: {  	[tilespmem:s11], [sflag:$0x5] =	stream.linear.gather [hbm4b:s13+s2], $0x190, $0x38;
	[tilespmem:$0x19C80] =	vst v63  }
0x46: {  	s21 =	sadd.s32 $0xFA, s28;
	s12 =	simm.s32 $0x7D0  }
0x47: {  	[tilespmem:s12], [sflag:$0x6] =	stream.linear.gather [hbm4b:s21+s2], $0x190, $0x38;
	[tilespmem:$0x19C80] =	vst v63  }
0x48: {  	s31 =	sadd.s32 $0x12C, s28;
	s13 =	simm.s32 $0x960  }
0x49: {  	[tilespmem:s13], [sflag:$0x7] =	stream.linear.gather [hbm4b:s31+s2], $0x190, $0x38;
	[tilespmem:$0x19C80] =	vst v63  }
0x4a: {  	s4 =	sadd.s32 $0x15E, s28;
	s21 =	simm.s32 $0xAF0  }
0x4b: {  	[tilespmem:s21], [sflag:$0x8] =	stream.linear.gather [hbm4b:s4+s2], $0x190, $0x38;
	[tilespmem:$0x19C80] =	vst v63  }
0x4c: {  	_ =	swait.ge [sflag:s0], $0x6400  }
0x4d: {  	[sflag:s0] =	ssyncset.done $0x0;
	s4 =	rddreg [dreg:$0xe]  }
0x4e: {  	[sflag:s0] =	ssyncadd.s32 $0xFFFF9C00;
	s31 =	sadd.s32 $0xFFFF5100, s4  }
0x4f: {  	[hbm4b:s31+s1] =	stream.strided.scatter [tilespmem:s16], [sflag:$0xD], $0x6400, s5, s1, $0x38;
	[tilespmem:$0x19C80] =	vst v63  }
0x50: {  	_ =	swait.ge [sflag:s6], $0x6400  }
0x51: {  	[sflag:s6] =	ssyncset.done $0x0  }
0x52: {  	s31 =	sadd.s32 $0xFFFF6A00, s4;
	[sflag:s6] =	ssyncadd.s32 $0xFFFF9C00  }
0x53: {  	[hbm4b:s31+s1] =	stream.strided.scatter [tilespmem:s19], [sflag:$0xE], $0x6400, s5, s1, $0x38;
	[tilespmem:$0x19C80] =	vst v63  }
0x54: {  	_ =	swait.ge [sflag:s7], $0x6400  }
0x55: {  	[sflag:s7] =	ssyncset.done $0x0  }
0x56: {  	s31 =	sadd.s32 $0xFFFF8300, s4;
	[sflag:s7] =	ssyncadd.s32 $0xFFFF9C00  }
0x57: {  	[hbm4b:s31+s1] =	stream.strided.scatter [tilespmem:s22], [sflag:$0xF], $0x6400, s5, s1, $0x38;
	[tilespmem:$0x19C80] =	vst v63  }
0x58: {  	_ =	swait.ge [sflag:s8], $0x6400  }
0x59: {  	[sflag:s8] =	ssyncset.done $0x0  }
0x5a: {  	s31 =	sadd.s32 $0xFFFF9C00, s4;
	[sflag:s8] =	ssyncadd.s32 $0xFFFF9C00  }
0x5b: {  	[hbm4b:s31+s1] =	stream.strided.scatter [tilespmem:s25], [sflag:$0x10], $0x6400, s5, s1, $0x38;
	[tilespmem:$0x19C80] =	vst v63  }
0x5c: {  	s31 =	simm.s32 $0xD  }
0x5d: {  	_ =	swait.ge [sflag:s31], $0x6400  }
0x5e: {  	[sflag:s31] =	ssyncset.done $0x0  }
0x5f: {  	[sflag:s31] =	ssyncadd.s32 $0xFFFF9C00;
	s31 =	simm.s32 $0x5  }
0x60: {  	_ =	swait.ge [sflag:s31], $0x190  }
0x61: {  	[sflag:s31] =	ssyncset.done $0x0  }
0x62: {  	[sflag:s31] =	ssyncadd.s32 $0xFFFFFE70  }
0x63: {  	[tilespmem:s16], [sflag:$0x9] =	stream.indirect.gather [hbm4b:s3+s15], $0x40, s11, s15, $0xb8;
	[tilespmem:$0x19C80] =	vst v63  }
0x64: {  	s26 =	simm.s32 $0xE;
	s31 =	rddreg [dreg:$0x5]  }
0x65: {  	[tilespmem:s24], [sflag:$0x9] =	stream.indirect.gather [hbm4b:s3+s15], $0x40, s31, s15, $0xb8;
	[tilespmem:$0x19C80] =	vst v63  }
0x66: {  	_ =	swait.ge [sflag:s26], $0x6400  }
0x67: {  	[sflag:s26] =	ssyncset.done $0x0  }
0x68: {  	s31 =	simm.s32 $0x6;
	[sflag:s26] =	ssyncadd.s32 $0xFFFF9C00  }
0x69: {  	_ =	swait.ge [sflag:s31], $0x190  }
0x6a: {  	[sflag:s31] =	ssyncset.done $0x0  }
0x6b: {  	[sflag:s31] =	ssyncadd.s32 $0xFFFFFE70  }
0x6c: {  	[tilespmem:s19], [sflag:$0xA] =	stream.indirect.gather [hbm4b:s3+s15], $0x40, s12, s15, $0xb8;
	[tilespmem:$0x19C80] =	vst v63  }
0x6d: {  	s24 =	rddreg [dreg:$0x6];
	s31 =	simm.s32 $0xF  }
0x6e: {  	[tilespmem:s14], [sflag:$0xA] =	stream.indirect.gather [hbm4b:s3+s15], $0x40, s24, s15, $0xb8;
	[tilespmem:$0x19C80] =	vst v63  }
0x6f: {  	_ =	swait.ge [sflag:s31], $0x6400  }
0x70: {  	[sflag:s31] =	ssyncset.done $0x0  }
0x71: {  	[sflag:s31] =	ssyncadd.s32 $0xFFFF9C00  }
0x72: {  	_ =	swait.ge [sflag:s17], $0x190  }
0x73: {  	[sflag:s17] =	ssyncset.done $0x0  }
0x74: {  	[sflag:s17] =	ssyncadd.s32 $0xFFFFFE70  }
0x75: {  	[tilespmem:s22], [sflag:$0xB] =	stream.indirect.gather [hbm4b:s3+s15], $0x40, s13, s15, $0xb8;
	[tilespmem:$0x19C80] =	vst v63  }
0x76: {  	s12 =	rddreg [dreg:$0x7]  }
0x77: {  	[tilespmem:s10], [sflag:$0xB] =	stream.indirect.gather [hbm4b:s3+s15], $0x40, s12, s15, $0xb8;
	[tilespmem:$0x19C80] =	vst v63  }
0x78: {  	_ =	swait.ge [sflag:s20], $0x6400  }
0x79: {  	[sflag:s20] =	ssyncset.done $0x0  }
0x7a: {  	[sflag:s20] =	ssyncadd.s32 $0xFFFF9C00  }
0x7b: {  	_ =	swait.ge [sflag:s23], $0x190  }
0x7c: {  	[sflag:s23] =	ssyncset.done $0x0  }
0x7d: {  	p0 =	por $0x0, $0x0;
	[sflag:s23] =	ssyncadd.s32 $0xFFFFFE70  }
0x7e: {  	[tilespmem:s25], [sflag:$0xC] =	stream.indirect.gather [hbm4b:s3+s15], $0x40, s21, s15, $0xb8;
	[tilespmem:$0x19C80] =	vst v63  }
0x7f: {  	s26 =	sadd.s32 @!p0 $0x0, s9;
	s14 =	rddreg [dreg:$0x8]  }
0x80: {  	[tilespmem:s18], [sflag:$0xC] =	stream.indirect.gather [hbm4b:s3+s15], $0x40, s14, s15, $0xb8;
	[tilespmem:$0x19C80] =	vst v63  }
0x81: {  	s28 =	simm.s32 @!p0 $0x0;
	s29 =	sadd.s32 @!p0 $0x190, s26  }
0x82: {  	[tilespmem:s28], [sflag:$0x1] =	stream.linear.gather @!p0 [hbm4b:s29+s28], $0x190, $0x38;
	[tilespmem:$0x19C80] =	vst v63  }
0x83: {  	s30 =	simm.s32 @!p0 $0x190;
	s29 =	sadd.s32 @!p0 $0x1C2, s26  }
0x84: {  	[tilespmem:s30], [sflag:$0x2] =	stream.linear.gather @!p0 [hbm4b:s29+s28], $0x190, $0x38;
	[tilespmem:$0x19C80] =	vst v63  }
0x85: {  	s29 =	sadd.s32 @!p0 $0x1F4, s26;
	s30 =	simm.s32 @!p0 $0x320  }
0x86: {  	[tilespmem:s30], [sflag:$0x3] =	stream.linear.gather @!p0 [hbm4b:s29+s28], $0x190, $0x38;
	[tilespmem:$0x19C80] =	vst v63  }
0x87: {  	s26 =	sadd.s32 @!p0 $0x226, s26;
	s29 =	simm.s32 @!p0 $0x4B0  }
0x88: {  	[tilespmem:s29], [sflag:$0x4] =	stream.linear.gather @!p0 [hbm4b:s26+s28], $0x190, $0x38;
	[tilespmem:$0x19C80] =	vst v63  }
0x89: {  	_ =	swait.ge [sflag:s0], $0x6400  }
0x8a: {  	[sflag:s0] =	ssyncset.done $0x0  }
0x8b: {  	s21 =	sadd.s32 $0xFFFFB500, s4;
	[sflag:s0] =	ssyncadd.s32 $0xFFFF9C00  }
0x8c: {  	[hbm4b:s21+s1] =	stream.strided.scatter [tilespmem:s16], [sflag:$0xD], $0x6400, s5, s1, $0x38;
	[tilespmem:$0x19C80] =	vst v63  }
0x8d: {  	_ =	swait.ge [sflag:s6], $0x6400  }
0x8e: {  	[sflag:s6] =	ssyncset.done $0x0  }
0x8f: {  	s24 =	sadd.s32 $0xFFFFCE00, s4;
	[sflag:s6] =	ssyncadd.s32 $0xFFFF9C00  }
0x90: {  	[hbm4b:s24+s1] =	stream.strided.scatter [tilespmem:s19], [sflag:$0xE], $0x6400, s5, s1, $0x38;
	[tilespmem:$0x19C80] =	vst v63  }
0x91: {  	_ =	swait.ge [sflag:s7], $0x6400  }
0x92: {  	p6 =	por $0x0, $0x0;
	[sflag:s7] =	ssyncset.done $0x0  }
0x93: {  	s31 =	sadd.s32 $0xFFFFE700, s4;
	s30 =	smov.u32 s4;
	[sflag:s7] =	ssyncadd.s32 $0xFFFF9C00  }
0x94: {  	[hbm4b:s31+s1] =	stream.strided.scatter [tilespmem:s22], [sflag:$0xF], $0x6400, s5, s1, $0x38;
	[tilespmem:$0x19C80] =	vst v63  }
0x95: {  	s28 =	simm.s32 $0x190;
	s29 =	simm.s32 $0x320;
	_ =	swait.ge [sflag:s8], $0x6400  }
0x96: {  	p0 =	por p6, p6;
	s26 =	sadd.s32 $0xC800, s4;
	[sflag:s8] =	ssyncset.done $0x0  }
.LBB2_2:
0x97: {  	s14 =	simm.s32 @!p0 $0xD;
	[sflag:s8] =	ssyncadd.s32 $0xFFFF9C00  }
0x98: {  	[hbm4b:s30+s1] =	stream.strided.scatter [tilespmem:s25], [sflag:$0x10], $0x6400, s5, s1, $0x38;
	[tilespmem:$0x19C80] =	vst v63  }
0x99: {  	_ =	swait.ge @!p0 [sflag:s14], $0x6400  }
0x9a: {  	[sflag:s14] =	ssyncset.done @!p0 $0x0  }
0x9b: {  	s4 =	simm.s32 $0x1;
	[sflag:s14] =	ssyncadd.s32 @!p0 $0xFFFF9C00  }
0x9c: {  	_ =	swait.ge [sflag:s4], $0x190  }
0x9d: {  	[sflag:s4] =	ssyncset.done $0x0  }
0x9e: {  	[sflag:s4] =	ssyncadd.s32 $0xFFFFFE70  }
0x9f: {  	[tilespmem:s16], [sflag:$0x9] =	stream.indirect.gather [hbm4b:s3+s15], $0x40, s2, s15, $0xb8;
	[tilespmem:$0x19C80] =	vst v63  }
0xa0: {  	s21 =	simm.s32 $0x3E80;
	s14 =	simm.s32 @!p0 $0xE  }
0xa1: {  	[tilespmem:s21], [sflag:$0x9] =	stream.indirect.gather [hbm4b:s3+s15], $0x40, s15, s15, $0xb8;
	[tilespmem:$0x19C80] =	vst v63  }
0xa2: {  	_ =	swait.ge @!p0 [sflag:s14], $0x6400  }
0xa3: {  	[sflag:s14] =	ssyncset.done @!p0 $0x0  }
0xa4: {  	s24 =	simm.s32 $0x2;
	[sflag:s14] =	ssyncadd.s32 @!p0 $0xFFFF9C00  }
0xa5: {  	_ =	swait.ge [sflag:s24], $0x190  }
0xa6: {  	[sflag:s24] =	ssyncset.done $0x0  }
0xa7: {  	s11 =	simm.s32 $0x190;
	[sflag:s24] =	ssyncadd.s32 $0xFFFFFE70  }
0xa8: {  	[tilespmem:s19], [sflag:$0xA] =	stream.indirect.gather [hbm4b:s3+s15], $0x40, s11, s15, $0xb8;
	[tilespmem:$0x19C80] =	vst v63  }
0xa9: {  	s18 =	simm.s32 @!p0 $0xF;
	s10 =	rddreg [dreg:$0x2];
	s24 =	simm.s32 $0xA280  }
0xaa: {  	[tilespmem:s24], [sflag:$0xA] =	stream.indirect.gather [hbm4b:s3+s15], $0x40, s10, s15, $0xb8;
	[tilespmem:$0x19C80] =	vst v63  }
0xab: {  	_ =	swait.ge @!p0 [sflag:s18], $0x6400  }
0xac: {  	[sflag:s18] =	ssyncset.done @!p0 $0x0  }
0xad: {  	s12 =	simm.s32 $0x3;
	[sflag:s18] =	ssyncadd.s32 @!p0 $0xFFFF9C00  }
0xae: {  	_ =	swait.ge [sflag:s12], $0x190  }
0xaf: {  	[sflag:s12] =	ssyncset.done $0x0  }
0xb0: {  	s11 =	simm.s32 $0x320;
	[sflag:s12] =	ssyncadd.s32 $0xFFFFFE70  }
0xb1: {  	[tilespmem:s22], [sflag:$0xB] =	stream.indirect.gather [hbm4b:s3+s15], $0x40, s11, s15, $0xb8;
	[tilespmem:$0x19C80] =	vst v63  }
0xb2: {  	s10 =	simm.s32 $0x10680;
	s18 =	simm.s32 @!p0 $0x10;
	s13 =	rddreg [dreg:$0x3]  }
0xb3: {  	[tilespmem:s10], [sflag:$0xB] =	stream.indirect.gather [hbm4b:s3+s15], $0x40, s13, s15, $0xb8;
	[tilespmem:$0x19C80] =	vst v63  }
0xb4: {  	_ =	swait.ge @!p0 [sflag:s18], $0x6400  }
0xb5: {  	[sflag:s18] =	ssyncset.done @!p0 $0x0  }
0xb6: {  	s12 =	simm.s32 $0x4;
	[sflag:s18] =	ssyncadd.s32 @!p0 $0xFFFF9C00  }
0xb7: {  	_ =	swait.ge [sflag:s12], $0x190  }
0xb8: {  	[sflag:s12] =	ssyncset.done $0x0  }
0xb9: {  	s11 =	simm.s32 $0x4B0;
	[sflag:s12] =	ssyncadd.s32 $0xFFFFFE70  }
0xba: {  	[tilespmem:s25], [sflag:$0xC] =	stream.indirect.gather [hbm4b:s3+s15], $0x40, s11, s15, $0xb8;
	[tilespmem:$0x19C80] =	vst v63  }
0xbb: {  	s4 =	simm.s32 $0x16A80;
	s18 =	sadd.s32 s28, s9;
	s13 =	rddreg [dreg:$0x4]  }
0xbc: {  	[tilespmem:s4], [sflag:$0xC] =	stream.indirect.gather [hbm4b:s3+s15], $0x40, s13, s15, $0xb8;
	[tilespmem:$0x19C80] =	vst v63  }
0xbd: {  	s12 =	sadd.s32 $0xC8, s18;
	s11 =	simm.s32 $0x640  }
0xbe: {  	[tilespmem:s11], [sflag:$0x5] =	stream.linear.gather [hbm4b:s12+s2], $0x190, $0x38;
	[tilespmem:$0x19C80] =	vst v63  }
0xbf: {  	s13 =	sadd.s32 $0xFA, s18;
	s12 =	simm.s32 $0x7D0  }
0xc0: {  	[tilespmem:s12], [sflag:$0x6] =	stream.linear.gather [hbm4b:s13+s2], $0x190, $0x38;
	[tilespmem:$0x19C80] =	vst v63  }
0xc1: {  	s14 =	sadd.s32 $0x12C, s18;
	s13 =	simm.s32 $0x960  }
0xc2: {  	[tilespmem:s13], [sflag:$0x7] =	stream.linear.gather [hbm4b:s14+s2], $0x190, $0x38;
	[tilespmem:$0x19C80] =	vst v63  }
0xc3: {  	s14 =	sadd.s32 $0x15E, s18;
	s18 =	simm.s32 $0xAF0  }
0xc4: {  	[tilespmem:s18], [sflag:$0x8] =	stream.linear.gather [hbm4b:s14+s2], $0x190, $0x38;
	[tilespmem:$0x19C80] =	vst v63  }
0xc5: {  	_ =	swait.ge [sflag:s0], $0x6400  }
0xc6: {  	[sflag:s0] =	ssyncset.done $0x0  }
0xc7: {  	s14 =	sadd.s32 $0xFFFF5100, s26;
	[sflag:s0] =	ssyncadd.s32 $0xFFFF9C00  }
0xc8: {  	[hbm4b:s14+s1] =	stream.strided.scatter [tilespmem:s16], [sflag:$0xD], $0x6400, s5, s1, $0x38;
	[tilespmem:$0x19C80] =	vst v63  }
0xc9: {  	_ =	swait.ge [sflag:s6], $0x6400  }
0xca: {  	[sflag:s6] =	ssyncset.done $0x0  }
0xcb: {  	s14 =	sadd.s32 $0xFFFF6A00, s26;
	[sflag:s6] =	ssyncadd.s32 $0xFFFF9C00  }
0xcc: {  	[hbm4b:s14+s1] =	stream.strided.scatter [tilespmem:s19], [sflag:$0xE], $0x6400, s5, s1, $0x38;
	[tilespmem:$0x19C80] =	vst v63  }
0xcd: {  	_ =	swait.ge [sflag:s7], $0x6400  }
0xce: {  	[sflag:s7] =	ssyncset.done $0x0  }
0xcf: {  	s14 =	sadd.s32 $0xFFFF8300, s26;
	[sflag:s7] =	ssyncadd.s32 $0xFFFF9C00  }
0xd0: {  	[hbm4b:s14+s1] =	stream.strided.scatter [tilespmem:s22], [sflag:$0xF], $0x6400, s5, s1, $0x38;
	[tilespmem:$0x19C80] =	vst v63  }
0xd1: {  	_ =	swait.ge [sflag:s8], $0x6400  }
0xd2: {  	[sflag:s8] =	ssyncset.done $0x0  }
0xd3: {  	s14 =	sadd.s32 $0xFFFF9C00, s26;
	[sflag:s8] =	ssyncadd.s32 $0xFFFF9C00  }
0xd4: {  	[hbm4b:s14+s1] =	stream.strided.scatter [tilespmem:s25], [sflag:$0x10], $0x6400, s5, s1, $0x38;
	[tilespmem:$0x19C80] =	vst v63  }
0xd5: {  	s14 =	simm.s32 $0xD  }
0xd6: {  	_ =	swait.ge [sflag:s14], $0x6400  }
0xd7: {  	[sflag:s14] =	ssyncset.done $0x0  }
0xd8: {  	[sflag:s14] =	ssyncadd.s32 $0xFFFF9C00;
	s14 =	simm.s32 $0x5  }
0xd9: {  	_ =	swait.ge [sflag:s14], $0x190  }
0xda: {  	[sflag:s14] =	ssyncset.done $0x0  }
0xdb: {  	[sflag:s14] =	ssyncadd.s32 $0xFFFFFE70  }
0xdc: {  	[tilespmem:s16], [sflag:$0x9] =	stream.indirect.gather [hbm4b:s3+s15], $0x40, s11, s15, $0xb8;
	[tilespmem:$0x19C80] =	vst v63  }
0xdd: {  	s14 =	rddreg [dreg:$0x5]  }
0xde: {  	[tilespmem:s21], [sflag:$0x9] =	stream.indirect.gather [hbm4b:s3+s15], $0x40, s14, s15, $0xb8;
	[tilespmem:$0x19C80] =	vst v63  }
0xdf: {  	s21 =	simm.s32 $0xE  }
0xe0: {  	_ =	swait.ge [sflag:s21], $0x6400  }
0xe1: {  	[sflag:s21] =	ssyncset.done $0x0  }
0xe2: {  	s14 =	simm.s32 $0x6;
	[sflag:s21] =	ssyncadd.s32 $0xFFFF9C00  }
0xe3: {  	_ =	swait.ge [sflag:s14], $0x190  }
0xe4: {  	[sflag:s14] =	ssyncset.done $0x0  }
0xe5: {  	[sflag:s14] =	ssyncadd.s32 $0xFFFFFE70  }
0xe6: {  	[tilespmem:s19], [sflag:$0xA] =	stream.indirect.gather [hbm4b:s3+s15], $0x40, s12, s15, $0xb8;
	[tilespmem:$0x19C80] =	vst v63  }
0xe7: {  	s21 =	rddreg [dreg:$0x6]  }
0xe8: {  	[tilespmem:s24], [sflag:$0xA] =	stream.indirect.gather [hbm4b:s3+s15], $0x40, s21, s15, $0xb8;
	[tilespmem:$0x19C80] =	vst v63  }
0xe9: {  	s24 =	simm.s32 $0xF  }
0xea: {  	_ =	swait.ge [sflag:s24], $0x6400  }
0xeb: {  	[sflag:s24] =	ssyncset.done $0x0  }
0xec: {  	[sflag:s24] =	ssyncadd.s32 $0xFFFF9C00  }
0xed: {  	_ =	swait.ge [sflag:s17], $0x190  }
0xee: {  	[sflag:s17] =	ssyncset.done $0x0  }
0xef: {  	[sflag:s17] =	ssyncadd.s32 $0xFFFFFE70  }
0xf0: {  	[tilespmem:s22], [sflag:$0xB] =	stream.indirect.gather [hbm4b:s3+s15], $0x40, s13, s15, $0xb8;
	[tilespmem:$0x19C80] =	vst v63  }
0xf1: {  	s12 =	rddreg [dreg:$0x7]  }
0xf2: {  	[tilespmem:s10], [sflag:$0xB] =	stream.indirect.gather [hbm4b:s3+s15], $0x40, s12, s15, $0xb8;
	[tilespmem:$0x19C80] =	vst v63  }
0xf3: {  	_ =	swait.ge [sflag:s20], $0x6400  }
0xf4: {  	[sflag:s20] =	ssyncset.done $0x0  }
0xf5: {  	[sflag:s20] =	ssyncadd.s32 $0xFFFF9C00  }
0xf6: {  	_ =	swait.ge [sflag:s23], $0x190  }
0xf7: {  	p2 =	seq.s32 s29, $0x0;
	[sflag:s23] =	ssyncset.done $0x0  }
0xf8: {  	p0 =	por p2, p2;
	p2 =	seq.s32 s28, $0x3070;
	[sflag:s23] =	ssyncadd.s32 $0xFFFFFE70  }
0xf9: {  	[tilespmem:s25], [sflag:$0xC] =	stream.indirect.gather [hbm4b:s3+s15], $0x40, s18, s15, $0xb8;
	[tilespmem:$0x19C80] =	vst v63  }
0xfa: {  	s31 =	smov.u32 s29;
	s14 =	sadd.s32 @!p2 s28, s9;
	s13 =	rddreg [dreg:$0x8]  }
0xfb: {  	[tilespmem:s4], [sflag:$0xC] =	stream.indirect.gather [hbm4b:s3+s15], $0x40, s13, s15, $0xb8;
	[tilespmem:$0x19C80] =	vst v63  }
0xfc: {  	s28 =	smov.u32 s31;
	s31 =	sadd.s32 @!p2 $0x190, s14;
	s18 =	simm.s32 @!p2 $0x0  }
0xfd: {  	[tilespmem:s18], [sflag:$0x1] =	stream.linear.gather @!p2 [hbm4b:s31+s18], $0x190, $0x38;
	[tilespmem:$0x19C80] =	vst v63  }
0xfe: {  	s21 =	sadd.s32 @!p2 $0x1C2, s14;
	s24 =	simm.s32 @!p2 $0x190  }
0xff: {  	[tilespmem:s24], [sflag:$0x2] =	stream.linear.gather @!p2 [hbm4b:s21+s18], $0x190, $0x38;
	[tilespmem:$0x19C80] =	vst v63  }
0x100: {  	s4 =	simm.s32 @!p2 $0x320;
	s31 =	sadd.s32 @!p2 $0x1F4, s14  }
0x101: {  	[tilespmem:s4], [sflag:$0x3] =	stream.linear.gather @!p2 [hbm4b:s31+s18], $0x190, $0x38;
	[tilespmem:$0x19C80] =	vst v63  }
0x102: {  	s14 =	sadd.s32 @!p2 $0x226, s14;
	s21 =	simm.s32 @!p2 $0x4B0  }
0x103: {  	[tilespmem:s21], [sflag:$0x4] =	stream.linear.gather @!p2 [hbm4b:s14+s18], $0x190, $0x38;
	[tilespmem:$0x19C80] =	vst v63  }
0x104: {  	_ =	swait.ge [sflag:s0], $0x6400  }
0x105: {  	[sflag:s0] =	ssyncset.done $0x0  }
0x106: {  	s21 =	sadd.s32 $0xFFFFB500, s26;
	[sflag:s0] =	ssyncadd.s32 $0xFFFF9C00  }
0x107: {  	[hbm4b:s21+s1] =	stream.strided.scatter [tilespmem:s16], [sflag:$0xD], $0x6400, s5, s1, $0x38;
	[tilespmem:$0x19C80] =	vst v63  }
0x108: {  	_ =	swait.ge [sflag:s6], $0x6400  }
0x109: {  	[sflag:s6] =	ssyncset.done $0x0  }
0x10a: {  	s29 =	sadd.s32 $0x190, s29;
	s24 =	sadd.s32 $0xFFFFCE00, s26;
	[sflag:s6] =	ssyncadd.s32 $0xFFFF9C00  }
0x10b: {  	[hbm4b:s24+s1] =	stream.strided.scatter [tilespmem:s19], [sflag:$0xE], $0x6400, s5, s1, $0x38;
	[tilespmem:$0x19C80] =	vst v63  }
0x10c: {  	p1 =	sne.s32 s29, $0x3200;
	_ =	swait.ge [sflag:s7], $0x6400  }
.Ltmp0:
0x10d: {  	[sflag:s7] =	ssyncset.done $0x0;
	(pc) =	sbr.rel @p1 .LBB2_2-.Ltmp0, $4  }
0x10e: {  	s31 =	sadd.s32 $0xFFFFE700, s26;
	[sflag:s7] =	ssyncadd.s32 $0xFFFF9C00  }
0x10f: {  	[hbm4b:s31+s1] =	stream.strided.scatter [tilespmem:s22], [sflag:$0xF], $0x6400, s5, s1, $0x38;
	[tilespmem:$0x19C80] =	vst v63  }
0x110: {  	_ =	swait.ge [sflag:s8], $0x6400  }
0x111: {  	s30 =	smov.u32 s26;
	s26 =	sadd.s32 $0xC800, s26;
	[sflag:s8] =	ssyncset.done $0x0  }
0x112: {  	s4 =	simm.s32 @!p0 $0xD;
	[sflag:s8] =	ssyncadd.s32 $0xFFFF9C00  }
0x113: {  	[hbm4b:s30+s1] =	stream.strided.scatter [tilespmem:s25], [sflag:$0x10], $0x6400, s5, s1, $0x38;
	[tilespmem:$0x19C80] =	vst v63  }
0x114: {  	_ =	swait.ge @!p0 [sflag:s4], $0x6400  }
0x115: {  	[sflag:s4] =	ssyncset.done @!p0 $0x0  }
0x116: {  	s21 =	simm.s32 $0x1;
	[sflag:s4] =	ssyncadd.s32 @!p0 $0xFFFF9C00  }
0x117: {  	_ =	swait.ge [sflag:s21], $0x190  }
0x118: {  	[sflag:s21] =	ssyncset.done $0x0  }
0x119: {  	[sflag:s21] =	ssyncadd.s32 $0xFFFFFE70  }
0x11a: {  	[tilespmem:s16], [sflag:$0x9] =	stream.indirect.gather [hbm4b:s3+s15], $0x40, s2, s15, $0xb8;
	[tilespmem:$0x19C80] =	vst v63  }
0x11b: {  	s18 =	simm.s32 $0x3E80;
	s4 =	simm.s32 @!p0 $0xE  }
0x11c: {  	[tilespmem:s18], [sflag:$0x9] =	stream.indirect.gather [hbm4b:s3+s15], $0x40, s15, s15, $0xb8;
	[tilespmem:$0x19C80] =	vst v63  }
0x11d: {  	_ =	swait.ge @!p0 [sflag:s4], $0x6400  }
0x11e: {  	[sflag:s4] =	ssyncset.done @!p0 $0x0  }
0x11f: {  	s24 =	simm.s32 $0x2;
	[sflag:s4] =	ssyncadd.s32 @!p0 $0xFFFF9C00  }
0x120: {  	_ =	swait.ge [sflag:s24], $0x190  }
0x121: {  	[sflag:s24] =	ssyncset.done $0x0  }
0x122: {  	s14 =	simm.s32 $0x190;
	[sflag:s24] =	ssyncadd.s32 $0xFFFFFE70  }
0x123: {  	[tilespmem:s19], [sflag:$0xA] =	stream.indirect.gather [hbm4b:s3+s15], $0x40, s14, s15, $0xb8;
	[tilespmem:$0x19C80] =	vst v63  }
0x124: {  	s21 =	simm.s32 $0xA280;
	s29 =	rddreg [dreg:$0x2];
	s14 =	simm.s32 @!p0 $0xF  }
0x125: {  	[tilespmem:s21], [sflag:$0xA] =	stream.indirect.gather [hbm4b:s3+s15], $0x40, s29, s15, $0xb8;
	[tilespmem:$0x19C80] =	vst v63  }
0x126: {  	_ =	swait.ge @!p0 [sflag:s14], $0x6400  }
0x127: {  	[sflag:s14] =	ssyncset.done @!p0 $0x0  }
0x128: {  	s30 =	simm.s32 $0x3;
	[sflag:s14] =	ssyncadd.s32 @!p0 $0xFFFF9C00  }
0x129: {  	_ =	swait.ge [sflag:s30], $0x190  }
0x12a: {  	[sflag:s30] =	ssyncset.done $0x0  }
0x12b: {  	s11 =	simm.s32 $0x320;
	[sflag:s30] =	ssyncadd.s32 $0xFFFFFE70  }
0x12c: {  	[tilespmem:s22], [sflag:$0xB] =	stream.indirect.gather [hbm4b:s3+s15], $0x40, s11, s15, $0xb8;
	[tilespmem:$0x19C80] =	vst v63  }
0x12d: {  	s10 =	simm.s32 $0x10680;
	s14 =	simm.s32 @!p0 $0x10;
	s31 =	rddreg [dreg:$0x3]  }
0x12e: {  	[tilespmem:s10], [sflag:$0xB] =	stream.indirect.gather [hbm4b:s3+s15], $0x40, s31, s15, $0xb8;
	[tilespmem:$0x19C80] =	vst v63  }
0x12f: {  	_ =	swait.ge @!p0 [sflag:s14], $0x6400  }
0x130: {  	[sflag:s14] =	ssyncset.done @!p0 $0x0  }
0x131: {  	s12 =	simm.s32 $0x4;
	[sflag:s14] =	ssyncadd.s32 @!p0 $0xFFFF9C00  }
0x132: {  	_ =	swait.ge [sflag:s12], $0x190  }
0x133: {  	[sflag:s12] =	ssyncset.done $0x0  }
0x134: {  	s24 =	simm.s32 $0x4B0;
	[sflag:s12] =	ssyncadd.s32 $0xFFFFFE70  }
0x135: {  	[tilespmem:s25], [sflag:$0xC] =	stream.indirect.gather [hbm4b:s3+s15], $0x40, s24, s15, $0xb8;
	[tilespmem:$0x19C80] =	vst v63  }
0x136: {  	s14 =	sadd.s32 s28, s9;
	s13 =	rddreg [dreg:$0x4];
	s24 =	simm.s32 $0x16A80  }
0x137: {  	[tilespmem:s24], [sflag:$0xC] =	stream.indirect.gather [hbm4b:s3+s15], $0x40, s13, s15, $0xb8;
	[tilespmem:$0x19C80] =	vst v63  }
0x138: {  	s11 =	simm.s32 $0x640;
	s29 =	sadd.s32 $0xC8, s14  }
0x139: {  	[tilespmem:s11], [sflag:$0x5] =	stream.linear.gather [hbm4b:s29+s2], $0x190, $0x38;
	[tilespmem:$0x19C80] =	vst v63  }
0x13a: {  	s30 =	sadd.s32 $0xFA, s14;
	s12 =	simm.s32 $0x7D0  }
0x13b: {  	[tilespmem:s12], [sflag:$0x6] =	stream.linear.gather [hbm4b:s30+s2], $0x190, $0x38;
	[tilespmem:$0x19C80] =	vst v63  }
0x13c: {  	s31 =	sadd.s32 $0x12C, s14;
	s13 =	simm.s32 $0x960  }
0x13d: {  	[tilespmem:s13], [sflag:$0x7] =	stream.linear.gather [hbm4b:s31+s2], $0x190, $0x38;
	[tilespmem:$0x19C80] =	vst v63  }
0x13e: {  	s29 =	sadd.s32 $0x15E, s14;
	s14 =	simm.s32 $0xAF0  }
0x13f: {  	[tilespmem:s14], [sflag:$0x8] =	stream.linear.gather [hbm4b:s29+s2], $0x190, $0x38;
	[tilespmem:$0x19C80] =	vst v63  }
0x140: {  	_ =	swait.ge [sflag:s0], $0x6400  }
0x141: {  	[sflag:s0] =	ssyncset.done $0x0  }
0x142: {  	s30 =	sadd.s32 $0xFFFF5100, s26;
	[sflag:s0] =	ssyncadd.s32 $0xFFFF9C00  }
0x143: {  	[hbm4b:s30+s1] =	stream.strided.scatter [tilespmem:s16], [sflag:$0xD], $0x6400, s5, s1, $0x38;
	[tilespmem:$0x19C80] =	vst v63  }
0x144: {  	_ =	swait.ge [sflag:s6], $0x6400  }
0x145: {  	[sflag:s6] =	ssyncset.done $0x0  }
0x146: {  	s31 =	sadd.s32 $0xFFFF6A00, s26;
	[sflag:s6] =	ssyncadd.s32 $0xFFFF9C00  }
0x147: {  	[hbm4b:s31+s1] =	stream.strided.scatter [tilespmem:s19], [sflag:$0xE], $0x6400, s5, s1, $0x38;
	[tilespmem:$0x19C80] =	vst v63  }
0x148: {  	_ =	swait.ge [sflag:s7], $0x6400  }
0x149: {  	[sflag:s7] =	ssyncset.done $0x0  }
0x14a: {  	s29 =	sadd.s32 $0xFFFF8300, s26;
	[sflag:s7] =	ssyncadd.s32 $0xFFFF9C00  }
0x14b: {  	[hbm4b:s29+s1] =	stream.strided.scatter [tilespmem:s22], [sflag:$0xF], $0x6400, s5, s1, $0x38;
	[tilespmem:$0x19C80] =	vst v63  }
0x14c: {  	_ =	swait.ge [sflag:s8], $0x6400  }
0x14d: {  	[sflag:s8] =	ssyncset.done $0x0  }
0x14e: {  	s30 =	sadd.s32 $0xFFFF9C00, s26;
	s29 =	simm.s32 $0xD;
	[sflag:s8] =	ssyncadd.s32 $0xFFFF9C00  }
0x14f: {  	[hbm4b:s30+s1] =	stream.strided.scatter [tilespmem:s25], [sflag:$0x10], $0x6400, s5, s1, $0x38;
	[tilespmem:$0x19C80] =	vst v63  }
0x150: {  	_ =	swait.ge [sflag:s29], $0x6400  }
0x151: {  	[sflag:s29] =	ssyncset.done $0x0  }
0x152: {  	s31 =	simm.s32 $0x5;
	[sflag:s29] =	ssyncadd.s32 $0xFFFF9C00  }
0x153: {  	_ =	swait.ge [sflag:s31], $0x190  }
0x154: {  	[sflag:s31] =	ssyncset.done $0x0  }
0x155: {  	[sflag:s31] =	ssyncadd.s32 $0xFFFFFE70  }
0x156: {  	[tilespmem:s16], [sflag:$0x9] =	stream.indirect.gather [hbm4b:s3+s15], $0x40, s11, s15, $0xb8;
	[tilespmem:$0x19C80] =	vst v63  }
0x157: {  	s30 =	rddreg [dreg:$0x5];
	s11 =	simm.s32 $0xE  }
0x158: {  	[tilespmem:s18], [sflag:$0x9] =	stream.indirect.gather [hbm4b:s3+s15], $0x40, s30, s15, $0xb8;
	[tilespmem:$0x19C80] =	vst v63  }
0x159: {  	_ =	swait.ge [sflag:s11], $0x6400  }
0x15a: {  	[sflag:s11] =	ssyncset.done $0x0  }
0x15b: {  	s31 =	simm.s32 $0x6;
	[sflag:s11] =	ssyncadd.s32 $0xFFFF9C00  }
0x15c: {  	_ =	swait.ge [sflag:s31], $0x190  }
0x15d: {  	[sflag:s31] =	ssyncset.done $0x0  }
0x15e: {  	[sflag:s31] =	ssyncadd.s32 $0xFFFFFE70  }
0x15f: {  	[tilespmem:s19], [sflag:$0xA] =	stream.indirect.gather [hbm4b:s3+s15], $0x40, s12, s15, $0xb8;
	[tilespmem:$0x19C80] =	vst v63  }
0x160: {  	s30 =	simm.s32 $0xF;
	s18 =	rddreg [dreg:$0x6]  }
0x161: {  	[tilespmem:s21], [sflag:$0xA] =	stream.indirect.gather [hbm4b:s3+s15], $0x40, s18, s15, $0xb8;
	[tilespmem:$0x19C80] =	vst v63  }
0x162: {  	_ =	swait.ge [sflag:s30], $0x6400  }
0x163: {  	[sflag:s30] =	ssyncset.done $0x0  }
0x164: {  	[sflag:s30] =	ssyncadd.s32 $0xFFFF9C00  }
0x165: {  	_ =	swait.ge [sflag:s17], $0x190  }
0x166: {  	[sflag:s17] =	ssyncset.done $0x0  }
0x167: {  	[sflag:s17] =	ssyncadd.s32 $0xFFFFFE70  }
0x168: {  	[tilespmem:s22], [sflag:$0xB] =	stream.indirect.gather [hbm4b:s3+s15], $0x40, s13, s15, $0xb8;
	[tilespmem:$0x19C80] =	vst v63  }
0x169: {  	s31 =	rddreg [dreg:$0x7]  }
0x16a: {  	[tilespmem:s10], [sflag:$0xB] =	stream.indirect.gather [hbm4b:s3+s15], $0x40, s31, s15, $0xb8;
	[tilespmem:$0x19C80] =	vst v63  }
0x16b: {  	_ =	swait.ge [sflag:s20], $0x6400  }
0x16c: {  	[sflag:s20] =	ssyncset.done $0x0  }
0x16d: {  	[sflag:s20] =	ssyncadd.s32 $0xFFFF9C00  }
0x16e: {  	_ =	swait.ge [sflag:s23], $0x190  }
0x16f: {  	[sflag:s23] =	ssyncset.done $0x0  }
0x170: {  	p0 =	seq.s32 s28, $0x3070;
	[sflag:s23] =	ssyncadd.s32 $0xFFFFFE70  }
0x171: {  	[tilespmem:s25], [sflag:$0xC] =	stream.indirect.gather [hbm4b:s3+s15], $0x40, s14, s15, $0xb8;
	[tilespmem:$0x19C80] =	vst v63  }
0x172: {  	s4 =	sadd.s32 @!p0 s28, s9;
	s18 =	rddreg [dreg:$0x8]  }
0x173: {  	[tilespmem:s24], [sflag:$0xC] =	stream.indirect.gather [hbm4b:s3+s15], $0x40, s18, s15, $0xb8;
	[tilespmem:$0x19C80] =	vst v63  }
0x174: {  	s14 =	simm.s32 @!p0 $0x0;
	s18 =	sadd.s32 @!p0 $0x190, s4  }
0x175: {  	[tilespmem:s14], [sflag:$0x1] =	stream.linear.gather @!p0 [hbm4b:s18+s14], $0x190, $0x38;
	[tilespmem:$0x19C80] =	vst v63  }
0x176: {  	s21 =	simm.s32 @!p0 $0x190;
	s18 =	sadd.s32 @!p0 $0x1C2, s4  }
0x177: {  	[tilespmem:s21], [sflag:$0x2] =	stream.linear.gather @!p0 [hbm4b:s18+s14], $0x190, $0x38;
	[tilespmem:$0x19C80] =	vst v63  }
0x178: {  	s18 =	sadd.s32 @!p0 $0x1F4, s4;
	s21 =	simm.s32 @!p0 $0x320  }
0x179: {  	[tilespmem:s21], [sflag:$0x3] =	stream.linear.gather @!p0 [hbm4b:s18+s14], $0x190, $0x38;
	[tilespmem:$0x19C80] =	vst v63  }
0x17a: {  	s4 =	sadd.s32 @!p0 $0x226, s4;
	s18 =	simm.s32 @!p0 $0x4B0  }
0x17b: {  	[tilespmem:s18], [sflag:$0x4] =	stream.linear.gather @!p0 [hbm4b:s4+s14], $0x190, $0x38;
	[tilespmem:$0x19C80] =	vst v63  }
0x17c: {  	_ =	swait.ge [sflag:s0], $0x6400  }
0x17d: {  	[sflag:s0] =	ssyncset.done $0x0  }
0x17e: {  	s21 =	sadd.s32 $0xFFFFB500, s26;
	[sflag:s0] =	ssyncadd.s32 $0xFFFF9C00  }
0x17f: {  	[hbm4b:s21+s1] =	stream.strided.scatter [tilespmem:s16], [sflag:$0xD], $0x6400, s5, s1, $0x38;
	[tilespmem:$0x19C80] =	vst v63  }
0x180: {  	_ =	swait.ge [sflag:s6], $0x6400  }
0x181: {  	[sflag:s6] =	ssyncset.done $0x0  }
0x182: {  	s24 =	sadd.s32 $0xFFFFCE00, s26;
	[sflag:s6] =	ssyncadd.s32 $0xFFFF9C00  }
0x183: {  	[hbm4b:s24+s1] =	stream.strided.scatter [tilespmem:s19], [sflag:$0xE], $0x6400, s5, s1, $0x38;
	[tilespmem:$0x19C80] =	vst v63  }
0x184: {  	_ =	swait.ge [sflag:s7], $0x6400  }
0x185: {  	[sflag:s7] =	ssyncset.done $0x0  }
0x186: {  	s28 =	sadd.s32 $0xFFFFE700, s26;
	[sflag:s7] =	ssyncadd.s32 $0xFFFF9C00  }
0x187: {  	[hbm4b:s28+s1] =	stream.strided.scatter [tilespmem:s22], [sflag:$0xF], $0x6400, s5, s1, $0x38;
	[tilespmem:$0x19C80] =	vst v63  }
0x188: {  	_ =	swait.ge [sflag:s8], $0x6400  }
0x189: {  	[sflag:s8] =	ssyncset.done $0x0  }
0x18a: {  	[sflag:s8] =	ssyncadd.s32 $0xFFFF9C00  }
0x18b: {  	[hbm4b:s26+s1] =	stream.strided.scatter [tilespmem:s25], [sflag:$0x10], $0x6400, s5, s1, $0x38;
	[tilespmem:$0x19C80] =	vst v63  }
0x18c: {  	_ =	swait.ge [sflag:s29], $0x6400  }
0x18d: {  	[sflag:s29] =	ssyncset.done $0x0  }
0x18e: {  	[sflag:s29] =	ssyncadd.s32 $0xFFFF9C00  }
0x18f: {  	_ =	swait.ge [sflag:s11], $0x6400  }
0x190: {  	[sflag:s11] =	ssyncset.done $0x0  }
0x191: {  	[sflag:s11] =	ssyncadd.s32 $0xFFFF9C00  }
0x192: {  	_ =	swait.ge [sflag:s30], $0x6400  }
0x193: {  	[sflag:s30] =	ssyncset.done $0x0  }
0x194: {  	[sflag:s30] =	ssyncadd.s32 $0xFFFF9C00  }
0x195: {  	_ =	swait.ge [sflag:s20], $0x6400  }
0x196: {  	s30 =	rddreg [dreg:$0xf]  }
0x197: {  	s31 =	rddreg [dreg:$0xd];
	s10 =	sadd.s32 $0x1, s30  }
0x198: {  	p0 =	sne.s32 s10, s31  }
.Ltmp1:
0x199: {  	_ = 	snop;
	(pc) =	sbr.rel @p0 .LBB2_1-.Ltmp1, $3  }
0x19a: {  	_ =	sdelay $0x1  }
0x19b: {  	[sflag:s20] =	ssyncset.done $0x0  }
0x19c: {  	[sflag:s20] =	ssyncadd.s32 $0xFFFF9C00  }
0x19d: {  	_ =	sfence.sel $0x180000  }
0x19e: {  	[bflag:$0x0] =	sbarrier.arrive $0xFFFF  }
0x19f: {  	_ =	strace $0x90000047  }
0x1a0: {  	s0 =	stileid.u32;
	[bflag:$0x2] =	sbarrier.arrive $0xFFFF  }
0x1a1: {  	p0 =	sne.s32 s0, $0x0;
	s0 =	rddreg [dreg:$0x1]  }
0x1a2: {  	s0 =	sadd.s32 @!p0 $0x100000, s0  }
0x1a3: {  	[sflag:s0] =	ssyncadd.tile.s32 @!p0 $0x1;
	_ =	shalt  }
.Lfunc_end2:
_tile_overlayer_lowered:
.L_overlay_start_2:
0x1a4: {  	(tag) =	ssettag $0x2  }
0x1a5: {  	s0 =	rddreg [dreg:$0x0];
	s2 =	stileid.u32  }
0x1a6: {  	s1 =	rddreg [dreg:$0x1];
	p0 =	sne.s32 s2, $0x0  }
0x1a7: {  	s3 =	rddreg [dreg:$0x2];
	[bflag:$0x3] =	sbarrier.arrive $0xFFFF;
	s2 =	simm.s32 @!p0 $0x1C11  }
0x1a8: {  	[timem:s3], [sflag:s2] =	dma.local @!p0 [hbm:s0], s1  }
0x1a9: {  	s0 =	simm.s32 @!p0 $0x11  }
0x1aa: {  	_ =	swait.ge @!p0 [sflag:s0], s1  }
0x1ab: {  	s1 =	ssub.s32 @!p0 $0x0, s1;
	[sflag:s0] =	ssyncset.done @!p0 $0x0  }
0x1ac: {  	[sflag:s0] =	ssyncadd.s32 @!p0 s1  }
0x1ad: {  	[bflag:$0x3] =	sbarrier.arrive $0xFFFF  }
0x1ae: {  	_ =	shalt  }

// kernel: sparse-core-data-format-call.cloned.1.call-start
scs
called_computation_lowered:
.L_overlay_start_0:
0x0: {  	s2 =	sld [smem:$0x3FD9]  }
0x1: {  	s3 =	sld [smem:$0x3FFE];
	_ =	sdelay $0x1  }
0x2: {  	s1 =	srdreg.scid  }
0x3: {  	s0 =	sand.u32 $0x1, s1  }
0x4: {  	s18 =	sshll.u32 s0, $0xA;
	s2 =	sadd.s32 s3, s2  }
0x5: {  	s2 =	sadd.s32 s2, s18  }
0x6: {  	[smem:$0x3FC6] =	sst s2  }
0x7: {  	_ = 	snop  }
0x8: {  	s2 =	sld [smem:$0x3FD0];
	(tm) =	ssettm $0x1  }
0x9: {  	s19 =	sld [smem:$0x3FFB];
	_ =	sdelay $0x3  }
0xa: {  	_ =	strace s19  }
0xb: {  	s3 =	sld [smem:$0x3FFC];
	_ =	sdelay $0x3  }
0xc: {  	_ =	strace s3  }
0xd: {  	s3 =	sld [smem:$0x3FFD];
	_ =	sdelay $0x3  }
0xe: {  	_ =	strace s3  }
0xf: {  	_ =	strace $0x8FFFFFFF  }
0x10: {  	s20 =	sld [smem:$0x3FDB];
	_ =	sdelay $0x1  }
0x11: {  	s4 =	simm.s32 $_scs_section_size  }
0x12: {  	s5 =	simm.s32 $_size__tile_overlayer_lowered;
	s6 =	simm.s32 $_tile_overlayer_lowered  }
0x13: {  	s23 =	simm.s32 $0x1BFF;
	s22 =	sshll.u32 s6, $0x1;
	s3 =	sadd.s32 s4, s20  }
0x14: {  	s7 =	simm.s32 $0x0;
	s21 =	sshll.u32 s5, $0x1;
	s5 =	sadd.s32 s22, s3  }
0x15: {  	[timem:s7], [sflag:s23] =	dma.local [hbm:s5], s21  }
0x16: {  	_ =	swait.ge [sflag:s23], s21  }
0x17: {  	s4 =	ssub.s32 $0x0, s21;
	[sflag:s23] =	ssyncset.done $0x0  }
0x18: {  	[sflag:s23] =	ssyncadd.s32 s4;
	_ =	sdelay $0x1  }
0x19: {  	s24 =	simm.s32 $0x1B8B  }
0x1a: {  	_ =	swait.ge [sflag:s24], $0x1  }
0x1b: {  	[sflag:s24] =	ssyncset.done $0x0  }
0x1c: {  	s26 =	simm.s32 $0x1B8E;
	s25 =	sld [smem:$0x3FFE];
	[sflag:s24] =	ssyncadd.s32 $0xFFFFFFFF  }
0x1d: {  	s27 =	simm.s32 $execute0_lowered;
	[smem:$0x3FD2] =	sst s26  }
0x1e: {  	s5 =	sshll.u32 s27, $0x1;
	_ =	strace $0x80000049;
	[dreg:$0x1] =	wrdreg $0xFFFFFFFF  }
0x1f: {  	s28 =	simm.s32 $_size_execute0_lowered;
	s3 =	sadd.s32 s3, s5;
	[dreg:$0x0] =	wrdreg $0x0  }
0x20: {  	s5 =	sshll.u32 s28, $0x1;
	[dreg:$0x2] =	wrdreg s3  }
0x21: {  	[dreg:$0x3] =	wrdreg s5  }
0x22: {  	[dreg:$0x4] =	wrdreg $0xC0  }
0x23: {  	_ =	task [dreg:s7], $0x5FFFF  }
0x24: {  	[dreg:$0x1] =	wrdreg $0xFFFFFFFF  }
0x25: {  	[dreg:$0x0] =	wrdreg $0x60  }
0x26: {  	[dreg:$0x2] =	wrdreg s25  }
0x27: {  	[dreg:$0x3] =	wrdreg s2  }
0x28: {  	[dreg:$0x4] =	wrdreg $0x9  }
0x29: {  	_ =	task.clear_ibuf [dreg:s7], $0x5FFFF;
	_ =	strace $0x90000049  }
0x2a: {  	s29 =	simm.s32 $0x9;
	_ =	strace $0x8000004B  }
0x2b: {  	_ =	swait.ge [sflag:s29], $0x1  }
0x2c: {  	[sflag:s29] =	ssyncadd.s32 $0xFFFFFFFF  }
0x2d: {  	_ =	strace $0x9000004B  }
0x2e: {  	_ =	sfence  }
0x2f: {  	s30 =	sld [smem:$0x0];
	_ =	sdelay $0x2  }
0x30: {  	s31 =	sshll.u32 s1, $0xD;
	s1 =	sshrl.u32 s1, $0x2  }
0x31: {  	s3 =	sand.u32 $0x4000, s31;
	s1 =	sadd.s32 s1, s30  }
0x32: {  	s0 =	sor.u32 s3, s0;
	s1 =	sshll.u32 s1, $0x11  }
0x33: {  	s0 =	sor.u32 s1, s0  }
0x34: {  	s0 =	sadd.s32 $0x8F2B, s0  }
0x35: {  	[sflag:s0] =	ssyncadd.remote.s32 $0x1  }
0x36: {  	_ =	sfence.sel $0xFFFF  }
0x37: {  	[dreg:$0x0] =	wrdreg $0xFFFFFFFF;
	(pc) =	sbr.abs _section_cstart, $3  }
0x38: {  	[dreg:$0x1] =	wrdreg $0xFFFFFFFF  }
0x39: {  	_ =	task.clear_ibuf [dreg:s7], $0x2FFFF;
	_ =	strace $0x9FFFFFFF  }
0x3a: {  	(tm) =	ssettm $0x7FFFFFFF  }
0x3b: {  	_ =	shalt  }
tec
execute0_lowered:
.L_overlay_start_1:
0x0: {  	(tag) =	ssettag $0x1  }
0x1: {  	s0 =	srdreg.scid  }
0x2: {  	s1 =	sshll.u32 s0, $0x4  }
0x3: {  	s0 =	stileid.u32;
	s1 =	sand.u32 $0x10, s1  }
0x4: {  	s1 =	sor.u32 s0, s1  }
0x5: {  	s6 =	rddreg [dreg:$0x0];
	s4 =	simm.s32 $0x1;
	s2 =	sshll.u32 s1, $0x7  }
0x6: {  	s7 =	simm.s32 $0x2;
	s12 =	simm.s32 $0x0;
	s1 =	ssub.s32 $0x4000, s2  }
0x7: {  	s8 =	simm.s32 $0x20000;
	s13 =	simm.s32 $0x0;
	s3 =	sand.u32 $0xF80, s1  }
0x8: {  	s9 =	simm.s32 $0x0;
	s5 =	sshrl.u32 s1, $0xC;
	p0 =	sne.s32 s3, $0x0  }
.Ltmp0:
0x9: {  	s1 =	rddreg [dreg:$0x2];
	s4 =	simm.s32 @!p0 $0x0;
	(pc) =	sbr.rel .LBB1_1-.Ltmp0, $4  }
0xa: {  	s11 =	simm.s32 $0x0;
	s3 =	rddreg [dreg:$0x1];
	s5 =	sadd.s32 s4, s5  }
0xb: {  	_ =	strace $0x8000004A;
	s4 =	simm.s32 $0x1;
	s5 =	smul.u32 $0xC8, s5  }
0xc: {  	s6 =	sadd.s32 $0x805A00, s6;
	s10 =	smov.u32 s2;
	[sflag:s4] =	ssyncpa.u1 $0x0  }
0xd: {  	p0 =	por $0x0, $0x0;
	[sflag:s7] =	ssyncpa.u1 $0x0;
	s7 =	sor.u32 $0x1, s5  }
.LBB1_4:
0xe: {  	s16 =	sshll.u32 s13, $0x3;
	s17 =	sand.u32 $0x78, s13  }
0xf: {  	s30 =	sand.u32 $0x1F800, s13;
	s12 =	sshll.u32 s12, $0x11;
	s16 =	sand.u32 $0x3C00, s16  }
0x10: {  	[tilespmem:s15+$0x810 ss:$0x81] =	vst.msk $0xffff, v2;
	s31 =	sand.u32 $0x7, s13;
	s16 =	sor.u32 s17, s16;
	s17 =	sadd.s32 s3, s30  }
0x11: {  	[tilespmem:s15+$0x1020 ss:$0x81] =	vst.msk $0xffff, v0;
	s13 =	sshll.u32 s31, $0x12;
	s12 =	sadd.s32 s12, s17;
	s16 =	sshrl.u32 s16, $0x3  }
0x12: {  	[tilespmem:s15+$0x0 ss:$0x81] =	vst.msk $0xffff, v1;
	s13 =	sor.u32 $0x400, s13;
	s12 =	sadd.s32 s16, s12  }
0x13: {  	[hbm4b:s12+s13] =	stream.strided.scatter [tilespmem:s14], [sflag:$0x2], $0x2000, s8, s13, $0x20;
	[tilespmem:$0x8080] =	vst v63  }
.LBB1_5:
0x14: {  	s14 =	sadd.s32 $0x1, s9  }
0x15: {  	s12 =	sadd.s32 $0x1000, s10;
	s16 =	smov.u32 s10;
	p2 =	sgt.s32 s14, $0xC7  }
0x16: {  	s16 =	smov.u32 @p2 s12  }
0x17: {  	s14 =	simm.s32 @p2 $0x0;
	p2 =	sgt.s32 s16, $0x3FFF  }
0x18: {  	s16 =	smov.u32 @p2 s2;
	p2 =	sne.s32 s11, s7  }
.Ltmp1:
0x19: {  	p1 =	slt.u32 s11, $0x2;
	(pc) =	sbr.rel @!p2 .LBB1_6-.Ltmp1, $4  }
0x1a: {  	s15 =	simm.s32 @!p1 $0x2  }
0x1b: {  	s13 =	smov.u32 s10;
	p0 =	por !p0, !p0;
	_ =	swait.ge @!p1 [sflag:s15], $0x2000  }
0x1c: {  	s12 =	smov.u32 s9;
	[sflag:s15] =	ssyncset.done @!p1 $0x0;
	s9 =	smov.u32 s14  }
0x1d: {  	s11 =	sadd.s32 $0x1, s11;
	[sflag:s15] =	ssyncadd.s32 @!p1 $0xFFFFE000;
	s10 =	smov.u32 s16  }
.LBB1_1:
0x1e: {  	p1 =	sge.u32 s11, s5  }
0x1f: {  	s14 =	sand.u32 @!p1 $0x1FFFFFF, s9  }
0x20: {  	s15 =	smulhi.u32 @!p1 $0x147AE15, s14;
	_ =	sdelay $0x1  }
0x21: {  	s15 =	smul.u32 @!p1 $0xC8, s15  }
0x22: {  	s16 =	sxor.u32 @!p1 $0xFFFFFFFF, s11;
	s17 =	smul.u32 @!p1 $0xC80, s10  }
0x23: {  	s31 =	sadd.s32 $0xFFFFFFFF, s11;
	s16 =	sshll.u32 @!p1 s16, $0xD;
	s14 =	ssub.s32 @!p1 s14, s15  }
0x24: {  	s15 =	sand.u32 @!p1 $0x2000, s16;
	s16 =	sadd.s32 @!p1 s6, s17;
	s14 =	sshll.u32 @!p1 s14, $0x4  }
0x25: {  	s17 =	simm.s32 @!p1 $0x6400;
	s14 =	sadd.s32 @!p1 s14, s16;
	s16 =	simm.s32 @!p1 $0x40  }
0x26: {  	[tilespmem:s15], [sflag:$0x1] =	stream.strided.gather @!p1 [hbm4b:s14+s16], $0x2000, s17, s16, $0x38;
	[tilespmem:$0x8080] =	vst v63  }
0x27: {  	p1 =	sge.u32 s31, s5  }
.Ltmp2:
0x28: {  	_ = 	snop;
	(pc) =	sbr.rel @p1 .LBB1_5-.Ltmp2, $1  }
0x29: {  	_ =	sdelay $0x3  }
0x2a: {  	s14 =	simm.s32 $0x1  }
0x2b: {  	_ =	swait.ge [sflag:s4], $0x2000;
	s14 =	simm.s32 @!p0 $0x0  }
0x2c: {  	[sflag:s4] =	ssyncset.done $0x0;
	s15 =	sshll.u32 s14, $0xD  }
0x2d: {  	[sflag:s4] =	ssyncadd.s32 $0xFFFFE000;
	s18 =	sor.u32 $0x20, s15  }
0x2e: {  	s14 =	smul.u32 $0x8100, s14;
	v3 =	vld [tilespmem:s18+$0x10]  }
0x2f: {  	s30 =	sand.u32 $0x1, s11;
	v2 =	vld [tilespmem:s18+$0xFFFFFFF0]  }
0x30: {  	s15 =	smul.u32 $0x8100, s30;
	s14 =	sshrl.u32 s14, $0x2;
	v0 =	vld [tilespmem:s18+$0x0]  }
0x31: {  	v1 =	vld [tilespmem:s18+$0xFFFFFFE0];
	s16 =	sor.u32 $0x4000, s14  }
0x32: {  	s31 =	sshrl.u32 s15, $0x2;
	s15 =	sadd.s32 $0x0, s16  }
0x33: {  	s17 =	simm.s32 $0x4;
	s18 =	sadd.s32 $0x40, s18;
	s14 =	sor.u32 $0x4000, s31;
	[tilespmem:s15+$0x1830 ss:$0x81] =	vst.msk $0xffff, v3  }
.LBB1_3:
0x34: {  	v3 =	vld [tilespmem:s18+$0x10];
	p1 =	sne.s32 s17, $0x1FC;
	[tilespmem:s15+$0x810 ss:$0x81] =	vst.msk $0xffff, v2;
	s19 =	smov.u32 s17;
	s17 =	sadd.s32 $0x4, s17  }
.Ltmp3:
0x35: {  	v2 =	vld [tilespmem:s18+$0xFFFFFFF0];
	[tilespmem:s15+$0x1020 ss:$0x81] =	vst.msk $0xffff, v0;
	(pc) =	sbr.rel @p1 .LBB1_3-.Ltmp3, $4  }
0x36: {  	v0 =	vld [tilespmem:s18+$0x0];
	[tilespmem:s15+$0x0 ss:$0x81] =	vst.msk $0xffff, v1  }
0x37: {  	s15 =	sshra.s32 s19, $0x2;
	v1 =	vld [tilespmem:s18+$0xFFFFFFE0]  }
0x38: {  	s15 =	sadd.s32 s15, s16  }
0x39: {  	s18 =	sadd.s32 $0x40, s18;
	[tilespmem:s15+$0x1830 ss:$0x81] =	vst.msk $0xffff, v3  }
.Ltmp4:
0x3a: {  	_ = 	snop;
	(pc) =	sbr.rel .LBB1_4-.Ltmp4, $1  }
0x3b: {  	_ =	sdelay $0x3  }
.LBB1_6:
0x3c: {  	_ =	sfence.sel $0x180000  }
0x3d: {  	s2 =	simm.s32 $0x1;
	[bflag:$0x0] =	sbarrier.arrive $0xFFFF  }
0x3e: {  	s31 =	simm.s32 $0x2;
	[sflag:s2] =	ssyncpa.u1 $0x1  }
0x3f: {  	[sflag:s31] =	ssyncpa.u1 $0x1  }
0x40: {  	p0 =	sne.s32 s0, $0x0;
	_ =	strace $0x9000004A  }
0x41: {  	s0 =	sadd.s32 @!p0 $0x100000, s1;
	[bflag:$0x2] =	sbarrier.arrive $0xFFFF  }
0x42: {  	[sflag:s0] =	ssyncadd.tile.s32 @!p0 $0x1;
	_ =	shalt  }
.Lfunc_end1:
_tile_overlayer_lowered:
.L_overlay_start_2:
0x43: {  	(tag) =	ssettag $0x2  }
0x44: {  	s0 =	rddreg [dreg:$0x0];
	s2 =	stileid.u32  }
0x45: {  	s1 =	rddreg [dreg:$0x1];
	p0 =	sne.s32 s2, $0x0  }
0x46: {  	s3 =	rddreg [dreg:$0x2];
	[bflag:$0x3] =	sbarrier.arrive $0xFFFF;
	s2 =	simm.s32 @!p0 $0x1C01  }
0x47: {  	[timem:s3], [sflag:s2] =	dma.local @!p0 [hbm:s0], s1  }
0x48: {  	s0 =	simm.s32 @!p0 $0x1  }
0x49: {  	_ =	swait.ge @!p0 [sflag:s0], s1  }
0x4a: {  	s1 =	ssub.s32 @!p0 $0x0, s1;
	[sflag:s0] =	ssyncset.done @!p0 $0x0  }
0x4b: {  	[sflag:s0] =	ssyncadd.s32 @!p0 s1  }
0x4c: {  	[bflag:$0x3] =	sbarrier.arrive $0xFFFF  }
0x4d: {  	_ =	shalt  }

</sc_bundles>
